<compile_context>
chip_gen: v7x
topology: tpu7x:2x2x1
jax: 0.10.2.dev20260603
libtpu: 0.0.44.dev20260713+nightly
codegen_flags: <defaults>
</compile_context>

<pallas_src>
import functools

import jax
import jax.numpy as jnp
from jax import lax
from jax.experimental import pallas as pl
from jax.experimental.pallas import tpu as pltpu
from jax.experimental.pallas import tpu_sc as plsc

NB = 1024
L = 16
NTILES = 32
N_TOTAL = 8 * 512 * 512
PER_TILE = N_TOTAL // NTILES
CHUNK = 16384
NCHUNK = PER_TILE // CHUNK
HIST_W = L * NB
UNROLL = 16


ROWS_PER_CHUNK = 32


def _sc_hist_body(p_hbm, g_hbm, hist_hbm, pbuf, gbuf, hist_v,
                  sp0, sg0, sp1, sg1):
    c = lax.axis_index("c")
    s = lax.axis_index("s")
    wid = s * 2 + c
    img = wid // 4
    row0 = (wid % 4) * 128
    lane_off = lax.iota(jnp.int32, L) * NB
    sems = [(sp0, sg0), (sp1, sg1)]

    def start(ci, slot):
        r0 = row0 + ci * ROWS_PER_CHUNK
        sp, sg = sems[slot]
        hp = pltpu.async_copy(p_hbm.at[img, pl.ds(r0, ROWS_PER_CHUNK)],
                              pbuf.at[slot], sp)
        hg = pltpu.async_copy(g_hbm.at[img, pl.ds(r0, ROWS_PER_CHUNK)],
                              gbuf.at[slot], sg)
        return hp, hg

    hands = [start(0, 0), None]

    zero = jnp.zeros((L,), jnp.int32)

    def zero_body(i, carry):
        for u in range(UNROLL):
            hist_v[pl.ds((i * UNROLL + u) * L, L)] = zero
        return carry

    lax.fori_loop(0, HIST_W // L // UNROLL, zero_body, 0)

    for ci in range(NCHUNK):
        slot = ci % 2
        if ci + 1 < NCHUNK:
            hands[(ci + 1) % 2] = start(ci + 1, (ci + 1) % 2)
        hp, hg = hands[slot]
        hp.wait()
        hg.wait()

        def vec_body(i, carry2):
            row = i // 2
            cb = (i % 2) * (UNROLL * L)
            ps = [pbuf[slot, row, pl.ds(cb + u * L, L)] for u in range(UNROLL)]
            gs = [gbuf[slot, row, pl.ds(cb + u * L, L)] for u in range(UNROLL)]
            addrs, vals = [], []
            for u in range(UNROLL):
                e = jnp.abs(gs[u].astype(jnp.float32) - ps[u])
                bin_ = jnp.minimum(e * NB, float(NB - 1)).astype(jnp.int32)
                addrs.append(bin_ + lane_off)
                vals.append(1 + (gs[u] << 16))
            for u in range(UNROLL):
                plsc.addupdate_scatter(hist_v, [addrs[u]], vals[u])
            return carry2

        lax.fori_loop(0, ROWS_PER_CHUNK * 2, vec_body, 0)

    pltpu.sync_copy(hist_v, hist_hbm.at[pl.ds(wid * HIST_W, HIST_W)])


@functools.cache
def _sc_hist():
    return pl.kernel(
        _sc_hist_body,
        out_type=jax.ShapeDtypeStruct((NTILES * HIST_W,), jnp.int32),
        mesh=plsc.VectorSubcoreMesh(core_axis_name="c", subcore_axis_name="s"),
        compiler_params=pltpu.CompilerParams(needs_layout_passes=False,
                                             use_tc_tiling_on_sc=True),
        scratch_types=[
            pltpu.VMEM((2, ROWS_PER_CHUNK, 512), jnp.float32),
            pltpu.VMEM((2, ROWS_PER_CHUNK, 512), jnp.int32),
            pltpu.VMEM((HIST_W,), jnp.int32),
            pltpu.SemaphoreType.DMA,
            pltpu.SemaphoreType.DMA,
            pltpu.SemaphoreType.DMA,
            pltpu.SemaphoreType.DMA,
        ],
    )


NR = NB // 128


def _tc_finish_body(hist_ref, out_ref):
    x = hist_ref[...]
    cnt1 = jnp.sum(x >> 16, axis=1).astype(jnp.float32).reshape(8 * NR, 128)
    cnt = jnp.sum(x & 0xFFFF, axis=1).astype(jnp.float32).reshape(8 * NR, 128)

    ci = lax.broadcasted_iota(jnp.int32, (128, 128), 0)
    cj = lax.broadcasted_iota(jnp.int32, (128, 128), 1)
    upper = jnp.where(ci >= cj, 1.0, 0.0)
    ri = lax.broadcasted_iota(jnp.int32, (8 * NR, 8 * NR), 0)
    rj = lax.broadcasted_iota(jnp.int32, (8 * NR, 8 * NR), 1)
    same = (ri // NR) == (rj // NR)
    strict = jnp.where(same & (rj > ri), 1.0, 0.0)
    blk = jnp.where(same, 1.0, 0.0)

    def mm(a, b):
        return jnp.dot(a, b, preferred_element_type=jnp.float32,
                       precision=lax.Precision.HIGHEST)

    def sfx(m):
        rs = jnp.sum(m, axis=1, keepdims=True)
        return mm(m, upper) + mm(strict, rs), rs

    K, _ = sfx(cnt)
    N1, rs1 = sfx(cnt1)
    G = mm(blk, rs1)
    Ke = K - cnt
    N1e = N1 - cnt1
    u_end = G + K - N1
    u_start = G + Ke - N1e
    j_end = jnp.where(u_end > 0, 1.0 - (G - N1) / u_end, 0.0)
    j_start = jnp.where(u_start > 0, 1.0 - (G - N1e) / u_start, 0.0)
    bin_idx = ((lax.broadcasted_iota(jnp.int32, (8 * NR, 128), 0) % NR) * 128
               + lax.broadcasted_iota(jnp.int32, (8 * NR, 128), 1)
               ).astype(jnp.float32)
    mid = (bin_idx + 0.5) * (1.0 / NB)
    loss = jnp.sum(jnp.where(cnt > 0, mid * (j_end - j_start), 0.0))
    out_ref[...] = jnp.zeros_like(out_ref) + loss * 0.125


def kernel(outputs, targets):
    hist = _sc_hist()(outputs, targets)
    h4 = hist.reshape(8, 4 * L, NR, 128)
    out = pl.pallas_call(
        _tc_finish_body,
        out_shape=jax.ShapeDtypeStruct((1, 1), jnp.float32),
    )(h4)
    return out[0, 0]

# --- scband reference (transcript-rebuilt; emitter-appended) ---
"""Pipeline reference for scband-lovasz-loss-sigmoid-12051678233166 (READ-ONLY COPY).

The authoritative reference and input builder live on the scoring server;
editing this copy changes nothing except your own understanding.
"""

import jax, jax.numpy as jnp
import numpy as np

IGNORE = 255


def _lovasz_grad(gt_sorted, valid_sorted):
    p = gt_sorted.shape[0]
    gt_v = gt_sorted * valid_sorted
    gts = jnp.sum(gt_v)
    intersection = gts - jnp.cumsum(gt_v, 0)
    union = gts + jnp.cumsum((1.0 - gt_sorted) * valid_sorted, 0)
    jaccard = 1.0 - intersection / union
    if p > 1:
        jaccard = jaccard.at[1:].set(jaccard[1:] - jaccard[:-1])
    return jaccard


def _lovasz_sigmoid_flat(probas, labels, valid):
    fg = labels.astype(jnp.float32)
    vmask = valid.astype(jnp.float32)
    errors = jnp.abs(fg - probas)
    # descending sort of errors, matching torch.sort(errors, 0, descending=True);
    # invalid entries are pushed to the end via a -inf sort key (stable sort keeps
    # the relative order of valid entries identical to sorting the valid subset)
    sort_key = jnp.where(valid, errors, -jnp.inf)
    perm = jnp.argsort(-sort_key)
    errors_sorted = errors[perm]
    fg_sorted = fg[perm]
    valid_sorted = vmask[perm]
    grad = jax.lax.stop_gradient(_lovasz_grad(fg_sorted, valid_sorted))
    return jnp.dot(errors_sorted * valid_sorted, grad)


def setup_inputs(seed: int = 0) -> dict:
    key = jax.random.key(seed)
    k1, k2 = jax.random.split(key)
    outputs = jax.random.uniform(k1, (8, 512, 512), dtype=jnp.float32)
    targets = jax.random.randint(k2, (8, 512, 512), 0, 2).astype(jnp.int32)
    return {"outputs": outputs, "targets": targets}


def reference(outputs, targets):
    # per_image=True, ignore=255
    B = outputs.shape[0]
    losses = []
    for b in range(B):
        scores = outputs[b].reshape(-1)
        labels = targets[b].reshape(-1)
        valid = labels != IGNORE
        losses.append(_lovasz_sigmoid_flat(scores, labels, valid))
    return jnp.mean(jnp.stack(losses))

if __name__ == "__main__":
    import jax
    _d = setup_inputs()
    print(jax.jit(kernel)(*tuple(_d.values())))

</pallas_src>

<mosaic_0001>
#map = affine_map<(d0, d1) -> (0, 0, 0)>
#map1 = affine_map<(d0, d1) -> (0)>
module attributes {stable_mosaic.version = 14 : i64} {
  func.func @_sc_hist_body(%arg0: i32, %arg1: i32, %arg2: memref<8x512x512xf32, #tpu.memory_space<hbm>>, %arg3: memref<8x512x512xi32, #tpu.memory_space<hbm>>, %arg4: memref<524288xi32, #tpu.memory_space<hbm>>, %arg5: memref<2x32x512xf32, #tpu.memory_space<vmem>>, %arg6: memref<2x32x512xi32, #tpu.memory_space<vmem>>, %arg7: memref<16384xi32, #tpu.memory_space<vmem>>, %arg8: memref<!tpu.dma_semaphore, #tpu.memory_space<semaphore_mem>>, %arg9: memref<!tpu.dma_semaphore, #tpu.memory_space<semaphore_mem>>, %arg10: memref<!tpu.dma_semaphore, #tpu.memory_space<semaphore_mem>>, %arg11: memref<!tpu.dma_semaphore, #tpu.memory_space<semaphore_mem>>) attributes {dimension_semantics = [#tpu.dimension_semantics<core_parallel>, #tpu.dimension_semantics<subcore_parallel>], iteration_bounds = array<i64: 2, 16>, scalar_prefetch = 0 : i64, scratch_operands = 7 : i64, tpu.core_type = #tpu.core_type<sc_vector_subcore>, window_params = [{transform_indices = #map}, {transform_indices = #map}, {transform_indices = #map1}]} {
    %mul3A = arith.constant 2 : i32
    %mul3A_0 = arith.muli %arg1, %mul3A : i32
    %add3A = arith.addi %mul3A_0, %arg0 : i32
    %jit3A = arith.constant 4 : i32
    %div3A = arith.divsi %add3A, %jit3A : i32
    %sign3A = arith.constant 0 : i32
    %sign3A_1 = arith.cmpi sgt, %add3A, %sign3A : i32
    %sign3A_2 = arith.extui %sign3A_1 : i1 to i32
    %sign3A_3 = arith.constant 0 : i32
    %sign3A_4 = arith.cmpi slt, %add3A, %sign3A_3 : i32
    %sign3A_5 = arith.extui %sign3A_4 : i1 to i32
    %sign3A_6 = arith.subi %sign3A_2, %sign3A_5 : i32
    %sign3A_7 = arith.constant 0 : i32
    %sign3A_8 = arith.cmpi sgt, %jit3A, %sign3A_7 : i32
    %sign3A_9 = arith.extui %sign3A_8 : i1 to i32
    %sign3A_10 = arith.constant 0 : i32
    %sign3A_11 = arith.cmpi slt, %jit3A, %sign3A_10 : i32
    %sign3A_12 = arith.extui %sign3A_11 : i1 to i32
    %sign3A_13 = arith.subi %sign3A_9, %sign3A_12 : i32
    %ne3A = arith.cmpi ne, %sign3A_6, %sign3A_13 : i32
    %rem3A = arith.remsi %add3A, %jit3A : i32
    %ne3A_14 = arith.constant 0 : i32
    %ne3A_15 = arith.cmpi ne, %rem3A, %ne3A_14 : i32
    %and3A = arith.andi %ne3A, %ne3A_15 : i1
    %sub3A = arith.constant 1 : i32
    %sub3A_16 = arith.subi %div3A, %sub3A : i32
    %select_n3A = arith.select %and3A, %sub3A_16, %div3A : i32
    %jit3A_17 = arith.constant 4 : i32
    %eq3A = arith.constant 0 : i32
    %eq3A_18 = arith.cmpi eq, %jit3A_17, %eq3A : i32
    %jit3A_19 = arith.constant 1 : i32
    %select_n3A_20 = arith.select %eq3A_18, %jit3A_19, %jit3A_17 : i32
    %rem3A_21 = arith.remsi %add3A, %select_n3A_20 : i32
    %ne3A_22 = arith.constant 0 : i32
    %ne3A_23 = arith.cmpi ne, %rem3A_21, %ne3A_22 : i32
    %lt3A = arith.constant 0 : i32
    %lt3A_24 = arith.cmpi slt, %rem3A_21, %lt3A : i32
    %lt3A_25 = arith.constant 0 : i32
    %lt3A_26 = arith.cmpi slt, %select_n3A_20, %lt3A_25 : i32
    %ne3A_27 = arith.xori %lt3A_24, %lt3A_26 : i1
    %and3A_28 = arith.andi %ne3A_27, %ne3A_23 : i1
    %add3A_29 = arith.addi %rem3A_21, %select_n3A_20 : i32
    %select_n3A_30 = arith.select %and3A_28, %add3A_29, %rem3A_21 : i32
    %mul3A_31 = arith.constant 128 : i32
    %mul3A_32 = arith.muli %select_n3A_30, %mul3A_31 : i32
    %iota3A = tpu.iota {dimensions = array<i32: 0>} : vector<16xi32>
    %mul3A_33 = arith.constant 1024 : i32
    %mul3A_34 = vector.broadcast %mul3A_33 : i32 to vector<16xi32>
    %mul3A_35 = arith.muli %iota3A, %mul3A_34 : vector<16xi32>
    %add3A_36 = arith.constant 0 : i32
    %add3A_37 = arith.addi %mul3A_32, %add3A_36 : i32
    %dma_start3A = arith.constant 0 : i32
    %dma_start3A_38 = arith.constant 0 : i32
    %dma_start3A_39 = arith.constant 0 : i32
    %dma_start3A_40 = tpu.memref_slice %arg5[%dma_start3A, %dma_start3A_38, %dma_start3A_39] : memref<2x32x512xf32, #tpu.memory_space<vmem>> -> memref<1x32x512xf32, #tpu.memory_space<vmem>>
    %dma_start3A_41 = tpu.memref_squeeze %dma_start3A_40 : memref<1x32x512xf32, #tpu.memory_space<vmem>> -> memref<32x512xf32, #tpu.memory_space<vmem>>
    %dma_start3A_42 = arith.constant 0 : i32
    %dma_start3A_43 = tpu.memref_slice %arg2[%select_n3A, %add3A_37, %dma_start3A_42] : memref<8x512x512xf32, #tpu.memory_space<hbm>> -> memref<1x32x512xf32, #tpu.memory_space<hbm>>
    %dma_start3A_44 = tpu.memref_squeeze %dma_start3A_43 : memref<1x32x512xf32, #tpu.memory_space<hbm>> -> memref<32x512xf32, #tpu.memory_space<hbm>>
    %dma_start3A_45 = arith.constant 0 : i32
    %dma_start3A_46 = arith.constant 0 : i32
    %dma_start3A_47 = tpu.memref_slice %arg5[%dma_start3A, %dma_start3A_45, %dma_start3A_46] : memref<2x32x512xf32, #tpu.memory_space<vmem>> -> memref<1x32x512xf32, #tpu.memory_space<vmem>>
    %dma_start3A_48 = tpu.memref_squeeze %dma_start3A_47 : memref<1x32x512xf32, #tpu.memory_space<vmem>> -> memref<32x512xf32, #tpu.memory_space<vmem>>
    %dma_start3A_49 = arith.constant 0 : i32
    %dma_start3A_50 = tpu.memref_slice %arg2[%select_n3A, %add3A_37, %dma_start3A_49] : memref<8x512x512xf32, #tpu.memory_space<hbm>> -> memref<1x32x512xf32, #tpu.memory_space<hbm>>
    %dma_start3A_51 = tpu.memref_squeeze %dma_start3A_50 : memref<1x32x512xf32, #tpu.memory_space<hbm>> -> memref<32x512xf32, #tpu.memory_space<hbm>>
    tpu.enqueue_dma source(%dma_start3A_51 : memref<32x512xf32, #tpu.memory_space<hbm>>) target(%dma_start3A_48 : memref<32x512xf32, #tpu.memory_space<vmem>>) target_semaphore(%arg8 : memref<!tpu.dma_semaphore, #tpu.memory_space<semaphore_mem>>)
    %dma_start3A_52 = arith.constant 0 : i32
    %dma_start3A_53 = arith.constant 0 : i32
    %dma_start3A_54 = arith.constant 0 : i32
    %dma_start3A_55 = tpu.memref_slice %arg6[%dma_start3A_52, %dma_start3A_53, %dma_start3A_54] : memref<2x32x512xi32, #tpu.memory_space<vmem>> -> memref<1x32x512xi32, #tpu.memory_space<vmem>>
    %dma_start3A_56 = tpu.memref_squeeze %dma_start3A_55 : memref<1x32x512xi32, #tpu.memory_space<vmem>> -> memref<32x512xi32, #tpu.memory_space<vmem>>
    %dma_start3A_57 = arith.constant 0 : i32
    %dma_start3A_58 = tpu.memref_slice %arg3[%select_n3A, %add3A_37, %dma_start3A_57] : memref<8x512x512xi32, #tpu.memory_space<hbm>> -> memref<1x32x512xi32, #tpu.memory_space<hbm>>
    %dma_start3A_59 = tpu.memref_squeeze %dma_start3A_58 : memref<1x32x512xi32, #tpu.memory_space<hbm>> -> memref<32x512xi32, #tpu.memory_space<hbm>>
    %dma_start3A_60 = arith.constant 0 : i32
    %dma_start3A_61 = arith.constant 0 : i32
    %dma_start3A_62 = tpu.memref_slice %arg6[%dma_start3A_52, %dma_start3A_60, %dma_start3A_61] : memref<2x32x512xi32, #tpu.memory_space<vmem>> -> memref<1x32x512xi32, #tpu.memory_space<vmem>>
    %dma_start3A_63 = tpu.memref_squeeze %dma_start3A_62 : memref<1x32x512xi32, #tpu.memory_space<vmem>> -> memref<32x512xi32, #tpu.memory_space<vmem>>
    %dma_start3A_64 = arith.constant 0 : i32
    %dma_start3A_65 = tpu.memref_slice %arg3[%select_n3A, %add3A_37, %dma_start3A_64] : memref<8x512x512xi32, #tpu.memory_space<hbm>> -> memref<1x32x512xi32, #tpu.memory_space<hbm>>
    %dma_start3A_66 = tpu.memref_squeeze %dma_start3A_65 : memref<1x32x512xi32, #tpu.memory_space<hbm>> -> memref<32x512xi32, #tpu.memory_space<hbm>>
    tpu.enqueue_dma source(%dma_start3A_66 : memref<32x512xi32, #tpu.memory_space<hbm>>) target(%dma_start3A_63 : memref<32x512xi32, #tpu.memory_space<vmem>>) target_semaphore(%arg9 : memref<!tpu.dma_semaphore, #tpu.memory_space<semaphore_mem>>)
    %broadcast_in_dim3A = arith.constant 0 : i32
    %broadcast_in_dim3A_67 = vector.broadcast %broadcast_in_dim3A : i32 to vector<16xi32>
    %scan3A = arith.constant 0 : i32
    %scan3A_68 = arith.constant 0 : i32
    %scan3A_69 = arith.constant 64 : i32
    %scan3A_70 = arith.addi %scan3A_68, %scan3A_69 : i32
    %scan3A_71 = arith.constant 1 : i32
    scf.for %scan3A_314 = %scan3A_68 to %scan3A_70 step %scan3A_71  : i32 {
      %mul3A_315 = arith.constant 16 : i32
      %mul3A_316 = arith.muli %scan3A_314, %mul3A_315 : i32
      %add3A_317 = arith.constant 0 : i32
      %add3A_318 = arith.addi %mul3A_316, %add3A_317 : i32
      %mul3A_319 = arith.constant 16 : i32
      %mul3A_320 = arith.muli %add3A_318, %mul3A_319 : i32
      %swap3A = arith.index_cast %mul3A_320 : i32 to index
      %swap3A_321 = tpu.vector_load %arg7[%swap3A] {strides = array<i32>} : memref<16384xi32, #tpu.memory_space<vmem>>, vector<16xi32>,
      tpu.vector_store %arg7[%swap3A], %broadcast_in_dim3A_67 {strides = array<i32>} : memref<16384xi32, #tpu.memory_space<vmem>>, vector<16xi32>,
      %mul3A_322 = arith.constant 16 : i32
      %mul3A_323 = arith.muli %scan3A_314, %mul3A_322 : i32
      %add3A_324 = arith.constant 1 : i32
      %add3A_325 = arith.addi %mul3A_323, %add3A_324 : i32
      %mul3A_326 = arith.constant 16 : i32
      %mul3A_327 = arith.muli %add3A_325, %mul3A_326 : i32
      %swap3A_328 = arith.index_cast %mul3A_327 : i32 to index
      %swap3A_329 = tpu.vector_load %arg7[%swap3A_328] {strides = array<i32>} : memref<16384xi32, #tpu.memory_space<vmem>>, vector<16xi32>,
      tpu.vector_store %arg7[%swap3A_328], %broadcast_in_dim3A_67 {strides = array<i32>} : memref<16384xi32, #tpu.memory_space<vmem>>, vector<16xi32>,
      %mul3A_330 = arith.constant 16 : i32
      %mul3A_331 = arith.muli %scan3A_314, %mul3A_330 : i32
      %add3A_332 = arith.constant 2 : i32
      %add3A_333 = arith.addi %mul3A_331, %add3A_332 : i32
      %mul3A_334 = arith.constant 16 : i32
      %mul3A_335 = arith.muli %add3A_333, %mul3A_334 : i32
      %swap3A_336 = arith.index_cast %mul3A_335 : i32 to index
      %swap3A_337 = tpu.vector_load %arg7[%swap3A_336] {strides = array<i32>} : memref<16384xi32, #tpu.memory_space<vmem>>, vector<16xi32>,
      tpu.vector_store %arg7[%swap3A_336], %broadcast_in_dim3A_67 {strides = array<i32>} : memref<16384xi32, #tpu.memory_space<vmem>>, vector<16xi32>,
      %mul3A_338 = arith.constant 16 : i32
      %mul3A_339 = arith.muli %scan3A_314, %mul3A_338 : i32
      %add3A_340 = arith.constant 3 : i32
      %add3A_341 = arith.addi %mul3A_339, %add3A_340 : i32
      %mul3A_342 = arith.constant 16 : i32
      %mul3A_343 = arith.muli %add3A_341, %mul3A_342 : i32
      %swap3A_344 = arith.index_cast %mul3A_343 : i32 to index
      %swap3A_345 = tpu.vector_load %arg7[%swap3A_344] {strides = array<i32>} : memref<16384xi32, #tpu.memory_space<vmem>>, vector<16xi32>,
      tpu.vector_store %arg7[%swap3A_344], %broadcast_in_dim3A_67 {strides = array<i32>} : memref<16384xi32, #tpu.memory_space<vmem>>, vector<16xi32>,
      %mul3A_346 = arith.constant 16 : i32
      %mul3A_347 = arith.muli %scan3A_314, %mul3A_346 : i32
      %add3A_348 = arith.constant 4 : i32
      %add3A_349 = arith.addi %mul3A_347, %add3A_348 : i32
      %mul3A_350 = arith.constant 16 : i32
      %mul3A_351 = arith.muli %add3A_349, %mul3A_350 : i32
      %swap3A_352 = arith.index_cast %mul3A_351 : i32 to index
      %swap3A_353 = tpu.vector_load %arg7[%swap3A_352] {strides = array<i32>} : memref<16384xi32, #tpu.memory_space<vmem>>, vector<16xi32>,
      tpu.vector_store %arg7[%swap3A_352], %broadcast_in_dim3A_67 {strides = array<i32>} : memref<16384xi32, #tpu.memory_space<vmem>>, vector<16xi32>,
      %mul3A_354 = arith.constant 16 : i32
      %mul3A_355 = arith.muli %scan3A_314, %mul3A_354 : i32
      %add3A_356 = arith.constant 5 : i32
      %add3A_357 = arith.addi %mul3A_355, %add3A_356 : i32
      %mul3A_358 = arith.constant 16 : i32
      %mul3A_359 = arith.muli %add3A_357, %mul3A_358 : i32
      %swap3A_360 = arith.index_cast %mul3A_359 : i32 to index
      %swap3A_361 = tpu.vector_load %arg7[%swap3A_360] {strides = array<i32>} : memref<16384xi32, #tpu.memory_space<vmem>>, vector<16xi32>,
      tpu.vector_store %arg7[%swap3A_360], %broadcast_in_dim3A_67 {strides = array<i32>} : memref<16384xi32, #tpu.memory_space<vmem>>, vector<16xi32>,
      %mul3A_362 = arith.constant 16 : i32
      %mul3A_363 = arith.muli %scan3A_314, %mul3A_362 : i32
      %add3A_364 = arith.constant 6 : i32
      %add3A_365 = arith.addi %mul3A_363, %add3A_364 : i32
      %mul3A_366 = arith.constant 16 : i32
      %mul3A_367 = arith.muli %add3A_365, %mul3A_366 : i32
      %swap3A_368 = arith.index_cast %mul3A_367 : i32 to index
      %swap3A_369 = tpu.vector_load %arg7[%swap3A_368] {strides = array<i32>} : memref<16384xi32, #tpu.memory_space<vmem>>, vector<16xi32>,
      tpu.vector_store %arg7[%swap3A_368], %broadcast_in_dim3A_67 {strides = array<i32>} : memref<16384xi32, #tpu.memory_space<vmem>>, vector<16xi32>,
      %mul3A_370 = arith.constant 16 : i32
      %mul3A_371 = arith.muli %scan3A_314, %mul3A_370 : i32
      %add3A_372 = arith.constant 7 : i32
      %add3A_373 = arith.addi %mul3A_371, %add3A_372 : i32
      %mul3A_374 = arith.constant 16 : i32
      %mul3A_375 = arith.muli %add3A_373, %mul3A_374 : i32
      %swap3A_376 = arith.index_cast %mul3A_375 : i32 to index
      %swap3A_377 = tpu.vector_load %arg7[%swap3A_376] {strides = array<i32>} : memref<16384xi32, #tpu.memory_space<vmem>>, vector<16xi32>,
      tpu.vector_store %arg7[%swap3A_376], %broadcast_in_dim3A_67 {strides = array<i32>} : memref<16384xi32, #tpu.memory_space<vmem>>, vector<16xi32>,
      %mul3A_378 = arith.constant 16 : i32
      %mul3A_379 = arith.muli %scan3A_314, %mul3A_378 : i32
      %add3A_380 = arith.constant 8 : i32
      %add3A_381 = arith.addi %mul3A_379, %add3A_380 : i32
      %mul3A_382 = arith.constant 16 : i32
      %mul3A_383 = arith.muli %add3A_381, %mul3A_382 : i32
      %swap3A_384 = arith.index_cast %mul3A_383 : i32 to index
      %swap3A_385 = tpu.vector_load %arg7[%swap3A_384] {strides = array<i32>} : memref<16384xi32, #tpu.memory_space<vmem>>, vector<16xi32>,
      tpu.vector_store %arg7[%swap3A_384], %broadcast_in_dim3A_67 {strides = array<i32>} : memref<16384xi32, #tpu.memory_space<vmem>>, vector<16xi32>,
      %mul3A_386 = arith.constant 16 : i32
      %mul3A_387 = arith.muli %scan3A_314, %mul3A_386 : i32
      %add3A_388 = arith.constant 9 : i32
      %add3A_389 = arith.addi %mul3A_387, %add3A_388 : i32
      %mul3A_390 = arith.constant 16 : i32
      %mul3A_391 = arith.muli %add3A_389, %mul3A_390 : i32
      %swap3A_392 = arith.index_cast %mul3A_391 : i32 to index
      %swap3A_393 = tpu.vector_load %arg7[%swap3A_392] {strides = array<i32>} : memref<16384xi32, #tpu.memory_space<vmem>>, vector<16xi32>,
      tpu.vector_store %arg7[%swap3A_392], %broadcast_in_dim3A_67 {strides = array<i32>} : memref<16384xi32, #tpu.memory_space<vmem>>, vector<16xi32>,
      %mul3A_394 = arith.constant 16 : i32
      %mul3A_395 = arith.muli %scan3A_314, %mul3A_394 : i32
      %add3A_396 = arith.constant 10 : i32
      %add3A_397 = arith.addi %mul3A_395, %add3A_396 : i32
      %mul3A_398 = arith.constant 16 : i32
      %mul3A_399 = arith.muli %add3A_397, %mul3A_398 : i32
      %swap3A_400 = arith.index_cast %mul3A_399 : i32 to index
      %swap3A_401 = tpu.vector_load %arg7[%swap3A_400] {strides = array<i32>} : memref<16384xi32, #tpu.memory_space<vmem>>, vector<16xi32>,
      tpu.vector_store %arg7[%swap3A_400], %broadcast_in_dim3A_67 {strides = array<i32>} : memref<16384xi32, #tpu.memory_space<vmem>>, vector<16xi32>,
      %mul3A_402 = arith.constant 16 : i32
      %mul3A_403 = arith.muli %scan3A_314, %mul3A_402 : i32
      %add3A_404 = arith.constant 11 : i32
      %add3A_405 = arith.addi %mul3A_403, %add3A_404 : i32
      %mul3A_406 = arith.constant 16 : i32
      %mul3A_407 = arith.muli %add3A_405, %mul3A_406 : i32
      %swap3A_408 = arith.index_cast %mul3A_407 : i32 to index
      %swap3A_409 = tpu.vector_load %arg7[%swap3A_408] {strides = array<i32>} : memref<16384xi32, #tpu.memory_space<vmem>>, vector<16xi32>,
      tpu.vector_store %arg7[%swap3A_408], %broadcast_in_dim3A_67 {strides = array<i32>} : memref<16384xi32, #tpu.memory_space<vmem>>, vector<16xi32>,
      %mul3A_410 = arith.constant 16 : i32
      %mul3A_411 = arith.muli %scan3A_314, %mul3A_410 : i32
      %add3A_412 = arith.constant 12 : i32
      %add3A_413 = arith.addi %mul3A_411, %add3A_412 : i32
      %mul3A_414 = arith.constant 16 : i32
      %mul3A_415 = arith.muli %add3A_413, %mul3A_414 : i32
      %swap3A_416 = arith.index_cast %mul3A_415 : i32 to index
      %swap3A_417 = tpu.vector_load %arg7[%swap3A_416] {strides = array<i32>} : memref<16384xi32, #tpu.memory_space<vmem>>, vector<16xi32>,
      tpu.vector_store %arg7[%swap3A_416], %broadcast_in_dim3A_67 {strides = array<i32>} : memref<16384xi32, #tpu.memory_space<vmem>>, vector<16xi32>,
      %mul3A_418 = arith.constant 16 : i32
      %mul3A_419 = arith.muli %scan3A_314, %mul3A_418 : i32
      %add3A_420 = arith.constant 13 : i32
      %add3A_421 = arith.addi %mul3A_419, %add3A_420 : i32
      %mul3A_422 = arith.constant 16 : i32
      %mul3A_423 = arith.muli %add3A_421, %mul3A_422 : i32
      %swap3A_424 = arith.index_cast %mul3A_423 : i32 to index
      %swap3A_425 = tpu.vector_load %arg7[%swap3A_424] {strides = array<i32>} : memref<16384xi32, #tpu.memory_space<vmem>>, vector<16xi32>,
      tpu.vector_store %arg7[%swap3A_424], %broadcast_in_dim3A_67 {strides = array<i32>} : memref<16384xi32, #tpu.memory_space<vmem>>, vector<16xi32>,
      %mul3A_426 = arith.constant 16 : i32
      %mul3A_427 = arith.muli %scan3A_314, %mul3A_426 : i32
      %add3A_428 = arith.constant 14 : i32
      %add3A_429 = arith.addi %mul3A_427, %add3A_428 : i32
      %mul3A_430 = arith.constant 16 : i32
      %mul3A_431 = arith.muli %add3A_429, %mul3A_430 : i32
      %swap3A_432 = arith.index_cast %mul3A_431 : i32 to index
      %swap3A_433 = tpu.vector_load %arg7[%swap3A_432] {strides = array<i32>} : memref<16384xi32, #tpu.memory_space<vmem>>, vector<16xi32>,
      tpu.vector_store %arg7[%swap3A_432], %broadcast_in_dim3A_67 {strides = array<i32>} : memref<16384xi32, #tpu.memory_space<vmem>>, vector<16xi32>,
      %mul3A_434 = arith.constant 16 : i32
      %mul3A_435 = arith.muli %scan3A_314, %mul3A_434 : i32
      %add3A_436 = arith.constant 15 : i32
      %add3A_437 = arith.addi %mul3A_435, %add3A_436 : i32
      %mul3A_438 = arith.constant 16 : i32
      %mul3A_439 = arith.muli %add3A_437, %mul3A_438 : i32
      %swap3A_440 = arith.index_cast %mul3A_439 : i32 to index
      %swap3A_441 = tpu.vector_load %arg7[%swap3A_440] {strides = array<i32>} : memref<16384xi32, #tpu.memory_space<vmem>>, vector<16xi32>,
      tpu.vector_store %arg7[%swap3A_440], %broadcast_in_dim3A_67 {strides = array<i32>} : memref<16384xi32, #tpu.memory_space<vmem>>, vector<16xi32>,
    }
    %scan3A_72 = arith.constant 64 : i32
    %add3A_73 = arith.constant 32 : i32
    %add3A_74 = arith.addi %mul3A_32, %add3A_73 : i32
    %dma_start3A_75 = arith.constant 1 : i32
    %dma_start3A_76 = arith.constant 0 : i32
    %dma_start3A_77 = arith.constant 0 : i32
    %dma_start3A_78 = tpu.memref_slice %arg5[%dma_start3A_75, %dma_start3A_76, %dma_start3A_77] : memref<2x32x512xf32, #tpu.memory_space<vmem>> -> memref<1x32x512xf32, #tpu.memory_space<vmem>>
    %dma_start3A_79 = tpu.memref_squeeze %dma_start3A_78 : memref<1x32x512xf32, #tpu.memory_space<vmem>> -> memref<32x512xf32, #tpu.memory_space<vmem>>
    %dma_start3A_80 = arith.constant 0 : i32
    %dma_start3A_81 = tpu.memref_slice %arg2[%select_n3A, %add3A_74, %dma_start3A_80] : memref<8x512x512xf32, #tpu.memory_space<hbm>> -> memref<1x32x512xf32, #tpu.memory_space<hbm>>
    %dma_start3A_82 = tpu.memref_squeeze %dma_start3A_81 : memref<1x32x512xf32, #tpu.memory_space<hbm>> -> memref<32x512xf32, #tpu.memory_space<hbm>>
    %dma_start3A_83 = arith.constant 0 : i32
    %dma_start3A_84 = arith.constant 0 : i32
    %dma_start3A_85 = tpu.memref_slice %arg5[%dma_start3A_75, %dma_start3A_83, %dma_start3A_84] : memref<2x32x512xf32, #tpu.memory_space<vmem>> -> memref<1x32x512xf32, #tpu.memory_space<vmem>>
    %dma_start3A_86 = tpu.memref_squeeze %dma_start3A_85 : memref<1x32x512xf32, #tpu.memory_space<vmem>> -> memref<32x512xf32, #tpu.memory_space<vmem>>
    %dma_start3A_87 = arith.constant 0 : i32
    %dma_start3A_88 = tpu.memref_slice %arg2[%select_n3A, %add3A_74, %dma_start3A_87] : memref<8x512x512xf32, #tpu.memory_space<hbm>> -> memref<1x32x512xf32, #tpu.memory_space<hbm>>
    %dma_start3A_89 = tpu.memref_squeeze %dma_start3A_88 : memref<1x32x512xf32, #tpu.memory_space<hbm>> -> memref<32x512xf32, #tpu.memory_space<hbm>>
    tpu.enqueue_dma source(%dma_start3A_89 : memref<32x512xf32, #tpu.memory_space<hbm>>) target(%dma_start3A_86 : memref<32x512xf32, #tpu.memory_space<vmem>>) target_semaphore(%arg10 : memref<!tpu.dma_semaphore, #tpu.memory_space<semaphore_mem>>)
    %dma_start3A_90 = arith.constant 1 : i32
    %dma_start3A_91 = arith.constant 0 : i32
    %dma_start3A_92 = arith.constant 0 : i32
    %dma_start3A_93 = tpu.memref_slice %arg6[%dma_start3A_90, %dma_start3A_91, %dma_start3A_92] : memref<2x32x512xi32, #tpu.memory_space<vmem>> -> memref<1x32x512xi32, #tpu.memory_space<vmem>>
    %dma_start3A_94 = tpu.memref_squeeze %dma_start3A_93 : memref<1x32x512xi32, #tpu.memory_space<vmem>> -> memref<32x512xi32, #tpu.memory_space<vmem>>
    %dma_start3A_95 = arith.constant 0 : i32
    %dma_start3A_96 = tpu.memref_slice %arg3[%select_n3A, %add3A_74, %dma_start3A_95] : memref<8x512x512xi32, #tpu.memory_space<hbm>> -> memref<1x32x512xi32, #tpu.memory_space<hbm>>
    %dma_start3A_97 = tpu.memref_squeeze %dma_start3A_96 : memref<1x32x512xi32, #tpu.memory_space<hbm>> -> memref<32x512xi32, #tpu.memory_space<hbm>>
    %dma_start3A_98 = arith.constant 0 : i32
    %dma_start3A_99 = arith.constant 0 : i32
    %dma_start3A_100 = tpu.memref_slice %arg6[%dma_start3A_90, %dma_start3A_98, %dma_start3A_99] : memref<2x32x512xi32, #tpu.memory_space<vmem>> -> memref<1x32x512xi32, #tpu.memory_space<vmem>>
    %dma_start3A_101 = tpu.memref_squeeze %dma_start3A_100 : memref<1x32x512xi32, #tpu.memory_space<vmem>> -> memref<32x512xi32, #tpu.memory_space<vmem>>
    %dma_start3A_102 = arith.constant 0 : i32
    %dma_start3A_103 = tpu.memref_slice %arg3[%select_n3A, %add3A_74, %dma_start3A_102] : memref<8x512x512xi32, #tpu.memory_space<hbm>> -> memref<1x32x512xi32, #tpu.memory_space<hbm>>
    %dma_start3A_104 = tpu.memref_squeeze %dma_start3A_103 : memref<1x32x512xi32, #tpu.memory_space<hbm>> -> memref<32x512xi32, #tpu.memory_space<hbm>>
    tpu.enqueue_dma source(%dma_start3A_104 : memref<32x512xi32, #tpu.memory_space<hbm>>) target(%dma_start3A_101 : memref<32x512xi32, #tpu.memory_space<vmem>>) target_semaphore(%arg11 : memref<!tpu.dma_semaphore, #tpu.memory_space<semaphore_mem>>)
    %dma_wait3A = arith.constant 0 : i32
    %dma_wait3A_105 = arith.constant 0 : i32
    %dma_wait3A_106 = arith.constant 0 : i32
    %dma_wait3A_107 = tpu.memref_slice %arg5[%dma_wait3A, %dma_wait3A_105, %dma_wait3A_106] : memref<2x32x512xf32, #tpu.memory_space<vmem>> -> memref<1x32x512xf32, #tpu.memory_space<vmem>>
    %dma_wait3A_108 = tpu.memref_squeeze %dma_wait3A_107 : memref<1x32x512xf32, #tpu.memory_space<vmem>> -> memref<32x512xf32, #tpu.memory_space<vmem>>
    %dma_wait3A_109 = arith.constant 0 : i32
    %dma_wait3A_110 = tpu.memref_slice %arg2[%select_n3A, %add3A_37, %dma_wait3A_109] : memref<8x512x512xf32, #tpu.memory_space<hbm>> -> memref<1x32x512xf32, #tpu.memory_space<hbm>>
    %dma_wait3A_111 = tpu.memref_squeeze %dma_wait3A_110 : memref<1x32x512xf32, #tpu.memory_space<hbm>> -> memref<32x512xf32, #tpu.memory_space<hbm>>
    %dma_wait3A_112 = arith.constant 0 : i32
    %dma_wait3A_113 = arith.constant 0 : i32
    %dma_wait3A_114 = tpu.memref_slice %arg5[%dma_wait3A, %dma_wait3A_112, %dma_wait3A_113] : memref<2x32x512xf32, #tpu.memory_space<vmem>> -> memref<1x32x512xf32, #tpu.memory_space<vmem>>
    %dma_wait3A_115 = tpu.memref_squeeze %dma_wait3A_114 : memref<1x32x512xf32, #tpu.memory_space<vmem>> -> memref<32x512xf32, #tpu.memory_space<vmem>>
    %dma_wait3A_116 = arith.constant 0 : i32
    %dma_wait3A_117 = tpu.memref_slice %arg2[%select_n3A, %add3A_37, %dma_wait3A_116] : memref<8x512x512xf32, #tpu.memory_space<hbm>> -> memref<1x32x512xf32, #tpu.memory_space<hbm>>
    %dma_wait3A_118 = tpu.memref_squeeze %dma_wait3A_117 : memref<1x32x512xf32, #tpu.memory_space<hbm>> -> memref<32x512xf32, #tpu.memory_space<hbm>>
    tpu.wait_dma2 semaphore(%arg8 : memref<!tpu.dma_semaphore, #tpu.memory_space<semaphore_mem>>) src(%dma_wait3A_118 : memref<32x512xf32, #tpu.memory_space<hbm>>) dst(%dma_wait3A_115 : memref<32x512xf32, #tpu.memory_space<vmem>>)
    %dma_wait3A_119 = arith.constant 0 : i32
    %dma_wait3A_120 = arith.constant 0 : i32
    %dma_wait3A_121 = arith.constant 0 : i32
    %dma_wait3A_122 = tpu.memref_slice %arg6[%dma_wait3A_119, %dma_wait3A_120, %dma_wait3A_121] : memref<2x32x512xi32, #tpu.memory_space<vmem>> -> memref<1x32x512xi32, #tpu.memory_space<vmem>>
    %dma_wait3A_123 = tpu.memref_squeeze %dma_wait3A_122 : memref<1x32x512xi32, #tpu.memory_space<vmem>> -> memref<32x512xi32, #tpu.memory_space<vmem>>
    %dma_wait3A_124 = arith.constant 0 : i32
    %dma_wait3A_125 = tpu.memref_slice %arg3[%select_n3A, %add3A_37, %dma_wait3A_124] : memref<8x512x512xi32, #tpu.memory_space<hbm>> -> memref<1x32x512xi32, #tpu.memory_space<hbm>>
    %dma_wait3A_126 = tpu.memref_squeeze %dma_wait3A_125 : memref<1x32x512xi32, #tpu.memory_space<hbm>> -> memref<32x512xi32, #tpu.memory_space<hbm>>
    %dma_wait3A_127 = arith.constant 0 : i32
    %dma_wait3A_128 = arith.constant 0 : i32
    %dma_wait3A_129 = tpu.memref_slice %arg6[%dma_wait3A_119, %dma_wait3A_127, %dma_wait3A_128] : memref<2x32x512xi32, #tpu.memory_space<vmem>> -> memref<1x32x512xi32, #tpu.memory_space<vmem>>
    %dma_wait3A_130 = tpu.memref_squeeze %dma_wait3A_129 : memref<1x32x512xi32, #tpu.memory_space<vmem>> -> memref<32x512xi32, #tpu.memory_space<vmem>>
    %dma_wait3A_131 = arith.constant 0 : i32
    %dma_wait3A_132 = tpu.memref_slice %arg3[%select_n3A, %add3A_37, %dma_wait3A_131] : memref<8x512x512xi32, #tpu.memory_space<hbm>> -> memref<1x32x512xi32, #tpu.memory_space<hbm>>
    %dma_wait3A_133 = tpu.memref_squeeze %dma_wait3A_132 : memref<1x32x512xi32, #tpu.memory_space<hbm>> -> memref<32x512xi32, #tpu.memory_space<hbm>>
    tpu.wait_dma2 semaphore(%arg9 : memref<!tpu.dma_semaphore, #tpu.memory_space<semaphore_mem>>) src(%dma_wait3A_133 : memref<32x512xi32, #tpu.memory_space<hbm>>) dst(%dma_wait3A_130 : memref<32x512xi32, #tpu.memory_space<vmem>>)
    %scan3A_134 = arith.constant 0 : i32
    %scan3A_135 = arith.constant 0 : i32
    %scan3A_136 = arith.constant 64 : i32
    %scan3A_137 = arith.addi %scan3A_135, %scan3A_136 : i32
    %scan3A_138 = arith.constant 1 : i32
    scf.for %scan3A_314 = %scan3A_135 to %scan3A_137 step %scan3A_138  : i32 {
      %jit3A_315 = arith.constant 2 : i32
      %div3A_316 = arith.divsi %scan3A_314, %jit3A_315 : i32
      %sign3A_317 = arith.constant 0 : i32
      %sign3A_318 = arith.cmpi sgt, %scan3A_314, %sign3A_317 : i32
      %sign3A_319 = arith.extui %sign3A_318 : i1 to i32
      %sign3A_320 = arith.constant 0 : i32
      %sign3A_321 = arith.cmpi slt, %scan3A_314, %sign3A_320 : i32
      %sign3A_322 = arith.extui %sign3A_321 : i1 to i32
      %sign3A_323 = arith.subi %sign3A_319, %sign3A_322 : i32
      %sign3A_324 = arith.constant 0 : i32
      %sign3A_325 = arith.cmpi sgt, %jit3A_315, %sign3A_324 : i32
      %sign3A_326 = arith.extui %sign3A_325 : i1 to i32
      %sign3A_327 = arith.constant 0 : i32
      %sign3A_328 = arith.cmpi slt, %jit3A_315, %sign3A_327 : i32
      %sign3A_329 = arith.extui %sign3A_328 : i1 to i32
      %sign3A_330 = arith.subi %sign3A_326, %sign3A_329 : i32
      %ne3A_331 = arith.cmpi ne, %sign3A_323, %sign3A_330 : i32
      %rem3A_332 = arith.remsi %scan3A_314, %jit3A_315 : i32
      %ne3A_333 = arith.constant 0 : i32
      %ne3A_334 = arith.cmpi ne, %rem3A_332, %ne3A_333 : i32
      %and3A_335 = arith.andi %ne3A_331, %ne3A_334 : i1
      %sub3A_336 = arith.constant 1 : i32
      %sub3A_337 = arith.subi %div3A_316, %sub3A_336 : i32
      %select_n3A_338 = arith.select %and3A_335, %sub3A_337, %div3A_316 : i32
      %jit3A_339 = arith.constant 2 : i32
      %eq3A_340 = arith.constant 0 : i32
      %eq3A_341 = arith.cmpi eq, %jit3A_339, %eq3A_340 : i32
      %jit3A_342 = arith.constant 1 : i32
      %select_n3A_343 = arith.select %eq3A_341, %jit3A_342, %jit3A_339 : i32
      %rem3A_344 = arith.remsi %scan3A_314, %select_n3A_343 : i32
      %ne3A_345 = arith.constant 0 : i32
      %ne3A_346 = arith.cmpi ne, %rem3A_344, %ne3A_345 : i32
      %lt3A_347 = arith.constant 0 : i32
      %lt3A_348 = arith.cmpi slt, %rem3A_344, %lt3A_347 : i32
      %lt3A_349 = arith.constant 0 : i32
      %lt3A_350 = arith.cmpi slt, %select_n3A_343, %lt3A_349 : i32
      %ne3A_351 = arith.xori %lt3A_348, %lt3A_350 : i1
      %and3A_352 = arith.andi %ne3A_351, %ne3A_346 : i1
      %add3A_353 = arith.addi %rem3A_344, %select_n3A_343 : i32
      %select_n3A_354 = arith.select %and3A_352, %add3A_353, %rem3A_344 : i32
      %mul3A_355 = arith.constant 256 : i32
      %mul3A_356 = arith.muli %select_n3A_354, %mul3A_355 : i32
      %add3A_357 = arith.constant 0 : i32
      %add3A_358 = arith.addi %mul3A_356, %add3A_357 : i32
      %get3A = arith.constant 0 : i32
      %get3A_359 = arith.index_cast %get3A : i32 to index
      %get3A_360 = arith.index_cast %select_n3A_338 : i32 to index
      %get3A_361 = arith.index_cast %add3A_358 : i32 to index
      %get3A_362 = tpu.vector_load %arg5[%get3A_359, %get3A_360, %get3A_361] {strides = array<i32>} : memref<2x32x512xf32, #tpu.memory_space<vmem>>, vector<16xf32>,
      %add3A_363 = arith.constant 16 : i32
      %add3A_364 = arith.addi %mul3A_356, %add3A_363 : i32
      %get3A_365 = arith.constant 0 : i32
      %get3A_366 = arith.index_cast %get3A_365 : i32 to index
      %get3A_367 = arith.index_cast %select_n3A_338 : i32 to index
      %get3A_368 = arith.index_cast %add3A_364 : i32 to index
      %get3A_369 = tpu.vector_load %arg5[%get3A_366, %get3A_367, %get3A_368] {strides = array<i32>} : memref<2x32x512xf32, #tpu.memory_space<vmem>>, vector<16xf32>,
      %add3A_370 = arith.constant 32 : i32
      %add3A_371 = arith.addi %mul3A_356, %add3A_370 : i32
      %get3A_372 = arith.constant 0 : i32
      %get3A_373 = arith.index_cast %get3A_372 : i32 to index
      %get3A_374 = arith.index_cast %select_n3A_338 : i32 to index
      %get3A_375 = arith.index_cast %add3A_371 : i32 to index
      %get3A_376 = tpu.vector_load %arg5[%get3A_373, %get3A_374, %get3A_375] {strides = array<i32>} : memref<2x32x512xf32, #tpu.memory_space<vmem>>, vector<16xf32>,
      %add3A_377 = arith.constant 48 : i32
      %add3A_378 = arith.addi %mul3A_356, %add3A_377 : i32
      %get3A_379 = arith.constant 0 : i32
      %get3A_380 = arith.index_cast %get3A_379 : i32 to index
      %get3A_381 = arith.index_cast %select_n3A_338 : i32 to index
      %get3A_382 = arith.index_cast %add3A_378 : i32 to index
      %get3A_383 = tpu.vector_load %arg5[%get3A_380, %get3A_381, %get3A_382] {strides = array<i32>} : memref<2x32x512xf32, #tpu.memory_space<vmem>>, vector<16xf32>,
      %add3A_384 = arith.constant 64 : i32
      %add3A_385 = arith.addi %mul3A_356, %add3A_384 : i32
      %get3A_386 = arith.constant 0 : i32
      %get3A_387 = arith.index_cast %get3A_386 : i32 to index
      %get3A_388 = arith.index_cast %select_n3A_338 : i32 to index
      %get3A_389 = arith.index_cast %add3A_385 : i32 to index
      %get3A_390 = tpu.vector_load %arg5[%get3A_387, %get3A_388, %get3A_389] {strides = array<i32>} : memref<2x32x512xf32, #tpu.memory_space<vmem>>, vector<16xf32>,
      %add3A_391 = arith.constant 80 : i32
      %add3A_392 = arith.addi %mul3A_356, %add3A_391 : i32
      %get3A_393 = arith.constant 0 : i32
      %get3A_394 = arith.index_cast %get3A_393 : i32 to index
      %get3A_395 = arith.index_cast %select_n3A_338 : i32 to index
      %get3A_396 = arith.index_cast %add3A_392 : i32 to index
      %get3A_397 = tpu.vector_load %arg5[%get3A_394, %get3A_395, %get3A_396] {strides = array<i32>} : memref<2x32x512xf32, #tpu.memory_space<vmem>>, vector<16xf32>,
      %add3A_398 = arith.constant 96 : i32
      %add3A_399 = arith.addi %mul3A_356, %add3A_398 : i32
      %get3A_400 = arith.constant 0 : i32
      %get3A_401 = arith.index_cast %get3A_400 : i32 to index
      %get3A_402 = arith.index_cast %select_n3A_338 : i32 to index
      %get3A_403 = arith.index_cast %add3A_399 : i32 to index
      %get3A_404 = tpu.vector_load %arg5[%get3A_401, %get3A_402, %get3A_403] {strides = array<i32>} : memref<2x32x512xf32, #tpu.memory_space<vmem>>, vector<16xf32>,
      %add3A_405 = arith.constant 112 : i32
      %add3A_406 = arith.addi %mul3A_356, %add3A_405 : i32
      %get3A_407 = arith.constant 0 : i32
      %get3A_408 = arith.index_cast %get3A_407 : i32 to index
      %get3A_409 = arith.index_cast %select_n3A_338 : i32 to index
      %get3A_410 = arith.index_cast %add3A_406 : i32 to index
      %get3A_411 = tpu.vector_load %arg5[%get3A_408, %get3A_409, %get3A_410] {strides = array<i32>} : memref<2x32x512xf32, #tpu.memory_space<vmem>>, vector<16xf32>,
      %add3A_412 = arith.constant 128 : i32
      %add3A_413 = arith.addi %mul3A_356, %add3A_412 : i32
      %get3A_414 = arith.constant 0 : i32
      %get3A_415 = arith.index_cast %get3A_414 : i32 to index
      %get3A_416 = arith.index_cast %select_n3A_338 : i32 to index
      %get3A_417 = arith.index_cast %add3A_413 : i32 to index
      %get3A_418 = tpu.vector_load %arg5[%get3A_415, %get3A_416, %get3A_417] {strides = array<i32>} : memref<2x32x512xf32, #tpu.memory_space<vmem>>, vector<16xf32>,
      %add3A_419 = arith.constant 144 : i32
      %add3A_420 = arith.addi %mul3A_356, %add3A_419 : i32
      %get3A_421 = arith.constant 0 : i32
      %get3A_422 = arith.index_cast %get3A_421 : i32 to index
      %get3A_423 = arith.index_cast %select_n3A_338 : i32 to index
      %get3A_424 = arith.index_cast %add3A_420 : i32 to index
      %get3A_425 = tpu.vector_load %arg5[%get3A_422, %get3A_423, %get3A_424] {strides = array<i32>} : memref<2x32x512xf32, #tpu.memory_space<vmem>>, vector<16xf32>,
      %add3A_426 = arith.constant 160 : i32
      %add3A_427 = arith.addi %mul3A_356, %add3A_426 : i32
      %get3A_428 = arith.constant 0 : i32
      %get3A_429 = arith.index_cast %get3A_428 : i32 to index
      %get3A_430 = arith.index_cast %select_n3A_338 : i32 to index
      %get3A_431 = arith.index_cast %add3A_427 : i32 to index
      %get3A_432 = tpu.vector_load %arg5[%get3A_429, %get3A_430, %get3A_431] {strides = array<i32>} : memref<2x32x512xf32, #tpu.memory_space<vmem>>, vector<16xf32>,
      %add3A_433 = arith.constant 176 : i32
      %add3A_434 = arith.addi %mul3A_356, %add3A_433 : i32
      %get3A_435 = arith.constant 0 : i32
      %get3A_436 = arith.index_cast %get3A_435 : i32 to index
      %get3A_437 = arith.index_cast %select_n3A_338 : i32 to index
      %get3A_438 = arith.index_cast %add3A_434 : i32 to index
      %get3A_439 = tpu.vector_load %arg5[%get3A_436, %get3A_437, %get3A_438] {strides = array<i32>} : memref<2x32x512xf32, #tpu.memory_space<vmem>>, vector<16xf32>,
      %add3A_440 = arith.constant 192 : i32
      %add3A_441 = arith.addi %mul3A_356, %add3A_440 : i32
      %get3A_442 = arith.constant 0 : i32
      %get3A_443 = arith.index_cast %get3A_442 : i32 to index
      %get3A_444 = arith.index_cast %select_n3A_338 : i32 to index
      %get3A_445 = arith.index_cast %add3A_441 : i32 to index
      %get3A_446 = tpu.vector_load %arg5[%get3A_443, %get3A_444, %get3A_445] {strides = array<i32>} : memref<2x32x512xf32, #tpu.memory_space<vmem>>, vector<16xf32>,
      %add3A_447 = arith.constant 208 : i32
      %add3A_448 = arith.addi %mul3A_356, %add3A_447 : i32
      %get3A_449 = arith.constant 0 : i32
      %get3A_450 = arith.index_cast %get3A_449 : i32 to index
      %get3A_451 = arith.index_cast %select_n3A_338 : i32 to index
      %get3A_452 = arith.index_cast %add3A_448 : i32 to index
      %get3A_453 = tpu.vector_load %arg5[%get3A_450, %get3A_451, %get3A_452] {strides = array<i32>} : memref<2x32x512xf32, #tpu.memory_space<vmem>>, vector<16xf32>,
      %add3A_454 = arith.constant 224 : i32
      %add3A_455 = arith.addi %mul3A_356, %add3A_454 : i32
      %get3A_456 = arith.constant 0 : i32
      %get3A_457 = arith.index_cast %get3A_456 : i32 to index
      %get3A_458 = arith.index_cast %select_n3A_338 : i32 to index
      %get3A_459 = arith.index_cast %add3A_455 : i32 to index
      %get3A_460 = tpu.vector_load %arg5[%get3A_457, %get3A_458, %get3A_459] {strides = array<i32>} : memref<2x32x512xf32, #tpu.memory_space<vmem>>, vector<16xf32>,
      %add3A_461 = arith.constant 240 : i32
      %add3A_462 = arith.addi %mul3A_356, %add3A_461 : i32
      %get3A_463 = arith.constant 0 : i32
      %get3A_464 = arith.index_cast %get3A_463 : i32 to index
      %get3A_465 = arith.index_cast %select_n3A_338 : i32 to index
      %get3A_466 = arith.index_cast %add3A_462 : i32 to index
      %get3A_467 = tpu.vector_load %arg5[%get3A_464, %get3A_465, %get3A_466] {strides = array<i32>} : memref<2x32x512xf32, #tpu.memory_space<vmem>>, vector<16xf32>,
      %add3A_468 = arith.constant 0 : i32
      %add3A_469 = arith.addi %mul3A_356, %add3A_468 : i32
      %get3A_470 = arith.constant 0 : i32
      %get3A_471 = arith.index_cast %get3A_470 : i32 to index
      %get3A_472 = arith.index_cast %select_n3A_338 : i32 to index
      %get3A_473 = arith.index_cast %add3A_469 : i32 to index
      %get3A_474 = tpu.vector_load %arg6[%get3A_471, %get3A_472, %get3A_473] {strides = array<i32>} : memref<2x32x512xi32, #tpu.memory_space<vmem>>, vector<16xi32>,
      %add3A_475 = arith.constant 16 : i32
      %add3A_476 = arith.addi %mul3A_356, %add3A_475 : i32
      %get3A_477 = arith.constant 0 : i32
      %get3A_478 = arith.index_cast %get3A_477 : i32 to index
      %get3A_479 = arith.index_cast %select_n3A_338 : i32 to index
      %get3A_480 = arith.index_cast %add3A_476 : i32 to index
      %get3A_481 = tpu.vector_load %arg6[%get3A_478, %get3A_479, %get3A_480] {strides = array<i32>} : memref<2x32x512xi32, #tpu.memory_space<vmem>>, vector<16xi32>,
      %add3A_482 = arith.constant 32 : i32
      %add3A_483 = arith.addi %mul3A_356, %add3A_482 : i32
      %get3A_484 = arith.constant 0 : i32
      %get3A_485 = arith.index_cast %get3A_484 : i32 to index
      %get3A_486 = arith.index_cast %select_n3A_338 : i32 to index
      %get3A_487 = arith.index_cast %add3A_483 : i32 to index
      %get3A_488 = tpu.vector_load %arg6[%get3A_485, %get3A_486, %get3A_487] {strides = array<i32>} : memref<2x32x512xi32, #tpu.memory_space<vmem>>, vector<16xi32>,
      %add3A_489 = arith.constant 48 : i32
      %add3A_490 = arith.addi %mul3A_356, %add3A_489 : i32
      %get3A_491 = arith.constant 0 : i32
      %get3A_492 = arith.index_cast %get3A_491 : i32 to index
      %get3A_493 = arith.index_cast %select_n3A_338 : i32 to index
      %get3A_494 = arith.index_cast %add3A_490 : i32 to index
      %get3A_495 = tpu.vector_load %arg6[%get3A_492, %get3A_493, %get3A_494] {strides = array<i32>} : memref<2x32x512xi32, #tpu.memory_space<vmem>>, vector<16xi32>,
      %add3A_496 = arith.constant 64 : i32
      %add3A_497 = arith.addi %mul3A_356, %add3A_496 : i32
      %get3A_498 = arith.constant 0 : i32
      %get3A_499 = arith.index_cast %get3A_498 : i32 to index
      %get3A_500 = arith.index_cast %select_n3A_338 : i32 to index
      %get3A_501 = arith.index_cast %add3A_497 : i32 to index
      %get3A_502 = tpu.vector_load %arg6[%get3A_499, %get3A_500, %get3A_501] {strides = array<i32>} : memref<2x32x512xi32, #tpu.memory_space<vmem>>, vector<16xi32>,
      %add3A_503 = arith.constant 80 : i32
      %add3A_504 = arith.addi %mul3A_356, %add3A_503 : i32
      %get3A_505 = arith.constant 0 : i32
      %get3A_506 = arith.index_cast %get3A_505 : i32 to index
      %get3A_507 = arith.index_cast %select_n3A_338 : i32 to index
      %get3A_508 = arith.index_cast %add3A_504 : i32 to index
      %get3A_509 = tpu.vector_load %arg6[%get3A_506, %get3A_507, %get3A_508] {strides = array<i32>} : memref<2x32x512xi32, #tpu.memory_space<vmem>>, vector<16xi32>,
      %add3A_510 = arith.constant 96 : i32
      %add3A_511 = arith.addi %mul3A_356, %add3A_510 : i32
      %get3A_512 = arith.constant 0 : i32
      %get3A_513 = arith.index_cast %get3A_512 : i32 to index
      %get3A_514 = arith.index_cast %select_n3A_338 : i32 to index
      %get3A_515 = arith.index_cast %add3A_511 : i32 to index
      %get3A_516 = tpu.vector_load %arg6[%get3A_513, %get3A_514, %get3A_515] {strides = array<i32>} : memref<2x32x512xi32, #tpu.memory_space<vmem>>, vector<16xi32>,
      %add3A_517 = arith.constant 112 : i32
      %add3A_518 = arith.addi %mul3A_356, %add3A_517 : i32
      %get3A_519 = arith.constant 0 : i32
      %get3A_520 = arith.index_cast %get3A_519 : i32 to index
      %get3A_521 = arith.index_cast %select_n3A_338 : i32 to index
      %get3A_522 = arith.index_cast %add3A_518 : i32 to index
      %get3A_523 = tpu.vector_load %arg6[%get3A_520, %get3A_521, %get3A_522] {strides = array<i32>} : memref<2x32x512xi32, #tpu.memory_space<vmem>>, vector<16xi32>,
      %add3A_524 = arith.constant 128 : i32
      %add3A_525 = arith.addi %mul3A_356, %add3A_524 : i32
      %get3A_526 = arith.constant 0 : i32
      %get3A_527 = arith.index_cast %get3A_526 : i32 to index
      %get3A_528 = arith.index_cast %select_n3A_338 : i32 to index
      %get3A_529 = arith.index_cast %add3A_525 : i32 to index
      %get3A_530 = tpu.vector_load %arg6[%get3A_527, %get3A_528, %get3A_529] {strides = array<i32>} : memref<2x32x512xi32, #tpu.memory_space<vmem>>, vector<16xi32>,
      %add3A_531 = arith.constant 144 : i32
      %add3A_532 = arith.addi %mul3A_356, %add3A_531 : i32
      %get3A_533 = arith.constant 0 : i32
      %get3A_534 = arith.index_cast %get3A_533 : i32 to index
      %get3A_535 = arith.index_cast %select_n3A_338 : i32 to index
      %get3A_536 = arith.index_cast %add3A_532 : i32 to index
      %get3A_537 = tpu.vector_load %arg6[%get3A_534, %get3A_535, %get3A_536] {strides = array<i32>} : memref<2x32x512xi32, #tpu.memory_space<vmem>>, vector<16xi32>,
      %add3A_538 = arith.constant 160 : i32
      %add3A_539 = arith.addi %mul3A_356, %add3A_538 : i32
      %get3A_540 = arith.constant 0 : i32
      %get3A_541 = arith.index_cast %get3A_540 : i32 to index
      %get3A_542 = arith.index_cast %select_n3A_338 : i32 to index
      %get3A_543 = arith.index_cast %add3A_539 : i32 to index
      %get3A_544 = tpu.vector_load %arg6[%get3A_541, %get3A_542, %get3A_543] {strides = array<i32>} : memref<2x32x512xi32, #tpu.memory_space<vmem>>, vector<16xi32>,
      %add3A_545 = arith.constant 176 : i32
      %add3A_546 = arith.addi %mul3A_356, %add3A_545 : i32
      %get3A_547 = arith.constant 0 : i32
      %get3A_548 = arith.index_cast %get3A_547 : i32 to index
      %get3A_549 = arith.index_cast %select_n3A_338 : i32 to index
      %get3A_550 = arith.index_cast %add3A_546 : i32 to index
      %get3A_551 = tpu.vector_load %arg6[%get3A_548, %get3A_549, %get3A_550] {strides = array<i32>} : memref<2x32x512xi32, #tpu.memory_space<vmem>>, vector<16xi32>,
      %add3A_552 = arith.constant 192 : i32
      %add3A_553 = arith.addi %mul3A_356, %add3A_552 : i32
      %get3A_554 = arith.constant 0 : i32
      %get3A_555 = arith.index_cast %get3A_554 : i32 to index
      %get3A_556 = arith.index_cast %select_n3A_338 : i32 to index
      %get3A_557 = arith.index_cast %add3A_553 : i32 to index
      %get3A_558 = tpu.vector_load %arg6[%get3A_555, %get3A_556, %get3A_557] {strides = array<i32>} : memref<2x32x512xi32, #tpu.memory_space<vmem>>, vector<16xi32>,
      %add3A_559 = arith.constant 208 : i32
      %add3A_560 = arith.addi %mul3A_356, %add3A_559 : i32
      %get3A_561 = arith.constant 0 : i32
      %get3A_562 = arith.index_cast %get3A_561 : i32 to index
      %get3A_563 = arith.index_cast %select_n3A_338 : i32 to index
      %get3A_564 = arith.index_cast %add3A_560 : i32 to index
      %get3A_565 = tpu.vector_load %arg6[%get3A_562, %get3A_563, %get3A_564] {strides = array<i32>} : memref<2x32x512xi32, #tpu.memory_space<vmem>>, vector<16xi32>,
      %add3A_566 = arith.constant 224 : i32
      %add3A_567 = arith.addi %mul3A_356, %add3A_566 : i32
      %get3A_568 = arith.constant 0 : i32
      %get3A_569 = arith.index_cast %get3A_568 : i32 to index
      %get3A_570 = arith.index_cast %select_n3A_338 : i32 to index
      %get3A_571 = arith.index_cast %add3A_567 : i32 to index
      %get3A_572 = tpu.vector_load %arg6[%get3A_569, %get3A_570, %get3A_571] {strides = array<i32>} : memref<2x32x512xi32, #tpu.memory_space<vmem>>, vector<16xi32>,
      %add3A_573 = arith.constant 240 : i32
      %add3A_574 = arith.addi %mul3A_356, %add3A_573 : i32
      %get3A_575 = arith.constant 0 : i32
      %get3A_576 = arith.index_cast %get3A_575 : i32 to index
      %get3A_577 = arith.index_cast %select_n3A_338 : i32 to index
      %get3A_578 = arith.index_cast %add3A_574 : i32 to index
      %get3A_579 = tpu.vector_load %arg6[%get3A_576, %get3A_577, %get3A_578] {strides = array<i32>} : memref<2x32x512xi32, #tpu.memory_space<vmem>>, vector<16xi32>,
      %convert_element_type3A = arith.sitofp %get3A_474 : vector<16xi32> to vector<16xf32>
      %sub3A_580 = arith.subf %convert_element_type3A, %get3A_362 : vector<16xf32>
      %abs3A = math.absf %sub3A_580 : vector<16xf32>
      %mul3A_581 = arith.constant 1.024000e+03 : f32
      %mul3A_582 = vector.broadcast %mul3A_581 : f32 to vector<16xf32>
      %mul3A_583 = arith.mulf %abs3A, %mul3A_582 : vector<16xf32>
      %min3A = arith.constant 1.023000e+03 : f32
      %min3A_584 = vector.broadcast %min3A : f32 to vector<16xf32>
      %min3A_585 = arith.minimumf %mul3A_583, %min3A_584 : vector<16xf32>
      %convert_element_type3A_586 = arith.fptosi %min3A_585 : vector<16xf32> to vector<16xi32>
      %add3A_587 = arith.addi %convert_element_type3A_586, %mul3A_35 : vector<16xi32>
      %shift_left3A = arith.constant 16 : i32
      %shift_left3A_588 = vector.broadcast %shift_left3A : i32 to vector<16xi32>
      %shift_left3A_589 = arith.shli %get3A_474, %shift_left3A_588 : vector<16xi32>
      %add3A_590 = arith.constant 1 : i32
      %add3A_591 = vector.broadcast %add3A_590 : i32 to vector<16xi32>
      %add3A_592 = arith.addi %add3A_591, %shift_left3A_589 : vector<16xi32>
      %convert_element_type3A_593 = arith.sitofp %get3A_481 : vector<16xi32> to vector<16xf32>
      %sub3A_594 = arith.subf %convert_element_type3A_593, %get3A_369 : vector<16xf32>
      %abs3A_595 = math.absf %sub3A_594 : vector<16xf32>
      %mul3A_596 = arith.constant 1.024000e+03 : f32
      %mul3A_597 = vector.broadcast %mul3A_596 : f32 to vector<16xf32>
      %mul3A_598 = arith.mulf %abs3A_595, %mul3A_597 : vector<16xf32>
      %min3A_599 = arith.constant 1.023000e+03 : f32
      %min3A_600 = vector.broadcast %min3A_599 : f32 to vector<16xf32>
      %min3A_601 = arith.minimumf %mul3A_598, %min3A_600 : vector<16xf32>
      %convert_element_type3A_602 = arith.fptosi %min3A_601 : vector<16xf32> to vector<16xi32>
      %add3A_603 = arith.addi %convert_element_type3A_602, %mul3A_35 : vector<16xi32>
      %shift_left3A_604 = arith.constant 16 : i32
      %shift_left3A_605 = vector.broadcast %shift_left3A_604 : i32 to vector<16xi32>
      %shift_left3A_606 = arith.shli %get3A_481, %shift_left3A_605 : vector<16xi32>
      %add3A_607 = arith.constant 1 : i32
      %add3A_608 = vector.broadcast %add3A_607 : i32 to vector<16xi32>
      %add3A_609 = arith.addi %add3A_608, %shift_left3A_606 : vector<16xi32>
      %convert_element_type3A_610 = arith.sitofp %get3A_488 : vector<16xi32> to vector<16xf32>
      %sub3A_611 = arith.subf %convert_element_type3A_610, %get3A_376 : vector<16xf32>
      %abs3A_612 = math.absf %sub3A_611 : vector<16xf32>
      %mul3A_613 = arith.constant 1.024000e+03 : f32
      %mul3A_614 = vector.broadcast %mul3A_613 : f32 to vector<16xf32>
      %mul3A_615 = arith.mulf %abs3A_612, %mul3A_614 : vector<16xf32>
      %min3A_616 = arith.constant 1.023000e+03 : f32
      %min3A_617 = vector.broadcast %min3A_616 : f32 to vector<16xf32>
      %min3A_618 = arith.minimumf %mul3A_615, %min3A_617 : vector<16xf32>
      %convert_element_type3A_619 = arith.fptosi %min3A_618 : vector<16xf32> to vector<16xi32>
      %add3A_620 = arith.addi %convert_element_type3A_619, %mul3A_35 : vector<16xi32>
      %shift_left3A_621 = arith.constant 16 : i32
      %shift_left3A_622 = vector.broadcast %shift_left3A_621 : i32 to vector<16xi32>
      %shift_left3A_623 = arith.shli %get3A_488, %shift_left3A_622 : vector<16xi32>
      %add3A_624 = arith.constant 1 : i32
      %add3A_625 = vector.broadcast %add3A_624 : i32 to vector<16xi32>
      %add3A_626 = arith.addi %add3A_625, %shift_left3A_623 : vector<16xi32>
      %convert_element_type3A_627 = arith.sitofp %get3A_495 : vector<16xi32> to vector<16xf32>
      %sub3A_628 = arith.subf %convert_element_type3A_627, %get3A_383 : vector<16xf32>
      %abs3A_629 = math.absf %sub3A_628 : vector<16xf32>
      %mul3A_630 = arith.constant 1.024000e+03 : f32
      %mul3A_631 = vector.broadcast %mul3A_630 : f32 to vector<16xf32>
      %mul3A_632 = arith.mulf %abs3A_629, %mul3A_631 : vector<16xf32>
      %min3A_633 = arith.constant 1.023000e+03 : f32
      %min3A_634 = vector.broadcast %min3A_633 : f32 to vector<16xf32>
      %min3A_635 = arith.minimumf %mul3A_632, %min3A_634 : vector<16xf32>
      %convert_element_type3A_636 = arith.fptosi %min3A_635 : vector<16xf32> to vector<16xi32>
      %add3A_637 = arith.addi %convert_element_type3A_636, %mul3A_35 : vector<16xi32>
      %shift_left3A_638 = arith.constant 16 : i32
      %shift_left3A_639 = vector.broadcast %shift_left3A_638 : i32 to vector<16xi32>
      %shift_left3A_640 = arith.shli %get3A_495, %shift_left3A_639 : vector<16xi32>
      %add3A_641 = arith.constant 1 : i32
      %add3A_642 = vector.broadcast %add3A_641 : i32 to vector<16xi32>
      %add3A_643 = arith.addi %add3A_642, %shift_left3A_640 : vector<16xi32>
      %convert_element_type3A_644 = arith.sitofp %get3A_502 : vector<16xi32> to vector<16xf32>
      %sub3A_645 = arith.subf %convert_element_type3A_644, %get3A_390 : vector<16xf32>
      %abs3A_646 = math.absf %sub3A_645 : vector<16xf32>
      %mul3A_647 = arith.constant 1.024000e+03 : f32
      %mul3A_648 = vector.broadcast %mul3A_647 : f32 to vector<16xf32>
      %mul3A_649 = arith.mulf %abs3A_646, %mul3A_648 : vector<16xf32>
      %min3A_650 = arith.constant 1.023000e+03 : f32
      %min3A_651 = vector.broadcast %min3A_650 : f32 to vector<16xf32>
      %min3A_652 = arith.minimumf %mul3A_649, %min3A_651 : vector<16xf32>
      %convert_element_type3A_653 = arith.fptosi %min3A_652 : vector<16xf32> to vector<16xi32>
      %add3A_654 = arith.addi %convert_element_type3A_653, %mul3A_35 : vector<16xi32>
      %shift_left3A_655 = arith.constant 16 : i32
      %shift_left3A_656 = vector.broadcast %shift_left3A_655 : i32 to vector<16xi32>
      %shift_left3A_657 = arith.shli %get3A_502, %shift_left3A_656 : vector<16xi32>
      %add3A_658 = arith.constant 1 : i32
      %add3A_659 = vector.broadcast %add3A_658 : i32 to vector<16xi32>
      %add3A_660 = arith.addi %add3A_659, %shift_left3A_657 : vector<16xi32>
      %convert_element_type3A_661 = arith.sitofp %get3A_509 : vector<16xi32> to vector<16xf32>
      %sub3A_662 = arith.subf %convert_element_type3A_661, %get3A_397 : vector<16xf32>
      %abs3A_663 = math.absf %sub3A_662 : vector<16xf32>
      %mul3A_664 = arith.constant 1.024000e+03 : f32
      %mul3A_665 = vector.broadcast %mul3A_664 : f32 to vector<16xf32>
      %mul3A_666 = arith.mulf %abs3A_663, %mul3A_665 : vector<16xf32>
      %min3A_667 = arith.constant 1.023000e+03 : f32
      %min3A_668 = vector.broadcast %min3A_667 : f32 to vector<16xf32>
      %min3A_669 = arith.minimumf %mul3A_666, %min3A_668 : vector<16xf32>
      %convert_element_type3A_670 = arith.fptosi %min3A_669 : vector<16xf32> to vector<16xi32>
      %add3A_671 = arith.addi %convert_element_type3A_670, %mul3A_35 : vector<16xi32>
      %shift_left3A_672 = arith.constant 16 : i32
      %shift_left3A_673 = vector.broadcast %shift_left3A_672 : i32 to vector<16xi32>
      %shift_left3A_674 = arith.shli %get3A_509, %shift_left3A_673 : vector<16xi32>
      %add3A_675 = arith.constant 1 : i32
      %add3A_676 = vector.broadcast %add3A_675 : i32 to vector<16xi32>
      %add3A_677 = arith.addi %add3A_676, %shift_left3A_674 : vector<16xi32>
      %convert_element_type3A_678 = arith.sitofp %get3A_516 : vector<16xi32> to vector<16xf32>
      %sub3A_679 = arith.subf %convert_element_type3A_678, %get3A_404 : vector<16xf32>
      %abs3A_680 = math.absf %sub3A_679 : vector<16xf32>
      %mul3A_681 = arith.constant 1.024000e+03 : f32
      %mul3A_682 = vector.broadcast %mul3A_681 : f32 to vector<16xf32>
      %mul3A_683 = arith.mulf %abs3A_680, %mul3A_682 : vector<16xf32>
      %min3A_684 = arith.constant 1.023000e+03 : f32
      %min3A_685 = vector.broadcast %min3A_684 : f32 to vector<16xf32>
      %min3A_686 = arith.minimumf %mul3A_683, %min3A_685 : vector<16xf32>
      %convert_element_type3A_687 = arith.fptosi %min3A_686 : vector<16xf32> to vector<16xi32>
      %add3A_688 = arith.addi %convert_element_type3A_687, %mul3A_35 : vector<16xi32>
      %shift_left3A_689 = arith.constant 16 : i32
      %shift_left3A_690 = vector.broadcast %shift_left3A_689 : i32 to vector<16xi32>
      %shift_left3A_691 = arith.shli %get3A_516, %shift_left3A_690 : vector<16xi32>
      %add3A_692 = arith.constant 1 : i32
      %add3A_693 = vector.broadcast %add3A_692 : i32 to vector<16xi32>
      %add3A_694 = arith.addi %add3A_693, %shift_left3A_691 : vector<16xi32>
      %convert_element_type3A_695 = arith.sitofp %get3A_523 : vector<16xi32> to vector<16xf32>
      %sub3A_696 = arith.subf %convert_element_type3A_695, %get3A_411 : vector<16xf32>
      %abs3A_697 = math.absf %sub3A_696 : vector<16xf32>
      %mul3A_698 = arith.constant 1.024000e+03 : f32
      %mul3A_699 = vector.broadcast %mul3A_698 : f32 to vector<16xf32>
      %mul3A_700 = arith.mulf %abs3A_697, %mul3A_699 : vector<16xf32>
      %min3A_701 = arith.constant 1.023000e+03 : f32
      %min3A_702 = vector.broadcast %min3A_701 : f32 to vector<16xf32>
      %min3A_703 = arith.minimumf %mul3A_700, %min3A_702 : vector<16xf32>
      %convert_element_type3A_704 = arith.fptosi %min3A_703 : vector<16xf32> to vector<16xi32>
      %add3A_705 = arith.addi %convert_element_type3A_704, %mul3A_35 : vector<16xi32>
      %shift_left3A_706 = arith.constant 16 : i32
      %shift_left3A_707 = vector.broadcast %shift_left3A_706 : i32 to vector<16xi32>
      %shift_left3A_708 = arith.shli %get3A_523, %shift_left3A_707 : vector<16xi32>
      %add3A_709 = arith.constant 1 : i32
      %add3A_710 = vector.broadcast %add3A_709 : i32 to vector<16xi32>
      %add3A_711 = arith.addi %add3A_710, %shift_left3A_708 : vector<16xi32>
      %convert_element_type3A_712 = arith.sitofp %get3A_530 : vector<16xi32> to vector<16xf32>
      %sub3A_713 = arith.subf %convert_element_type3A_712, %get3A_418 : vector<16xf32>
      %abs3A_714 = math.absf %sub3A_713 : vector<16xf32>
      %mul3A_715 = arith.constant 1.024000e+03 : f32
      %mul3A_716 = vector.broadcast %mul3A_715 : f32 to vector<16xf32>
      %mul3A_717 = arith.mulf %abs3A_714, %mul3A_716 : vector<16xf32>
      %min3A_718 = arith.constant 1.023000e+03 : f32
      %min3A_719 = vector.broadcast %min3A_718 : f32 to vector<16xf32>
      %min3A_720 = arith.minimumf %mul3A_717, %min3A_719 : vector<16xf32>
      %convert_element_type3A_721 = arith.fptosi %min3A_720 : vector<16xf32> to vector<16xi32>
      %add3A_722 = arith.addi %convert_element_type3A_721, %mul3A_35 : vector<16xi32>
      %shift_left3A_723 = arith.constant 16 : i32
      %shift_left3A_724 = vector.broadcast %shift_left3A_723 : i32 to vector<16xi32>
      %shift_left3A_725 = arith.shli %get3A_530, %shift_left3A_724 : vector<16xi32>
      %add3A_726 = arith.constant 1 : i32
      %add3A_727 = vector.broadcast %add3A_726 : i32 to vector<16xi32>
      %add3A_728 = arith.addi %add3A_727, %shift_left3A_725 : vector<16xi32>
      %convert_element_type3A_729 = arith.sitofp %get3A_537 : vector<16xi32> to vector<16xf32>
      %sub3A_730 = arith.subf %convert_element_type3A_729, %get3A_425 : vector<16xf32>
      %abs3A_731 = math.absf %sub3A_730 : vector<16xf32>
      %mul3A_732 = arith.constant 1.024000e+03 : f32
      %mul3A_733 = vector.broadcast %mul3A_732 : f32 to vector<16xf32>
      %mul3A_734 = arith.mulf %abs3A_731, %mul3A_733 : vector<16xf32>
      %min3A_735 = arith.constant 1.023000e+03 : f32
      %min3A_736 = vector.broadcast %min3A_735 : f32 to vector<16xf32>
      %min3A_737 = arith.minimumf %mul3A_734, %min3A_736 : vector<16xf32>
      %convert_element_type3A_738 = arith.fptosi %min3A_737 : vector<16xf32> to vector<16xi32>
      %add3A_739 = arith.addi %convert_element_type3A_738, %mul3A_35 : vector<16xi32>
      %shift_left3A_740 = arith.constant 16 : i32
      %shift_left3A_741 = vector.broadcast %shift_left3A_740 : i32 to vector<16xi32>
      %shift_left3A_742 = arith.shli %get3A_537, %shift_left3A_741 : vector<16xi32>
      %add3A_743 = arith.constant 1 : i32
      %add3A_744 = vector.broadcast %add3A_743 : i32 to vector<16xi32>
      %add3A_745 = arith.addi %add3A_744, %shift_left3A_742 : vector<16xi32>
      %convert_element_type3A_746 = arith.sitofp %get3A_544 : vector<16xi32> to vector<16xf32>
      %sub3A_747 = arith.subf %convert_element_type3A_746, %get3A_432 : vector<16xf32>
      %abs3A_748 = math.absf %sub3A_747 : vector<16xf32>
      %mul3A_749 = arith.constant 1.024000e+03 : f32
      %mul3A_750 = vector.broadcast %mul3A_749 : f32 to vector<16xf32>
      %mul3A_751 = arith.mulf %abs3A_748, %mul3A_750 : vector<16xf32>
      %min3A_752 = arith.constant 1.023000e+03 : f32
      %min3A_753 = vector.broadcast %min3A_752 : f32 to vector<16xf32>
      %min3A_754 = arith.minimumf %mul3A_751, %min3A_753 : vector<16xf32>
      %convert_element_type3A_755 = arith.fptosi %min3A_754 : vector<16xf32> to vector<16xi32>
      %add3A_756 = arith.addi %convert_element_type3A_755, %mul3A_35 : vector<16xi32>
      %shift_left3A_757 = arith.constant 16 : i32
      %shift_left3A_758 = vector.broadcast %shift_left3A_757 : i32 to vector<16xi32>
      %shift_left3A_759 = arith.shli %get3A_544, %shift_left3A_758 : vector<16xi32>
      %add3A_760 = arith.constant 1 : i32
      %add3A_761 = vector.broadcast %add3A_760 : i32 to vector<16xi32>
      %add3A_762 = arith.addi %add3A_761, %shift_left3A_759 : vector<16xi32>
      %convert_element_type3A_763 = arith.sitofp %get3A_551 : vector<16xi32> to vector<16xf32>
      %sub3A_764 = arith.subf %convert_element_type3A_763, %get3A_439 : vector<16xf32>
      %abs3A_765 = math.absf %sub3A_764 : vector<16xf32>
      %mul3A_766 = arith.constant 1.024000e+03 : f32
      %mul3A_767 = vector.broadcast %mul3A_766 : f32 to vector<16xf32>
      %mul3A_768 = arith.mulf %abs3A_765, %mul3A_767 : vector<16xf32>
      %min3A_769 = arith.constant 1.023000e+03 : f32
      %min3A_770 = vector.broadcast %min3A_769 : f32 to vector<16xf32>
      %min3A_771 = arith.minimumf %mul3A_768, %min3A_770 : vector<16xf32>
      %convert_element_type3A_772 = arith.fptosi %min3A_771 : vector<16xf32> to vector<16xi32>
      %add3A_773 = arith.addi %convert_element_type3A_772, %mul3A_35 : vector<16xi32>
      %shift_left3A_774 = arith.constant 16 : i32
      %shift_left3A_775 = vector.broadcast %shift_left3A_774 : i32 to vector<16xi32>
      %shift_left3A_776 = arith.shli %get3A_551, %shift_left3A_775 : vector<16xi32>
      %add3A_777 = arith.constant 1 : i32
      %add3A_778 = vector.broadcast %add3A_777 : i32 to vector<16xi32>
      %add3A_779 = arith.addi %add3A_778, %shift_left3A_776 : vector<16xi32>
      %convert_element_type3A_780 = arith.sitofp %get3A_558 : vector<16xi32> to vector<16xf32>
      %sub3A_781 = arith.subf %convert_element_type3A_780, %get3A_446 : vector<16xf32>
      %abs3A_782 = math.absf %sub3A_781 : vector<16xf32>
      %mul3A_783 = arith.constant 1.024000e+03 : f32
      %mul3A_784 = vector.broadcast %mul3A_783 : f32 to vector<16xf32>
      %mul3A_785 = arith.mulf %abs3A_782, %mul3A_784 : vector<16xf32>
      %min3A_786 = arith.constant 1.023000e+03 : f32
      %min3A_787 = vector.broadcast %min3A_786 : f32 to vector<16xf32>
      %min3A_788 = arith.minimumf %mul3A_785, %min3A_787 : vector<16xf32>
      %convert_element_type3A_789 = arith.fptosi %min3A_788 : vector<16xf32> to vector<16xi32>
      %add3A_790 = arith.addi %convert_element_type3A_789, %mul3A_35 : vector<16xi32>
      %shift_left3A_791 = arith.constant 16 : i32
      %shift_left3A_792 = vector.broadcast %shift_left3A_791 : i32 to vector<16xi32>
      %shift_left3A_793 = arith.shli %get3A_558, %shift_left3A_792 : vector<16xi32>
      %add3A_794 = arith.constant 1 : i32
      %add3A_795 = vector.broadcast %add3A_794 : i32 to vector<16xi32>
      %add3A_796 = arith.addi %add3A_795, %shift_left3A_793 : vector<16xi32>
      %convert_element_type3A_797 = arith.sitofp %get3A_565 : vector<16xi32> to vector<16xf32>
      %sub3A_798 = arith.subf %convert_element_type3A_797, %get3A_453 : vector<16xf32>
      %abs3A_799 = math.absf %sub3A_798 : vector<16xf32>
      %mul3A_800 = arith.constant 1.024000e+03 : f32
      %mul3A_801 = vector.broadcast %mul3A_800 : f32 to vector<16xf32>
      %mul3A_802 = arith.mulf %abs3A_799, %mul3A_801 : vector<16xf32>
      %min3A_803 = arith.constant 1.023000e+03 : f32
      %min3A_804 = vector.broadcast %min3A_803 : f32 to vector<16xf32>
      %min3A_805 = arith.minimumf %mul3A_802, %min3A_804 : vector<16xf32>
      %convert_element_type3A_806 = arith.fptosi %min3A_805 : vector<16xf32> to vector<16xi32>
      %add3A_807 = arith.addi %convert_element_type3A_806, %mul3A_35 : vector<16xi32>
      %shift_left3A_808 = arith.constant 16 : i32
      %shift_left3A_809 = vector.broadcast %shift_left3A_808 : i32 to vector<16xi32>
      %shift_left3A_810 = arith.shli %get3A_565, %shift_left3A_809 : vector<16xi32>
      %add3A_811 = arith.constant 1 : i32
      %add3A_812 = vector.broadcast %add3A_811 : i32 to vector<16xi32>
      %add3A_813 = arith.addi %add3A_812, %shift_left3A_810 : vector<16xi32>
      %convert_element_type3A_814 = arith.sitofp %get3A_572 : vector<16xi32> to vector<16xf32>
      %sub3A_815 = arith.subf %convert_element_type3A_814, %get3A_460 : vector<16xf32>
      %abs3A_816 = math.absf %sub3A_815 : vector<16xf32>
      %mul3A_817 = arith.constant 1.024000e+03 : f32
      %mul3A_818 = vector.broadcast %mul3A_817 : f32 to vector<16xf32>
      %mul3A_819 = arith.mulf %abs3A_816, %mul3A_818 : vector<16xf32>
      %min3A_820 = arith.constant 1.023000e+03 : f32
      %min3A_821 = vector.broadcast %min3A_820 : f32 to vector<16xf32>
      %min3A_822 = arith.minimumf %mul3A_819, %min3A_821 : vector<16xf32>
      %convert_element_type3A_823 = arith.fptosi %min3A_822 : vector<16xf32> to vector<16xi32>
      %add3A_824 = arith.addi %convert_element_type3A_823, %mul3A_35 : vector<16xi32>
      %shift_left3A_825 = arith.constant 16 : i32
      %shift_left3A_826 = vector.broadcast %shift_left3A_825 : i32 to vector<16xi32>
      %shift_left3A_827 = arith.shli %get3A_572, %shift_left3A_826 : vector<16xi32>
      %add3A_828 = arith.constant 1 : i32
      %add3A_829 = vector.broadcast %add3A_828 : i32 to vector<16xi32>
      %add3A_830 = arith.addi %add3A_829, %shift_left3A_827 : vector<16xi32>
      %convert_element_type3A_831 = arith.sitofp %get3A_579 : vector<16xi32> to vector<16xf32>
      %sub3A_832 = arith.subf %convert_element_type3A_831, %get3A_467 : vector<16xf32>
      %abs3A_833 = math.absf %sub3A_832 : vector<16xf32>
      %mul3A_834 = arith.constant 1.024000e+03 : f32
      %mul3A_835 = vector.broadcast %mul3A_834 : f32 to vector<16xf32>
      %mul3A_836 = arith.mulf %abs3A_833, %mul3A_835 : vector<16xf32>
      %min3A_837 = arith.constant 1.023000e+03 : f32
      %min3A_838 = vector.broadcast %min3A_837 : f32 to vector<16xf32>
      %min3A_839 = arith.minimumf %mul3A_836, %min3A_838 : vector<16xf32>
      %convert_element_type3A_840 = arith.fptosi %min3A_839 : vector<16xf32> to vector<16xi32>
      %add3A_841 = arith.addi %convert_element_type3A_840, %mul3A_35 : vector<16xi32>
      %shift_left3A_842 = arith.constant 16 : i32
      %shift_left3A_843 = vector.broadcast %shift_left3A_842 : i32 to vector<16xi32>
      %shift_left3A_844 = arith.shli %get3A_579, %shift_left3A_843 : vector<16xi32>
      %add3A_845 = arith.constant 1 : i32
      %add3A_846 = vector.broadcast %add3A_845 : i32 to vector<16xi32>
      %add3A_847 = arith.addi %add3A_846, %shift_left3A_844 : vector<16xi32>
      tpu.vector_store_idx %arg7[%add3A_587], %add3A_592 {add = true} : memref<16384xi32, #tpu.memory_space<vmem>>[vector<16xi32>], vector<16xi32>,
      tpu.vector_store_idx %arg7[%add3A_603], %add3A_609 {add = true} : memref<16384xi32, #tpu.memory_space<vmem>>[vector<16xi32>], vector<16xi32>,
      tpu.vector_store_idx %arg7[%add3A_620], %add3A_626 {add = true} : memref<16384xi32, #tpu.memory_space<vmem>>[vector<16xi32>], vector<16xi32>,
      tpu.vector_store_idx %arg7[%add3A_637], %add3A_643 {add = true} : memref<16384xi32, #tpu.memory_space<vmem>>[vector<16xi32>], vector<16xi32>,
      tpu.vector_store_idx %arg7[%add3A_654], %add3A_660 {add = true} : memref<16384xi32, #tpu.memory_space<vmem>>[vector<16xi32>], vector<16xi32>,
      tpu.vector_store_idx %arg7[%add3A_671], %add3A_677 {add = true} : memref<16384xi32, #tpu.memory_space<vmem>>[vector<16xi32>], vector<16xi32>,
      tpu.vector_store_idx %arg7[%add3A_688], %add3A_694 {add = true} : memref<16384xi32, #tpu.memory_space<vmem>>[vector<16xi32>], vector<16xi32>,
      tpu.vector_store_idx %arg7[%add3A_705], %add3A_711 {add = true} : memref<16384xi32, #tpu.memory_space<vmem>>[vector<16xi32>], vector<16xi32>,
      tpu.vector_store_idx %arg7[%add3A_722], %add3A_728 {add = true} : memref<16384xi32, #tpu.memory_space<vmem>>[vector<16xi32>], vector<16xi32>,
      tpu.vector_store_idx %arg7[%add3A_739], %add3A_745 {add = true} : memref<16384xi32, #tpu.memory_space<vmem>>[vector<16xi32>], vector<16xi32>,
      tpu.vector_store_idx %arg7[%add3A_756], %add3A_762 {add = true} : memref<16384xi32, #tpu.memory_space<vmem>>[vector<16xi32>], vector<16xi32>,
      tpu.vector_store_idx %arg7[%add3A_773], %add3A_779 {add = true} : memref<16384xi32, #tpu.memory_space<vmem>>[vector<16xi32>], vector<16xi32>,
      tpu.vector_store_idx %arg7[%add3A_790], %add3A_796 {add = true} : memref<16384xi32, #tpu.memory_space<vmem>>[vector<16xi32>], vector<16xi32>,
      tpu.vector_store_idx %arg7[%add3A_807], %add3A_813 {add = true} : memref<16384xi32, #tpu.memory_space<vmem>>[vector<16xi32>], vector<16xi32>,
      tpu.vector_store_idx %arg7[%add3A_824], %add3A_830 {add = true} : memref<16384xi32, #tpu.memory_space<vmem>>[vector<16xi32>], vector<16xi32>,
      tpu.vector_store_idx %arg7[%add3A_841], %add3A_847 {add = true} : memref<16384xi32, #tpu.memory_space<vmem>>[vector<16xi32>], vector<16xi32>,
    }
    %scan3A_139 = arith.constant 64 : i32
    %add3A_140 = arith.constant 64 : i32
    %add3A_141 = arith.addi %mul3A_32, %add3A_140 : i32
    %dma_start3A_142 = arith.constant 0 : i32
    %dma_start3A_143 = arith.constant 0 : i32
    %dma_start3A_144 = arith.constant 0 : i32
    %dma_start3A_145 = tpu.memref_slice %arg5[%dma_start3A_142, %dma_start3A_143, %dma_start3A_144] : memref<2x32x512xf32, #tpu.memory_space<vmem>> -> memref<1x32x512xf32, #tpu.memory_space<vmem>>
    %dma_start3A_146 = tpu.memref_squeeze %dma_start3A_145 : memref<1x32x512xf32, #tpu.memory_space<vmem>> -> memref<32x512xf32, #tpu.memory_space<vmem>>
    %dma_start3A_147 = arith.constant 0 : i32
    %dma_start3A_148 = tpu.memref_slice %arg2[%select_n3A, %add3A_141, %dma_start3A_147] : memref<8x512x512xf32, #tpu.memory_space<hbm>> -> memref<1x32x512xf32, #tpu.memory_space<hbm>>
    %dma_start3A_149 = tpu.memref_squeeze %dma_start3A_148 : memref<1x32x512xf32, #tpu.memory_space<hbm>> -> memref<32x512xf32, #tpu.memory_space<hbm>>
    %dma_start3A_150 = arith.constant 0 : i32
    %dma_start3A_151 = arith.constant 0 : i32
    %dma_start3A_152 = tpu.memref_slice %arg5[%dma_start3A_142, %dma_start3A_150, %dma_start3A_151] : memref<2x32x512xf32, #tpu.memory_space<vmem>> -> memref<1x32x512xf32, #tpu.memory_space<vmem>>
    %dma_start3A_153 = tpu.memref_squeeze %dma_start3A_152 : memref<1x32x512xf32, #tpu.memory_space<vmem>> -> memref<32x512xf32, #tpu.memory_space<vmem>>
    %dma_start3A_154 = arith.constant 0 : i32
    %dma_start3A_155 = tpu.memref_slice %arg2[%select_n3A, %add3A_141, %dma_start3A_154] : memref<8x512x512xf32, #tpu.memory_space<hbm>> -> memref<1x32x512xf32, #tpu.memory_space<hbm>>
    %dma_start3A_156 = tpu.memref_squeeze %dma_start3A_155 : memref<1x32x512xf32, #tpu.memory_space<hbm>> -> memref<32x512xf32, #tpu.memory_space<hbm>>
    tpu.enqueue_dma source(%dma_start3A_156 : memref<32x512xf32, #tpu.memory_space<hbm>>) target(%dma_start3A_153 : memref<32x512xf32, #tpu.memory_space<vmem>>) target_semaphore(%arg8 : memref<!tpu.dma_semaphore, #tpu.memory_space<semaphore_mem>>)
    %dma_start3A_157 = arith.constant 0 : i32
    %dma_start3A_158 = arith.constant 0 : i32
    %dma_start3A_159 = arith.constant 0 : i32
    %dma_start3A_160 = tpu.memref_slice %arg6[%dma_start3A_157, %dma_start3A_158, %dma_start3A_159] : memref<2x32x512xi32, #tpu.memory_space<vmem>> -> memref<1x32x512xi32, #tpu.memory_space<vmem>>
    %dma_start3A_161 = tpu.memref_squeeze %dma_start3A_160 : memref<1x32x512xi32, #tpu.memory_space<vmem>> -> memref<32x512xi32, #tpu.memory_space<vmem>>
    %dma_start3A_162 = arith.constant 0 : i32
    %dma_start3A_163 = tpu.memref_slice %arg3[%select_n3A, %add3A_141, %dma_start3A_162] : memref<8x512x512xi32, #tpu.memory_space<hbm>> -> memref<1x32x512xi32, #tpu.memory_space<hbm>>
    %dma_start3A_164 = tpu.memref_squeeze %dma_start3A_163 : memref<1x32x512xi32, #tpu.memory_space<hbm>> -> memref<32x512xi32, #tpu.memory_space<hbm>>
    %dma_start3A_165 = arith.constant 0 : i32
    %dma_start3A_166 = arith.constant 0 : i32
    %dma_start3A_167 = tpu.memref_slice %arg6[%dma_start3A_157, %dma_start3A_165, %dma_start3A_166] : memref<2x32x512xi32, #tpu.memory_space<vmem>> -> memref<1x32x512xi32, #tpu.memory_space<vmem>>
    %dma_start3A_168 = tpu.memref_squeeze %dma_start3A_167 : memref<1x32x512xi32, #tpu.memory_space<vmem>> -> memref<32x512xi32, #tpu.memory_space<vmem>>
    %dma_start3A_169 = arith.constant 0 : i32
    %dma_start3A_170 = tpu.memref_slice %arg3[%select_n3A, %add3A_141, %dma_start3A_169] : memref<8x512x512xi32, #tpu.memory_space<hbm>> -> memref<1x32x512xi32, #tpu.memory_space<hbm>>
    %dma_start3A_171 = tpu.memref_squeeze %dma_start3A_170 : memref<1x32x512xi32, #tpu.memory_space<hbm>> -> memref<32x512xi32, #tpu.memory_space<hbm>>
    tpu.enqueue_dma source(%dma_start3A_171 : memref<32x512xi32, #tpu.memory_space<hbm>>) target(%dma_start3A_168 : memref<32x512xi32, #tpu.memory_space<vmem>>) target_semaphore(%arg9 : memref<!tpu.dma_semaphore, #tpu.memory_space<semaphore_mem>>)
    %dma_wait3A_172 = arith.constant 1 : i32
    %dma_wait3A_173 = arith.constant 0 : i32
    %dma_wait3A_174 = arith.constant 0 : i32
    %dma_wait3A_175 = tpu.memref_slice %arg5[%dma_wait3A_172, %dma_wait3A_173, %dma_wait3A_174] : memref<2x32x512xf32, #tpu.memory_space<vmem>> -> memref<1x32x512xf32, #tpu.memory_space<vmem>>
    %dma_wait3A_176 = tpu.memref_squeeze %dma_wait3A_175 : memref<1x32x512xf32, #tpu.memory_space<vmem>> -> memref<32x512xf32, #tpu.memory_space<vmem>>
    %dma_wait3A_177 = arith.constant 0 : i32
    %dma_wait3A_178 = tpu.memref_slice %arg2[%select_n3A, %add3A_74, %dma_wait3A_177] : memref<8x512x512xf32, #tpu.memory_space<hbm>> -> memref<1x32x512xf32, #tpu.memory_space<hbm>>
    %dma_wait3A_179 = tpu.memref_squeeze %dma_wait3A_178 : memref<1x32x512xf32, #tpu.memory_space<hbm>> -> memref<32x512xf32, #tpu.memory_space<hbm>>
    %dma_wait3A_180 = arith.constant 0 : i32
    %dma_wait3A_181 = arith.constant 0 : i32
    %dma_wait3A_182 = tpu.memref_slice %arg5[%dma_wait3A_172, %dma_wait3A_180, %dma_wait3A_181] : memref<2x32x512xf32, #tpu.memory_space<vmem>> -> memref<1x32x512xf32, #tpu.memory_space<vmem>>
    %dma_wait3A_183 = tpu.memref_squeeze %dma_wait3A_182 : memref<1x32x512xf32, #tpu.memory_space<vmem>> -> memref<32x512xf32, #tpu.memory_space<vmem>>
    %dma_wait3A_184 = arith.constant 0 : i32
    %dma_wait3A_185 = tpu.memref_slice %arg2[%select_n3A, %add3A_74, %dma_wait3A_184] : memref<8x512x512xf32, #tpu.memory_space<hbm>> -> memref<1x32x512xf32, #tpu.memory_space<hbm>>
    %dma_wait3A_186 = tpu.memref_squeeze %dma_wait3A_185 : memref<1x32x512xf32, #tpu.memory_space<hbm>> -> memref<32x512xf32, #tpu.memory_space<hbm>>
    tpu.wait_dma2 semaphore(%arg10 : memref<!tpu.dma_semaphore, #tpu.memory_space<semaphore_mem>>) src(%dma_wait3A_186 : memref<32x512xf32, #tpu.memory_space<hbm>>) dst(%dma_wait3A_183 : memref<32x512xf32, #tpu.memory_space<vmem>>)
    %dma_wait3A_187 = arith.constant 1 : i32
    %dma_wait3A_188 = arith.constant 0 : i32
    %dma_wait3A_189 = arith.constant 0 : i32
    %dma_wait3A_190 = tpu.memref_slice %arg6[%dma_wait3A_187, %dma_wait3A_188, %dma_wait3A_189] : memref<2x32x512xi32, #tpu.memory_space<vmem>> -> memref<1x32x512xi32, #tpu.memory_space<vmem>>
    %dma_wait3A_191 = tpu.memref_squeeze %dma_wait3A_190 : memref<1x32x512xi32, #tpu.memory_space<vmem>> -> memref<32x512xi32, #tpu.memory_space<vmem>>
    %dma_wait3A_192 = arith.constant 0 : i32
    %dma_wait3A_193 = tpu.memref_slice %arg3[%select_n3A, %add3A_74, %dma_wait3A_192] : memref<8x512x512xi32, #tpu.memory_space<hbm>> -> memref<1x32x512xi32, #tpu.memory_space<hbm>>
    %dma_wait3A_194 = tpu.memref_squeeze %dma_wait3A_193 : memref<1x32x512xi32, #tpu.memory_space<hbm>> -> memref<32x512xi32, #tpu.memory_space<hbm>>
    %dma_wait3A_195 = arith.constant 0 : i32
    %dma_wait3A_196 = arith.constant 0 : i32
    %dma_wait3A_197 = tpu.memref_slice %arg6[%dma_wait3A_187, %dma_wait3A_195, %dma_wait3A_196] : memref<2x32x512xi32, #tpu.memory_space<vmem>> -> memref<1x32x512xi32, #tpu.memory_space<vmem>>
    %dma_wait3A_198 = tpu.memref_squeeze %dma_wait3A_197 : memref<1x32x512xi32, #tpu.memory_space<vmem>> -> memref<32x512xi32, #tpu.memory_space<vmem>>
    %dma_wait3A_199 = arith.constant 0 : i32
    %dma_wait3A_200 = tpu.memref_slice %arg3[%select_n3A, %add3A_74, %dma_wait3A_199] : memref<8x512x512xi32, #tpu.memory_space<hbm>> -> memref<1x32x512xi32, #tpu.memory_space<hbm>>
    %dma_wait3A_201 = tpu.memref_squeeze %dma_wait3A_200 : memref<1x32x512xi32, #tpu.memory_space<hbm>> -> memref<32x512xi32, #tpu.memory_space<hbm>>
    tpu.wait_dma2 semaphore(%arg11 : memref<!tpu.dma_semaphore, #tpu.memory_space<semaphore_mem>>) src(%dma_wait3A_201 : memref<32x512xi32, #tpu.memory_space<hbm>>) dst(%dma_wait3A_198 : memref<32x512xi32, #tpu.memory_space<vmem>>)
    %scan3A_202 = arith.constant 0 : i32
    %scan3A_203 = arith.constant 0 : i32
    %scan3A_204 = arith.constant 64 : i32
    %scan3A_205 = arith.addi %scan3A_203, %scan3A_204 : i32
    %scan3A_206 = arith.constant 1 : i32
    scf.for %scan3A_314 = %scan3A_203 to %scan3A_205 step %scan3A_206  : i32 {
      %jit3A_315 = arith.constant 2 : i32
      %div3A_316 = arith.divsi %scan3A_314, %jit3A_315 : i32
      %sign3A_317 = arith.constant 0 : i32
      %sign3A_318 = arith.cmpi sgt, %scan3A_314, %sign3A_317 : i32
      %sign3A_319 = arith.extui %sign3A_318 : i1 to i32
      %sign3A_320 = arith.constant 0 : i32
      %sign3A_321 = arith.cmpi slt, %scan3A_314, %sign3A_320 : i32
      %sign3A_322 = arith.extui %sign3A_321 : i1 to i32
      %sign3A_323 = arith.subi %sign3A_319, %sign3A_322 : i32
      %sign3A_324 = arith.constant 0 : i32
      %sign3A_325 = arith.cmpi sgt, %jit3A_315, %sign3A_324 : i32
      %sign3A_326 = arith.extui %sign3A_325 : i1 to i32
      %sign3A_327 = arith.constant 0 : i32
      %sign3A_328 = arith.cmpi slt, %jit3A_315, %sign3A_327 : i32
      %sign3A_329 = arith.extui %sign3A_328 : i1 to i32
      %sign3A_330 = arith.subi %sign3A_326, %sign3A_329 : i32
      %ne3A_331 = arith.cmpi ne, %sign3A_323, %sign3A_330 : i32
      %rem3A_332 = arith.remsi %scan3A_314, %jit3A_315 : i32
      %ne3A_333 = arith.constant 0 : i32
      %ne3A_334 = arith.cmpi ne, %rem3A_332, %ne3A_333 : i32
      %and3A_335 = arith.andi %ne3A_331, %ne3A_334 : i1
      %sub3A_336 = arith.constant 1 : i32
      %sub3A_337 = arith.subi %div3A_316, %sub3A_336 : i32
      %select_n3A_338 = arith.select %and3A_335, %sub3A_337, %div3A_316 : i32
      %jit3A_339 = arith.constant 2 : i32
      %eq3A_340 = arith.constant 0 : i32
      %eq3A_341 = arith.cmpi eq, %jit3A_339, %eq3A_340 : i32
      %jit3A_342 = arith.constant 1 : i32
      %select_n3A_343 = arith.select %eq3A_341, %jit3A_342, %jit3A_339 : i32
      %rem3A_344 = arith.remsi %scan3A_314, %select_n3A_343 : i32
      %ne3A_345 = arith.constant 0 : i32
      %ne3A_346 = arith.cmpi ne, %rem3A_344, %ne3A_345 : i32
      %lt3A_347 = arith.constant 0 : i32
      %lt3A_348 = arith.cmpi slt, %rem3A_344, %lt3A_347 : i32
      %lt3A_349 = arith.constant 0 : i32
      %lt3A_350 = arith.cmpi slt, %select_n3A_343, %lt3A_349 : i32
      %ne3A_351 = arith.xori %lt3A_348, %lt3A_350 : i1
      %and3A_352 = arith.andi %ne3A_351, %ne3A_346 : i1
      %add3A_353 = arith.addi %rem3A_344, %select_n3A_343 : i32
      %select_n3A_354 = arith.select %and3A_352, %add3A_353, %rem3A_344 : i32
      %mul3A_355 = arith.constant 256 : i32
      %mul3A_356 = arith.muli %select_n3A_354, %mul3A_355 : i32
      %add3A_357 = arith.constant 0 : i32
      %add3A_358 = arith.addi %mul3A_356, %add3A_357 : i32
      %get3A = arith.constant 1 : i32
      %get3A_359 = arith.index_cast %get3A : i32 to index
      %get3A_360 = arith.index_cast %select_n3A_338 : i32 to index
      %get3A_361 = arith.index_cast %add3A_358 : i32 to index
      %get3A_362 = tpu.vector_load %arg5[%get3A_359, %get3A_360, %get3A_361] {strides = array<i32>} : memref<2x32x512xf32, #tpu.memory_space<vmem>>, vector<16xf32>,
      %add3A_363 = arith.constant 16 : i32
      %add3A_364 = arith.addi %mul3A_356, %add3A_363 : i32
      %get3A_365 = arith.constant 1 : i32
      %get3A_366 = arith.index_cast %get3A_365 : i32 to index
      %get3A_367 = arith.index_cast %select_n3A_338 : i32 to index
      %get3A_368 = arith.index_cast %add3A_364 : i32 to index
      %get3A_369 = tpu.vector_load %arg5[%get3A_366, %get3A_367, %get3A_368] {strides = array<i32>} : memref<2x32x512xf32, #tpu.memory_space<vmem>>, vector<16xf32>,
      %add3A_370 = arith.constant 32 : i32
      %add3A_371 = arith.addi %mul3A_356, %add3A_370 : i32
      %get3A_372 = arith.constant 1 : i32
      %get3A_373 = arith.index_cast %get3A_372 : i32 to index
      %get3A_374 = arith.index_cast %select_n3A_338 : i32 to index
      %get3A_375 = arith.index_cast %add3A_371 : i32 to index
      %get3A_376 = tpu.vector_load %arg5[%get3A_373, %get3A_374, %get3A_375] {strides = array<i32>} : memref<2x32x512xf32, #tpu.memory_space<vmem>>, vector<16xf32>,
      %add3A_377 = arith.constant 48 : i32
      %add3A_378 = arith.addi %mul3A_356, %add3A_377 : i32
      %get3A_379 = arith.constant 1 : i32
      %get3A_380 = arith.index_cast %get3A_379 : i32 to index
      %get3A_381 = arith.index_cast %select_n3A_338 : i32 to index
      %get3A_382 = arith.index_cast %add3A_378 : i32 to index
      %get3A_383 = tpu.vector_load %arg5[%get3A_380, %get3A_381, %get3A_382] {strides = array<i32>} : memref<2x32x512xf32, #tpu.memory_space<vmem>>, vector<16xf32>,
      %add3A_384 = arith.constant 64 : i32
      %add3A_385 = arith.addi %mul3A_356, %add3A_384 : i32
      %get3A_386 = arith.constant 1 : i32
      %get3A_387 = arith.index_cast %get3A_386 : i32 to index
      %get3A_388 = arith.index_cast %select_n3A_338 : i32 to index
      %get3A_389 = arith.index_cast %add3A_385 : i32 to index
      %get3A_390 = tpu.vector_load %arg5[%get3A_387, %get3A_388, %get3A_389] {strides = array<i32>} : memref<2x32x512xf32, #tpu.memory_space<vmem>>, vector<16xf32>,
      %add3A_391 = arith.constant 80 : i32
      %add3A_392 = arith.addi %mul3A_356, %add3A_391 : i32
      %get3A_393 = arith.constant 1 : i32
      %get3A_394 = arith.index_cast %get3A_393 : i32 to index
      %get3A_395 = arith.index_cast %select_n3A_338 : i32 to index
      %get3A_396 = arith.index_cast %add3A_392 : i32 to index
      %get3A_397 = tpu.vector_load %arg5[%get3A_394, %get3A_395, %get3A_396] {strides = array<i32>} : memref<2x32x512xf32, #tpu.memory_space<vmem>>, vector<16xf32>,
      %add3A_398 = arith.constant 96 : i32
      %add3A_399 = arith.addi %mul3A_356, %add3A_398 : i32
      %get3A_400 = arith.constant 1 : i32
      %get3A_401 = arith.index_cast %get3A_400 : i32 to index
      %get3A_402 = arith.index_cast %select_n3A_338 : i32 to index
      %get3A_403 = arith.index_cast %add3A_399 : i32 to index
      %get3A_404 = tpu.vector_load %arg5[%get3A_401, %get3A_402, %get3A_403] {strides = array<i32>} : memref<2x32x512xf32, #tpu.memory_space<vmem>>, vector<16xf32>,
      %add3A_405 = arith.constant 112 : i32
      %add3A_406 = arith.addi %mul3A_356, %add3A_405 : i32
      %get3A_407 = arith.constant 1 : i32
      %get3A_408 = arith.index_cast %get3A_407 : i32 to index
      %get3A_409 = arith.index_cast %select_n3A_338 : i32 to index
      %get3A_410 = arith.index_cast %add3A_406 : i32 to index
      %get3A_411 = tpu.vector_load %arg5[%get3A_408, %get3A_409, %get3A_410] {strides = array<i32>} : memref<2x32x512xf32, #tpu.memory_space<vmem>>, vector<16xf32>,
      %add3A_412 = arith.constant 128 : i32
      %add3A_413 = arith.addi %mul3A_356, %add3A_412 : i32
      %get3A_414 = arith.constant 1 : i32
      %get3A_415 = arith.index_cast %get3A_414 : i32 to index
      %get3A_416 = arith.index_cast %select_n3A_338 : i32 to index
      %get3A_417 = arith.index_cast %add3A_413 : i32 to index
      %get3A_418 = tpu.vector_load %arg5[%get3A_415, %get3A_416, %get3A_417] {strides = array<i32>} : memref<2x32x512xf32, #tpu.memory_space<vmem>>, vector<16xf32>,
      %add3A_419 = arith.constant 144 : i32
      %add3A_420 = arith.addi %mul3A_356, %add3A_419 : i32
      %get3A_421 = arith.constant 1 : i32
      %get3A_422 = arith.index_cast %get3A_421 : i32 to index
      %get3A_423 = arith.index_cast %select_n3A_338 : i32 to index
      %get3A_424 = arith.index_cast %add3A_420 : i32 to index
      %get3A_425 = tpu.vector_load %arg5[%get3A_422, %get3A_423, %get3A_424] {strides = array<i32>} : memref<2x32x512xf32, #tpu.memory_space<vmem>>, vector<16xf32>,
      %add3A_426 = arith.constant 160 : i32
      %add3A_427 = arith.addi %mul3A_356, %add3A_426 : i32
      %get3A_428 = arith.constant 1 : i32
      %get3A_429 = arith.index_cast %get3A_428 : i32 to index
      %get3A_430 = arith.index_cast %select_n3A_338 : i32 to index
      %get3A_431 = arith.index_cast %add3A_427 : i32 to index
      %get3A_432 = tpu.vector_load %arg5[%get3A_429, %get3A_430, %get3A_431] {strides = array<i32>} : memref<2x32x512xf32, #tpu.memory_space<vmem>>, vector<16xf32>,
      %add3A_433 = arith.constant 176 : i32
      %add3A_434 = arith.addi %mul3A_356, %add3A_433 : i32
      %get3A_435 = arith.constant 1 : i32
      %get3A_436 = arith.index_cast %get3A_435 : i32 to index
      %get3A_437 = arith.index_cast %select_n3A_338 : i32 to index
      %get3A_438 = arith.index_cast %add3A_434 : i32 to index
      %get3A_439 = tpu.vector_load %arg5[%get3A_436, %get3A_437, %get3A_438] {strides = array<i32>} : memref<2x32x512xf32, #tpu.memory_space<vmem>>, vector<16xf32>,
      %add3A_440 = arith.constant 192 : i32
      %add3A_441 = arith.addi %mul3A_356, %add3A_440 : i32
      %get3A_442 = arith.constant 1 : i32
      %get3A_443 = arith.index_cast %get3A_442 : i32 to index
      %get3A_444 = arith.index_cast %select_n3A_338 : i32 to index
      %get3A_445 = arith.index_cast %add3A_441 : i32 to index
      %get3A_446 = tpu.vector_load %arg5[%get3A_443, %get3A_444, %get3A_445] {strides = array<i32>} : memref<2x32x512xf32, #tpu.memory_space<vmem>>, vector<16xf32>,
      %add3A_447 = arith.constant 208 : i32
      %add3A_448 = arith.addi %mul3A_356, %add3A_447 : i32
      %get3A_449 = arith.constant 1 : i32
      %get3A_450 = arith.index_cast %get3A_449 : i32 to index
      %get3A_451 = arith.index_cast %select_n3A_338 : i32 to index
      %get3A_452 = arith.index_cast %add3A_448 : i32 to index
      %get3A_453 = tpu.vector_load %arg5[%get3A_450, %get3A_451, %get3A_452] {strides = array<i32>} : memref<2x32x512xf32, #tpu.memory_space<vmem>>, vector<16xf32>,
      %add3A_454 = arith.constant 224 : i32
      %add3A_455 = arith.addi %mul3A_356, %add3A_454 : i32
      %get3A_456 = arith.constant 1 : i32
      %get3A_457 = arith.index_cast %get3A_456 : i32 to index
      %get3A_458 = arith.index_cast %select_n3A_338 : i32 to index
      %get3A_459 = arith.index_cast %add3A_455 : i32 to index
      %get3A_460 = tpu.vector_load %arg5[%get3A_457, %get3A_458, %get3A_459] {strides = array<i32>} : memref<2x32x512xf32, #tpu.memory_space<vmem>>, vector<16xf32>,
      %add3A_461 = arith.constant 240 : i32
      %add3A_462 = arith.addi %mul3A_356, %add3A_461 : i32
      %get3A_463 = arith.constant 1 : i32
      %get3A_464 = arith.index_cast %get3A_463 : i32 to index
      %get3A_465 = arith.index_cast %select_n3A_338 : i32 to index
      %get3A_466 = arith.index_cast %add3A_462 : i32 to index
      %get3A_467 = tpu.vector_load %arg5[%get3A_464, %get3A_465, %get3A_466] {strides = array<i32>} : memref<2x32x512xf32, #tpu.memory_space<vmem>>, vector<16xf32>,
      %add3A_468 = arith.constant 0 : i32
      %add3A_469 = arith.addi %mul3A_356, %add3A_468 : i32
      %get3A_470 = arith.constant 1 : i32
      %get3A_471 = arith.index_cast %get3A_470 : i32 to index
      %get3A_472 = arith.index_cast %select_n3A_338 : i32 to index
      %get3A_473 = arith.index_cast %add3A_469 : i32 to index
      %get3A_474 = tpu.vector_load %arg6[%get3A_471, %get3A_472, %get3A_473] {strides = array<i32>} : memref<2x32x512xi32, #tpu.memory_space<vmem>>, vector<16xi32>,
      %add3A_475 = arith.constant 16 : i32
      %add3A_476 = arith.addi %mul3A_356, %add3A_475 : i32
      %get3A_477 = arith.constant 1 : i32
      %get3A_478 = arith.index_cast %get3A_477 : i32 to index
      %get3A_479 = arith.index_cast %select_n3A_338 : i32 to index
      %get3A_480 = arith.index_cast %add3A_476 : i32 to index
      %get3A_481 = tpu.vector_load %arg6[%get3A_478, %get3A_479, %get3A_480] {strides = array<i32>} : memref<2x32x512xi32, #tpu.memory_space<vmem>>, vector<16xi32>,
      %add3A_482 = arith.constant 32 : i32
      %add3A_483 = arith.addi %mul3A_356, %add3A_482 : i32
      %get3A_484 = arith.constant 1 : i32
      %get3A_485 = arith.index_cast %get3A_484 : i32 to index
      %get3A_486 = arith.index_cast %select_n3A_338 : i32 to index
      %get3A_487 = arith.index_cast %add3A_483 : i32 to index
      %get3A_488 = tpu.vector_load %arg6[%get3A_485, %get3A_486, %get3A_487] {strides = array<i32>} : memref<2x32x512xi32, #tpu.memory_space<vmem>>, vector<16xi32>,
      %add3A_489 = arith.constant 48 : i32
      %add3A_490 = arith.addi %mul3A_356, %add3A_489 : i32
      %get3A_491 = arith.constant 1 : i32
      %get3A_492 = arith.index_cast %get3A_491 : i32 to index
      %get3A_493 = arith.index_cast %select_n3A_338 : i32 to index
      %get3A_494 = arith.index_cast %add3A_490 : i32 to index
      %get3A_495 = tpu.vector_load %arg6[%get3A_492, %get3A_493, %get3A_494] {strides = array<i32>} : memref<2x32x512xi32, #tpu.memory_space<vmem>>, vector<16xi32>,
      %add3A_496 = arith.constant 64 : i32
      %add3A_497 = arith.addi %mul3A_356, %add3A_496 : i32
      %get3A_498 = arith.constant 1 : i32
      %get3A_499 = arith.index_cast %get3A_498 : i32 to index
      %get3A_500 = arith.index_cast %select_n3A_338 : i32 to index
      %get3A_501 = arith.index_cast %add3A_497 : i32 to index
      %get3A_502 = tpu.vector_load %arg6[%get3A_499, %get3A_500, %get3A_501] {strides = array<i32>} : memref<2x32x512xi32, #tpu.memory_space<vmem>>, vector<16xi32>,
      %add3A_503 = arith.constant 80 : i32
      %add3A_504 = arith.addi %mul3A_356, %add3A_503 : i32
      %get3A_505 = arith.constant 1 : i32
      %get3A_506 = arith.index_cast %get3A_505 : i32 to index
      %get3A_507 = arith.index_cast %select_n3A_338 : i32 to index
      %get3A_508 = arith.index_cast %add3A_504 : i32 to index
      %get3A_509 = tpu.vector_load %arg6[%get3A_506, %get3A_507, %get3A_508] {strides = array<i32>} : memref<2x32x512xi32, #tpu.memory_space<vmem>>, vector<16xi32>,
      %add3A_510 = arith.constant 96 : i32
      %add3A_511 = arith.addi %mul3A_356, %add3A_510 : i32
      %get3A_512 = arith.constant 1 : i32
      %get3A_513 = arith.index_cast %get3A_512 : i32 to index
      %get3A_514 = arith.index_cast %select_n3A_338 : i32 to index
      %get3A_515 = arith.index_cast %add3A_511 : i32 to index
      %get3A_516 = tpu.vector_load %arg6[%get3A_513, %get3A_514, %get3A_515] {strides = array<i32>} : memref<2x32x512xi32, #tpu.memory_space<vmem>>, vector<16xi32>,
      %add3A_517 = arith.constant 112 : i32
      %add3A_518 = arith.addi %mul3A_356, %add3A_517 : i32
      %get3A_519 = arith.constant 1 : i32
      %get3A_520 = arith.index_cast %get3A_519 : i32 to index
      %get3A_521 = arith.index_cast %select_n3A_338 : i32 to index
      %get3A_522 = arith.index_cast %add3A_518 : i32 to index
      %get3A_523 = tpu.vector_load %arg6[%get3A_520, %get3A_521, %get3A_522] {strides = array<i32>} : memref<2x32x512xi32, #tpu.memory_space<vmem>>, vector<16xi32>,
      %add3A_524 = arith.constant 128 : i32
      %add3A_525 = arith.addi %mul3A_356, %add3A_524 : i32
      %get3A_526 = arith.constant 1 : i32
      %get3A_527 = arith.index_cast %get3A_526 : i32 to index
      %get3A_528 = arith.index_cast %select_n3A_338 : i32 to index
      %get3A_529 = arith.index_cast %add3A_525 : i32 to index
      %get3A_530 = tpu.vector_load %arg6[%get3A_527, %get3A_528, %get3A_529] {strides = array<i32>} : memref<2x32x512xi32, #tpu.memory_space<vmem>>, vector<16xi32>,
      %add3A_531 = arith.constant 144 : i32
      %add3A_532 = arith.addi %mul3A_356, %add3A_531 : i32
      %get3A_533 = arith.constant 1 : i32
      %get3A_534 = arith.index_cast %get3A_533 : i32 to index
      %get3A_535 = arith.index_cast %select_n3A_338 : i32 to index
      %get3A_536 = arith.index_cast %add3A_532 : i32 to index
      %get3A_537 = tpu.vector_load %arg6[%get3A_534, %get3A_535, %get3A_536] {strides = array<i32>} : memref<2x32x512xi32, #tpu.memory_space<vmem>>, vector<16xi32>,
      %add3A_538 = arith.constant 160 : i32
      %add3A_539 = arith.addi %mul3A_356, %add3A_538 : i32
      %get3A_540 = arith.constant 1 : i32
      %get3A_541 = arith.index_cast %get3A_540 : i32 to index
      %get3A_542 = arith.index_cast %select_n3A_338 : i32 to index
      %get3A_543 = arith.index_cast %add3A_539 : i32 to index
      %get3A_544 = tpu.vector_load %arg6[%get3A_541, %get3A_542, %get3A_543] {strides = array<i32>} : memref<2x32x512xi32, #tpu.memory_space<vmem>>, vector<16xi32>,
      %add3A_545 = arith.constant 176 : i32
      %add3A_546 = arith.addi %mul3A_356, %add3A_545 : i32
      %get3A_547 = arith.constant 1 : i32
      %get3A_548 = arith.index_cast %get3A_547 : i32 to index
      %get3A_549 = arith.index_cast %select_n3A_338 : i32 to index
      %get3A_550 = arith.index_cast %add3A_546 : i32 to index
      %get3A_551 = tpu.vector_load %arg6[%get3A_548, %get3A_549, %get3A_550] {strides = array<i32>} : memref<2x32x512xi32, #tpu.memory_space<vmem>>, vector<16xi32>,
      %add3A_552 = arith.constant 192 : i32
      %add3A_553 = arith.addi %mul3A_356, %add3A_552 : i32
      %get3A_554 = arith.constant 1 : i32
      %get3A_555 = arith.index_cast %get3A_554 : i32 to index
      %get3A_556 = arith.index_cast %select_n3A_338 : i32 to index
      %get3A_557 = arith.index_cast %add3A_553 : i32 to index
      %get3A_558 = tpu.vector_load %arg6[%get3A_555, %get3A_556, %get3A_557] {strides = array<i32>} : memref<2x32x512xi32, #tpu.memory_space<vmem>>, vector<16xi32>,
      %add3A_559 = arith.constant 208 : i32
      %add3A_560 = arith.addi %mul3A_356, %add3A_559 : i32
      %get3A_561 = arith.constant 1 : i32
      %get3A_562 = arith.index_cast %get3A_561 : i32 to index
      %get3A_563 = arith.index_cast %select_n3A_338 : i32 to index
      %get3A_564 = arith.index_cast %add3A_560 : i32 to index
      %get3A_565 = tpu.vector_load %arg6[%get3A_562, %get3A_563, %get3A_564] {strides = array<i32>} : memref<2x32x512xi32, #tpu.memory_space<vmem>>, vector<16xi32>,
      %add3A_566 = arith.constant 224 : i32
      %add3A_567 = arith.addi %mul3A_356, %add3A_566 : i32
      %get3A_568 = arith.constant 1 : i32
      %get3A_569 = arith.index_cast %get3A_568 : i32 to index
      %get3A_570 = arith.index_cast %select_n3A_338 : i32 to index
      %get3A_571 = arith.index_cast %add3A_567 : i32 to index
      %get3A_572 = tpu.vector_load %arg6[%get3A_569, %get3A_570, %get3A_571] {strides = array<i32>} : memref<2x32x512xi32, #tpu.memory_space<vmem>>, vector<16xi32>,
      %add3A_573 = arith.constant 240 : i32
      %add3A_574 = arith.addi %mul3A_356, %add3A_573 : i32
      %get3A_575 = arith.constant 1 : i32
      %get3A_576 = arith.index_cast %get3A_575 : i32 to index
      %get3A_577 = arith.index_cast %select_n3A_338 : i32 to index
      %get3A_578 = arith.index_cast %add3A_574 : i32 to index
      %get3A_579 = tpu.vector_load %arg6[%get3A_576, %get3A_577, %get3A_578] {strides = array<i32>} : memref<2x32x512xi32, #tpu.memory_space<vmem>>, vector<16xi32>,
      %convert_element_type3A = arith.sitofp %get3A_474 : vector<16xi32> to vector<16xf32>
      %sub3A_580 = arith.subf %convert_element_type3A, %get3A_362 : vector<16xf32>
      %abs3A = math.absf %sub3A_580 : vector<16xf32>
      %mul3A_581 = arith.constant 1.024000e+03 : f32
      %mul3A_582 = vector.broadcast %mul3A_581 : f32 to vector<16xf32>
      %mul3A_583 = arith.mulf %abs3A, %mul3A_582 : vector<16xf32>
      %min3A = arith.constant 1.023000e+03 : f32
      %min3A_584 = vector.broadcast %min3A : f32 to vector<16xf32>
      %min3A_585 = arith.minimumf %mul3A_583, %min3A_584 : vector<16xf32>
      %convert_element_type3A_586 = arith.fptosi %min3A_585 : vector<16xf32> to vector<16xi32>
      %add3A_587 = arith.addi %convert_element_type3A_586, %mul3A_35 : vector<16xi32>
      %shift_left3A = arith.constant 16 : i32
      %shift_left3A_588 = vector.broadcast %shift_left3A : i32 to vector<16xi32>
      %shift_left3A_589 = arith.shli %get3A_474, %shift_left3A_588 : vector<16xi32>
      %add3A_590 = arith.constant 1 : i32
      %add3A_591 = vector.broadcast %add3A_590 : i32 to vector<16xi32>
      %add3A_592 = arith.addi %add3A_591, %shift_left3A_589 : vector<16xi32>
      %convert_element_type3A_593 = arith.sitofp %get3A_481 : vector<16xi32> to vector<16xf32>
      %sub3A_594 = arith.subf %convert_element_type3A_593, %get3A_369 : vector<16xf32>
      %abs3A_595 = math.absf %sub3A_594 : vector<16xf32>
      %mul3A_596 = arith.constant 1.024000e+03 : f32
      %mul3A_597 = vector.broadcast %mul3A_596 : f32 to vector<16xf32>
      %mul3A_598 = arith.mulf %abs3A_595, %mul3A_597 : vector<16xf32>
      %min3A_599 = arith.constant 1.023000e+03 : f32
      %min3A_600 = vector.broadcast %min3A_599 : f32 to vector<16xf32>
      %min3A_601 = arith.minimumf %mul3A_598, %min3A_600 : vector<16xf32>
      %convert_element_type3A_602 = arith.fptosi %min3A_601 : vector<16xf32> to vector<16xi32>
      %add3A_603 = arith.addi %convert_element_type3A_602, %mul3A_35 : vector<16xi32>
      %shift_left3A_604 = arith.constant 16 : i32
      %shift_left3A_605 = vector.broadcast %shift_left3A_604 : i32 to vector<16xi32>
      %shift_left3A_606 = arith.shli %get3A_481, %shift_left3A_605 : vector<16xi32>
      %add3A_607 = arith.constant 1 : i32
      %add3A_608 = vector.broadcast %add3A_607 : i32 to vector<16xi32>
      %add3A_609 = arith.addi %add3A_608, %shift_left3A_606 : vector<16xi32>
      %convert_element_type3A_610 = arith.sitofp %get3A_488 : vector<16xi32> to vector<16xf32>
      %sub3A_611 = arith.subf %convert_element_type3A_610, %get3A_376 : vector<16xf32>
      %abs3A_612 = math.absf %sub3A_611 : vector<16xf32>
      %mul3A_613 = arith.constant 1.024000e+03 : f32
      %mul3A_614 = vector.broadcast %mul3A_613 : f32 to vector<16xf32>
      %mul3A_615 = arith.mulf %abs3A_612, %mul3A_614 : vector<16xf32>
      %min3A_616 = arith.constant 1.023000e+03 : f32
      %min3A_617 = vector.broadcast %min3A_616 : f32 to vector<16xf32>
      %min3A_618 = arith.minimumf %mul3A_615, %min3A_617 : vector<16xf32>
      %convert_element_type3A_619 = arith.fptosi %min3A_618 : vector<16xf32> to vector<16xi32>
      %add3A_620 = arith.addi %convert_element_type3A_619, %mul3A_35 : vector<16xi32>
      %shift_left3A_621 = arith.constant 16 : i32
      %shift_left3A_622 = vector.broadcast %shift_left3A_621 : i32 to vector<16xi32>
      %shift_left3A_623 = arith.shli %get3A_488, %shift_left3A_622 : vector<16xi32>
      %add3A_624 = arith.constant 1 : i32
      %add3A_625 = vector.broadcast %add3A_624 : i32 to vector<16xi32>
      %add3A_626 = arith.addi %add3A_625, %shift_left3A_623 : vector<16xi32>
      %convert_element_type3A_627 = arith.sitofp %get3A_495 : vector<16xi32> to vector<16xf32>
      %sub3A_628 = arith.subf %convert_element_type3A_627, %get3A_383 : vector<16xf32>
      %abs3A_629 = math.absf %sub3A_628 : vector<16xf32>
      %mul3A_630 = arith.constant 1.024000e+03 : f32
      %mul3A_631 = vector.broadcast %mul3A_630 : f32 to vector<16xf32>
      %mul3A_632 = arith.mulf %abs3A_629, %mul3A_631 : vector<16xf32>
      %min3A_633 = arith.constant 1.023000e+03 : f32
      %min3A_634 = vector.broadcast %min3A_633 : f32 to vector<16xf32>
      %min3A_635 = arith.minimumf %mul3A_632, %min3A_634 : vector<16xf32>
      %convert_element_type3A_636 = arith.fptosi %min3A_635 : vector<16xf32> to vector<16xi32>
      %add3A_637 = arith.addi %convert_element_type3A_636, %mul3A_35 : vector<16xi32>
      %shift_left3A_638 = arith.constant 16 : i32
      %shift_left3A_639 = vector.broadcast %shift_left3A_638 : i32 to vector<16xi32>
      %shift_left3A_640 = arith.shli %get3A_495, %shift_left3A_639 : vector<16xi32>
      %add3A_641 = arith.constant 1 : i32
      %add3A_642 = vector.broadcast %add3A_641 : i32 to vector<16xi32>
      %add3A_643 = arith.addi %add3A_642, %shift_left3A_640 : vector<16xi32>
      %convert_element_type3A_644 = arith.sitofp %get3A_502 : vector<16xi32> to vector<16xf32>
      %sub3A_645 = arith.subf %convert_element_type3A_644, %get3A_390 : vector<16xf32>
      %abs3A_646 = math.absf %sub3A_645 : vector<16xf32>
      %mul3A_647 = arith.constant 1.024000e+03 : f32
      %mul3A_648 = vector.broadcast %mul3A_647 : f32 to vector<16xf32>
      %mul3A_649 = arith.mulf %abs3A_646, %mul3A_648 : vector<16xf32>
      %min3A_650 = arith.constant 1.023000e+03 : f32
      %min3A_651 = vector.broadcast %min3A_650 : f32 to vector<16xf32>
      %min3A_652 = arith.minimumf %mul3A_649, %min3A_651 : vector<16xf32>
      %convert_element_type3A_653 = arith.fptosi %min3A_652 : vector<16xf32> to vector<16xi32>
      %add3A_654 = arith.addi %convert_element_type3A_653, %mul3A_35 : vector<16xi32>
      %shift_left3A_655 = arith.constant 16 : i32
      %shift_left3A_656 = vector.broadcast %shift_left3A_655 : i32 to vector<16xi32>
      %shift_left3A_657 = arith.shli %get3A_502, %shift_left3A_656 : vector<16xi32>
      %add3A_658 = arith.constant 1 : i32
      %add3A_659 = vector.broadcast %add3A_658 : i32 to vector<16xi32>
      %add3A_660 = arith.addi %add3A_659, %shift_left3A_657 : vector<16xi32>
      %convert_element_type3A_661 = arith.sitofp %get3A_509 : vector<16xi32> to vector<16xf32>
      %sub3A_662 = arith.subf %convert_element_type3A_661, %get3A_397 : vector<16xf32>
      %abs3A_663 = math.absf %sub3A_662 : vector<16xf32>
      %mul3A_664 = arith.constant 1.024000e+03 : f32
      %mul3A_665 = vector.broadcast %mul3A_664 : f32 to vector<16xf32>
      %mul3A_666 = arith.mulf %abs3A_663, %mul3A_665 : vector<16xf32>
      %min3A_667 = arith.constant 1.023000e+03 : f32
      %min3A_668 = vector.broadcast %min3A_667 : f32 to vector<16xf32>
      %min3A_669 = arith.minimumf %mul3A_666, %min3A_668 : vector<16xf32>
      %convert_element_type3A_670 = arith.fptosi %min3A_669 : vector<16xf32> to vector<16xi32>
      %add3A_671 = arith.addi %convert_element_type3A_670, %mul3A_35 : vector<16xi32>
      %shift_left3A_672 = arith.constant 16 : i32
      %shift_left3A_673 = vector.broadcast %shift_left3A_672 : i32 to vector<16xi32>
      %shift_left3A_674 = arith.shli %get3A_509, %shift_left3A_673 : vector<16xi32>
      %add3A_675 = arith.constant 1 : i32
      %add3A_676 = vector.broadcast %add3A_675 : i32 to vector<16xi32>
      %add3A_677 = arith.addi %add3A_676, %shift_left3A_674 : vector<16xi32>
      %convert_element_type3A_678 = arith.sitofp %get3A_516 : vector<16xi32> to vector<16xf32>
      %sub3A_679 = arith.subf %convert_element_type3A_678, %get3A_404 : vector<16xf32>
      %abs3A_680 = math.absf %sub3A_679 : vector<16xf32>
      %mul3A_681 = arith.constant 1.024000e+03 : f32
      %mul3A_682 = vector.broadcast %mul3A_681 : f32 to vector<16xf32>
      %mul3A_683 = arith.mulf %abs3A_680, %mul3A_682 : vector<16xf32>
      %min3A_684 = arith.constant 1.023000e+03 : f32
      %min3A_685 = vector.broadcast %min3A_684 : f32 to vector<16xf32>
      %min3A_686 = arith.minimumf %mul3A_683, %min3A_685 : vector<16xf32>
      %convert_element_type3A_687 = arith.fptosi %min3A_686 : vector<16xf32> to vector<16xi32>
      %add3A_688 = arith.addi %convert_element_type3A_687, %mul3A_35 : vector<16xi32>
      %shift_left3A_689 = arith.constant 16 : i32
      %shift_left3A_690 = vector.broadcast %shift_left3A_689 : i32 to vector<16xi32>
      %shift_left3A_691 = arith.shli %get3A_516, %shift_left3A_690 : vector<16xi32>
      %add3A_692 = arith.constant 1 : i32
      %add3A_693 = vector.broadcast %add3A_692 : i32 to vector<16xi32>
      %add3A_694 = arith.addi %add3A_693, %shift_left3A_691 : vector<16xi32>
      %convert_element_type3A_695 = arith.sitofp %get3A_523 : vector<16xi32> to vector<16xf32>
      %sub3A_696 = arith.subf %convert_element_type3A_695, %get3A_411 : vector<16xf32>
      %abs3A_697 = math.absf %sub3A_696 : vector<16xf32>
      %mul3A_698 = arith.constant 1.024000e+03 : f32
      %mul3A_699 = vector.broadcast %mul3A_698 : f32 to vector<16xf32>
      %mul3A_700 = arith.mulf %abs3A_697, %mul3A_699 : vector<16xf32>
      %min3A_701 = arith.constant 1.023000e+03 : f32
      %min3A_702 = vector.broadcast %min3A_701 : f32 to vector<16xf32>
      %min3A_703 = arith.minimumf %mul3A_700, %min3A_702 : vector<16xf32>
      %convert_element_type3A_704 = arith.fptosi %min3A_703 : vector<16xf32> to vector<16xi32>
      %add3A_705 = arith.addi %convert_element_type3A_704, %mul3A_35 : vector<16xi32>
      %shift_left3A_706 = arith.constant 16 : i32
      %shift_left3A_707 = vector.broadcast %shift_left3A_706 : i32 to vector<16xi32>
      %shift_left3A_708 = arith.shli %get3A_523, %shift_left3A_707 : vector<16xi32>
      %add3A_709 = arith.constant 1 : i32
      %add3A_710 = vector.broadcast %add3A_709 : i32 to vector<16xi32>
      %add3A_711 = arith.addi %add3A_710, %shift_left3A_708 : vector<16xi32>
      %convert_element_type3A_712 = arith.sitofp %get3A_530 : vector<16xi32> to vector<16xf32>
      %sub3A_713 = arith.subf %convert_element_type3A_712, %get3A_418 : vector<16xf32>
      %abs3A_714 = math.absf %sub3A_713 : vector<16xf32>
      %mul3A_715 = arith.constant 1.024000e+03 : f32
      %mul3A_716 = vector.broadcast %mul3A_715 : f32 to vector<16xf32>
      %mul3A_717 = arith.mulf %abs3A_714, %mul3A_716 : vector<16xf32>
      %min3A_718 = arith.constant 1.023000e+03 : f32
      %min3A_719 = vector.broadcast %min3A_718 : f32 to vector<16xf32>
      %min3A_720 = arith.minimumf %mul3A_717, %min3A_719 : vector<16xf32>
      %convert_element_type3A_721 = arith.fptosi %min3A_720 : vector<16xf32> to vector<16xi32>
      %add3A_722 = arith.addi %convert_element_type3A_721, %mul3A_35 : vector<16xi32>
      %shift_left3A_723 = arith.constant 16 : i32
      %shift_left3A_724 = vector.broadcast %shift_left3A_723 : i32 to vector<16xi32>
      %shift_left3A_725 = arith.shli %get3A_530, %shift_left3A_724 : vector<16xi32>
      %add3A_726 = arith.constant 1 : i32
      %add3A_727 = vector.broadcast %add3A_726 : i32 to vector<16xi32>
      %add3A_728 = arith.addi %add3A_727, %shift_left3A_725 : vector<16xi32>
      %convert_element_type3A_729 = arith.sitofp %get3A_537 : vector<16xi32> to vector<16xf32>
      %sub3A_730 = arith.subf %convert_element_type3A_729, %get3A_425 : vector<16xf32>
      %abs3A_731 = math.absf %sub3A_730 : vector<16xf32>
      %mul3A_732 = arith.constant 1.024000e+03 : f32
      %mul3A_733 = vector.broadcast %mul3A_732 : f32 to vector<16xf32>
      %mul3A_734 = arith.mulf %abs3A_731, %mul3A_733 : vector<16xf32>
      %min3A_735 = arith.constant 1.023000e+03 : f32
      %min3A_736 = vector.broadcast %min3A_735 : f32 to vector<16xf32>
      %min3A_737 = arith.minimumf %mul3A_734, %min3A_736 : vector<16xf32>
      %convert_element_type3A_738 = arith.fptosi %min3A_737 : vector<16xf32> to vector<16xi32>
      %add3A_739 = arith.addi %convert_element_type3A_738, %mul3A_35 : vector<16xi32>
      %shift_left3A_740 = arith.constant 16 : i32
      %shift_left3A_741 = vector.broadcast %shift_left3A_740 : i32 to vector<16xi32>
      %shift_left3A_742 = arith.shli %get3A_537, %shift_left3A_741 : vector<16xi32>
      %add3A_743 = arith.constant 1 : i32
      %add3A_744 = vector.broadcast %add3A_743 : i32 to vector<16xi32>
      %add3A_745 = arith.addi %add3A_744, %shift_left3A_742 : vector<16xi32>
      %convert_element_type3A_746 = arith.sitofp %get3A_544 : vector<16xi32> to vector<16xf32>
      %sub3A_747 = arith.subf %convert_element_type3A_746, %get3A_432 : vector<16xf32>
      %abs3A_748 = math.absf %sub3A_747 : vector<16xf32>
      %mul3A_749 = arith.constant 1.024000e+03 : f32
      %mul3A_750 = vector.broadcast %mul3A_749 : f32 to vector<16xf32>
      %mul3A_751 = arith.mulf %abs3A_748, %mul3A_750 : vector<16xf32>
      %min3A_752 = arith.constant 1.023000e+03 : f32
      %min3A_753 = vector.broadcast %min3A_752 : f32 to vector<16xf32>
      %min3A_754 = arith.minimumf %mul3A_751, %min3A_753 : vector<16xf32>
      %convert_element_type3A_755 = arith.fptosi %min3A_754 : vector<16xf32> to vector<16xi32>
      %add3A_756 = arith.addi %convert_element_type3A_755, %mul3A_35 : vector<16xi32>
      %shift_left3A_757 = arith.constant 16 : i32
      %shift_left3A_758 = vector.broadcast %shift_left3A_757 : i32 to vector<16xi32>
      %shift_left3A_759 = arith.shli %get3A_544, %shift_left3A_758 : vector<16xi32>
      %add3A_760 = arith.constant 1 : i32
      %add3A_761 = vector.broadcast %add3A_760 : i32 to vector<16xi32>
      %add3A_762 = arith.addi %add3A_761, %shift_left3A_759 : vector<16xi32>
      %convert_element_type3A_763 = arith.sitofp %get3A_551 : vector<16xi32> to vector<16xf32>
      %sub3A_764 = arith.subf %convert_element_type3A_763, %get3A_439 : vector<16xf32>
      %abs3A_765 = math.absf %sub3A_764 : vector<16xf32>
      %mul3A_766 = arith.constant 1.024000e+03 : f32
      %mul3A_767 = vector.broadcast %mul3A_766 : f32 to vector<16xf32>
      %mul3A_768 = arith.mulf %abs3A_765, %mul3A_767 : vector<16xf32>
      %min3A_769 = arith.constant 1.023000e+03 : f32
      %min3A_770 = vector.broadcast %min3A_769 : f32 to vector<16xf32>
      %min3A_771 = arith.minimumf %mul3A_768, %min3A_770 : vector<16xf32>
      %convert_element_type3A_772 = arith.fptosi %min3A_771 : vector<16xf32> to vector<16xi32>
      %add3A_773 = arith.addi %convert_element_type3A_772, %mul3A_35 : vector<16xi32>
      %shift_left3A_774 = arith.constant 16 : i32
      %shift_left3A_775 = vector.broadcast %shift_left3A_774 : i32 to vector<16xi32>
      %shift_left3A_776 = arith.shli %get3A_551, %shift_left3A_775 : vector<16xi32>
      %add3A_777 = arith.constant 1 : i32
      %add3A_778 = vector.broadcast %add3A_777 : i32 to vector<16xi32>
      %add3A_779 = arith.addi %add3A_778, %shift_left3A_776 : vector<16xi32>
      %convert_element_type3A_780 = arith.sitofp %get3A_558 : vector<16xi32> to vector<16xf32>
      %sub3A_781 = arith.subf %convert_element_type3A_780, %get3A_446 : vector<16xf32>
      %abs3A_782 = math.absf %sub3A_781 : vector<16xf32>
      %mul3A_783 = arith.constant 1.024000e+03 : f32
      %mul3A_784 = vector.broadcast %mul3A_783 : f32 to vector<16xf32>
      %mul3A_785 = arith.mulf %abs3A_782, %mul3A_784 : vector<16xf32>
      %min3A_786 = arith.constant 1.023000e+03 : f32
      %min3A_787 = vector.broadcast %min3A_786 : f32 to vector<16xf32>
      %min3A_788 = arith.minimumf %mul3A_785, %min3A_787 : vector<16xf32>
      %convert_element_type3A_789 = arith.fptosi %min3A_788 : vector<16xf32> to vector<16xi32>
      %add3A_790 = arith.addi %convert_element_type3A_789, %mul3A_35 : vector<16xi32>
      %shift_left3A_791 = arith.constant 16 : i32
      %shift_left3A_792 = vector.broadcast %shift_left3A_791 : i32 to vector<16xi32>
      %shift_left3A_793 = arith.shli %get3A_558, %shift_left3A_792 : vector<16xi32>
      %add3A_794 = arith.constant 1 : i32
      %add3A_795 = vector.broadcast %add3A_794 : i32 to vector<16xi32>
      %add3A_796 = arith.addi %add3A_795, %shift_left3A_793 : vector<16xi32>
      %convert_element_type3A_797 = arith.sitofp %get3A_565 : vector<16xi32> to vector<16xf32>
      %sub3A_798 = arith.subf %convert_element_type3A_797, %get3A_453 : vector<16xf32>
      %abs3A_799 = math.absf %sub3A_798 : vector<16xf32>
      %mul3A_800 = arith.constant 1.024000e+03 : f32
      %mul3A_801 = vector.broadcast %mul3A_800 : f32 to vector<16xf32>
      %mul3A_802 = arith.mulf %abs3A_799, %mul3A_801 : vector<16xf32>
      %min3A_803 = arith.constant 1.023000e+03 : f32
      %min3A_804 = vector.broadcast %min3A_803 : f32 to vector<16xf32>
      %min3A_805 = arith.minimumf %mul3A_802, %min3A_804 : vector<16xf32>
      %convert_element_type3A_806 = arith.fptosi %min3A_805 : vector<16xf32> to vector<16xi32>
      %add3A_807 = arith.addi %convert_element_type3A_806, %mul3A_35 : vector<16xi32>
      %shift_left3A_808 = arith.constant 16 : i32
      %shift_left3A_809 = vector.broadcast %shift_left3A_808 : i32 to vector<16xi32>
      %shift_left3A_810 = arith.shli %get3A_565, %shift_left3A_809 : vector<16xi32>
      %add3A_811 = arith.constant 1 : i32
      %add3A_812 = vector.broadcast %add3A_811 : i32 to vector<16xi32>
      %add3A_813 = arith.addi %add3A_812, %shift_left3A_810 : vector<16xi32>
      %convert_element_type3A_814 = arith.sitofp %get3A_572 : vector<16xi32> to vector<16xf32>
      %sub3A_815 = arith.subf %convert_element_type3A_814, %get3A_460 : vector<16xf32>
      %abs3A_816 = math.absf %sub3A_815 : vector<16xf32>
      %mul3A_817 = arith.constant 1.024000e+03 : f32
      %mul3A_818 = vector.broadcast %mul3A_817 : f32 to vector<16xf32>
      %mul3A_819 = arith.mulf %abs3A_816, %mul3A_818 : vector<16xf32>
      %min3A_820 = arith.constant 1.023000e+03 : f32
      %min3A_821 = vector.broadcast %min3A_820 : f32 to vector<16xf32>
      %min3A_822 = arith.minimumf %mul3A_819, %min3A_821 : vector<16xf32>
      %convert_element_type3A_823 = arith.fptosi %min3A_822 : vector<16xf32> to vector<16xi32>
      %add3A_824 = arith.addi %convert_element_type3A_823, %mul3A_35 : vector<16xi32>
      %shift_left3A_825 = arith.constant 16 : i32
      %shift_left3A_826 = vector.broadcast %shift_left3A_825 : i32 to vector<16xi32>
      %shift_left3A_827 = arith.shli %get3A_572, %shift_left3A_826 : vector<16xi32>
      %add3A_828 = arith.constant 1 : i32
      %add3A_829 = vector.broadcast %add3A_828 : i32 to vector<16xi32>
      %add3A_830 = arith.addi %add3A_829, %shift_left3A_827 : vector<16xi32>
      %convert_element_type3A_831 = arith.sitofp %get3A_579 : vector<16xi32> to vector<16xf32>
      %sub3A_832 = arith.subf %convert_element_type3A_831, %get3A_467 : vector<16xf32>
      %abs3A_833 = math.absf %sub3A_832 : vector<16xf32>
      %mul3A_834 = arith.constant 1.024000e+03 : f32
      %mul3A_835 = vector.broadcast %mul3A_834 : f32 to vector<16xf32>
      %mul3A_836 = arith.mulf %abs3A_833, %mul3A_835 : vector<16xf32>
      %min3A_837 = arith.constant 1.023000e+03 : f32
      %min3A_838 = vector.broadcast %min3A_837 : f32 to vector<16xf32>
      %min3A_839 = arith.minimumf %mul3A_836, %min3A_838 : vector<16xf32>
      %convert_element_type3A_840 = arith.fptosi %min3A_839 : vector<16xf32> to vector<16xi32>
      %add3A_841 = arith.addi %convert_element_type3A_840, %mul3A_35 : vector<16xi32>
      %shift_left3A_842 = arith.constant 16 : i32
      %shift_left3A_843 = vector.broadcast %shift_left3A_842 : i32 to vector<16xi32>
      %shift_left3A_844 = arith.shli %get3A_579, %shift_left3A_843 : vector<16xi32>
      %add3A_845 = arith.constant 1 : i32
      %add3A_846 = vector.broadcast %add3A_845 : i32 to vector<16xi32>
      %add3A_847 = arith.addi %add3A_846, %shift_left3A_844 : vector<16xi32>
      tpu.vector_store_idx %arg7[%add3A_587], %add3A_592 {add = true} : memref<16384xi32, #tpu.memory_space<vmem>>[vector<16xi32>], vector<16xi32>,
      tpu.vector_store_idx %arg7[%add3A_603], %add3A_609 {add = true} : memref<16384xi32, #tpu.memory_space<vmem>>[vector<16xi32>], vector<16xi32>,
      tpu.vector_store_idx %arg7[%add3A_620], %add3A_626 {add = true} : memref<16384xi32, #tpu.memory_space<vmem>>[vector<16xi32>], vector<16xi32>,
      tpu.vector_store_idx %arg7[%add3A_637], %add3A_643 {add = true} : memref<16384xi32, #tpu.memory_space<vmem>>[vector<16xi32>], vector<16xi32>,
      tpu.vector_store_idx %arg7[%add3A_654], %add3A_660 {add = true} : memref<16384xi32, #tpu.memory_space<vmem>>[vector<16xi32>], vector<16xi32>,
      tpu.vector_store_idx %arg7[%add3A_671], %add3A_677 {add = true} : memref<16384xi32, #tpu.memory_space<vmem>>[vector<16xi32>], vector<16xi32>,
      tpu.vector_store_idx %arg7[%add3A_688], %add3A_694 {add = true} : memref<16384xi32, #tpu.memory_space<vmem>>[vector<16xi32>], vector<16xi32>,
      tpu.vector_store_idx %arg7[%add3A_705], %add3A_711 {add = true} : memref<16384xi32, #tpu.memory_space<vmem>>[vector<16xi32>], vector<16xi32>,
      tpu.vector_store_idx %arg7[%add3A_722], %add3A_728 {add = true} : memref<16384xi32, #tpu.memory_space<vmem>>[vector<16xi32>], vector<16xi32>,
      tpu.vector_store_idx %arg7[%add3A_739], %add3A_745 {add = true} : memref<16384xi32, #tpu.memory_space<vmem>>[vector<16xi32>], vector<16xi32>,
      tpu.vector_store_idx %arg7[%add3A_756], %add3A_762 {add = true} : memref<16384xi32, #tpu.memory_space<vmem>>[vector<16xi32>], vector<16xi32>,
      tpu.vector_store_idx %arg7[%add3A_773], %add3A_779 {add = true} : memref<16384xi32, #tpu.memory_space<vmem>>[vector<16xi32>], vector<16xi32>,
      tpu.vector_store_idx %arg7[%add3A_790], %add3A_796 {add = true} : memref<16384xi32, #tpu.memory_space<vmem>>[vector<16xi32>], vector<16xi32>,
      tpu.vector_store_idx %arg7[%add3A_807], %add3A_813 {add = true} : memref<16384xi32, #tpu.memory_space<vmem>>[vector<16xi32>], vector<16xi32>,
      tpu.vector_store_idx %arg7[%add3A_824], %add3A_830 {add = true} : memref<16384xi32, #tpu.memory_space<vmem>>[vector<16xi32>], vector<16xi32>,
      tpu.vector_store_idx %arg7[%add3A_841], %add3A_847 {add = true} : memref<16384xi32, #tpu.memory_space<vmem>>[vector<16xi32>], vector<16xi32>,
    }
    %scan3A_207 = arith.constant 64 : i32
    %add3A_208 = arith.constant 96 : i32
    %add3A_209 = arith.addi %mul3A_32, %add3A_208 : i32
    %dma_start3A_210 = arith.constant 1 : i32
    %dma_start3A_211 = arith.constant 0 : i32
    %dma_start3A_212 = arith.constant 0 : i32
    %dma_start3A_213 = tpu.memref_slice %arg5[%dma_start3A_210, %dma_start3A_211, %dma_start3A_212] : memref<2x32x512xf32, #tpu.memory_space<vmem>> -> memref<1x32x512xf32, #tpu.memory_space<vmem>>
    %dma_start3A_214 = tpu.memref_squeeze %dma_start3A_213 : memref<1x32x512xf32, #tpu.memory_space<vmem>> -> memref<32x512xf32, #tpu.memory_space<vmem>>
    %dma_start3A_215 = arith.constant 0 : i32
    %dma_start3A_216 = tpu.memref_slice %arg2[%select_n3A, %add3A_209, %dma_start3A_215] : memref<8x512x512xf32, #tpu.memory_space<hbm>> -> memref<1x32x512xf32, #tpu.memory_space<hbm>>
    %dma_start3A_217 = tpu.memref_squeeze %dma_start3A_216 : memref<1x32x512xf32, #tpu.memory_space<hbm>> -> memref<32x512xf32, #tpu.memory_space<hbm>>
    %dma_start3A_218 = arith.constant 0 : i32
    %dma_start3A_219 = arith.constant 0 : i32
    %dma_start3A_220 = tpu.memref_slice %arg5[%dma_start3A_210, %dma_start3A_218, %dma_start3A_219] : memref<2x32x512xf32, #tpu.memory_space<vmem>> -> memref<1x32x512xf32, #tpu.memory_space<vmem>>
    %dma_start3A_221 = tpu.memref_squeeze %dma_start3A_220 : memref<1x32x512xf32, #tpu.memory_space<vmem>> -> memref<32x512xf32, #tpu.memory_space<vmem>>
    %dma_start3A_222 = arith.constant 0 : i32
    %dma_start3A_223 = tpu.memref_slice %arg2[%select_n3A, %add3A_209, %dma_start3A_222] : memref<8x512x512xf32, #tpu.memory_space<hbm>> -> memref<1x32x512xf32, #tpu.memory_space<hbm>>
    %dma_start3A_224 = tpu.memref_squeeze %dma_start3A_223 : memref<1x32x512xf32, #tpu.memory_space<hbm>> -> memref<32x512xf32, #tpu.memory_space<hbm>>
    tpu.enqueue_dma source(%dma_start3A_224 : memref<32x512xf32, #tpu.memory_space<hbm>>) target(%dma_start3A_221 : memref<32x512xf32, #tpu.memory_space<vmem>>) target_semaphore(%arg10 : memref<!tpu.dma_semaphore, #tpu.memory_space<semaphore_mem>>)
    %dma_start3A_225 = arith.constant 1 : i32
    %dma_start3A_226 = arith.constant 0 : i32
    %dma_start3A_227 = arith.constant 0 : i32
    %dma_start3A_228 = tpu.memref_slice %arg6[%dma_start3A_225, %dma_start3A_226, %dma_start3A_227] : memref<2x32x512xi32, #tpu.memory_space<vmem>> -> memref<1x32x512xi32, #tpu.memory_space<vmem>>
    %dma_start3A_229 = tpu.memref_squeeze %dma_start3A_228 : memref<1x32x512xi32, #tpu.memory_space<vmem>> -> memref<32x512xi32, #tpu.memory_space<vmem>>
    %dma_start3A_230 = arith.constant 0 : i32
    %dma_start3A_231 = tpu.memref_slice %arg3[%select_n3A, %add3A_209, %dma_start3A_230] : memref<8x512x512xi32, #tpu.memory_space<hbm>> -> memref<1x32x512xi32, #tpu.memory_space<hbm>>
    %dma_start3A_232 = tpu.memref_squeeze %dma_start3A_231 : memref<1x32x512xi32, #tpu.memory_space<hbm>> -> memref<32x512xi32, #tpu.memory_space<hbm>>
    %dma_start3A_233 = arith.constant 0 : i32
    %dma_start3A_234 = arith.constant 0 : i32
    %dma_start3A_235 = tpu.memref_slice %arg6[%dma_start3A_225, %dma_start3A_233, %dma_start3A_234] : memref<2x32x512xi32, #tpu.memory_space<vmem>> -> memref<1x32x512xi32, #tpu.memory_space<vmem>>
    %dma_start3A_236 = tpu.memref_squeeze %dma_start3A_235 : memref<1x32x512xi32, #tpu.memory_space<vmem>> -> memref<32x512xi32, #tpu.memory_space<vmem>>
    %dma_start3A_237 = arith.constant 0 : i32
    %dma_start3A_238 = tpu.memref_slice %arg3[%select_n3A, %add3A_209, %dma_start3A_237] : memref<8x512x512xi32, #tpu.memory_space<hbm>> -> memref<1x32x512xi32, #tpu.memory_space<hbm>>
    %dma_start3A_239 = tpu.memref_squeeze %dma_start3A_238 : memref<1x32x512xi32, #tpu.memory_space<hbm>> -> memref<32x512xi32, #tpu.memory_space<hbm>>
    tpu.enqueue_dma source(%dma_start3A_239 : memref<32x512xi32, #tpu.memory_space<hbm>>) target(%dma_start3A_236 : memref<32x512xi32, #tpu.memory_space<vmem>>) target_semaphore(%arg11 : memref<!tpu.dma_semaphore, #tpu.memory_space<semaphore_mem>>)
    %dma_wait3A_240 = arith.constant 0 : i32
    %dma_wait3A_241 = arith.constant 0 : i32
    %dma_wait3A_242 = arith.constant 0 : i32
    %dma_wait3A_243 = tpu.memref_slice %arg5[%dma_wait3A_240, %dma_wait3A_241, %dma_wait3A_242] : memref<2x32x512xf32, #tpu.memory_space<vmem>> -> memref<1x32x512xf32, #tpu.memory_space<vmem>>
    %dma_wait3A_244 = tpu.memref_squeeze %dma_wait3A_243 : memref<1x32x512xf32, #tpu.memory_space<vmem>> -> memref<32x512xf32, #tpu.memory_space<vmem>>
    %dma_wait3A_245 = arith.constant 0 : i32
    %dma_wait3A_246 = tpu.memref_slice %arg2[%select_n3A, %add3A_141, %dma_wait3A_245] : memref<8x512x512xf32, #tpu.memory_space<hbm>> -> memref<1x32x512xf32, #tpu.memory_space<hbm>>
    %dma_wait3A_247 = tpu.memref_squeeze %dma_wait3A_246 : memref<1x32x512xf32, #tpu.memory_space<hbm>> -> memref<32x512xf32, #tpu.memory_space<hbm>>
    %dma_wait3A_248 = arith.constant 0 : i32
    %dma_wait3A_249 = arith.constant 0 : i32
    %dma_wait3A_250 = tpu.memref_slice %arg5[%dma_wait3A_240, %dma_wait3A_248, %dma_wait3A_249] : memref<2x32x512xf32, #tpu.memory_space<vmem>> -> memref<1x32x512xf32, #tpu.memory_space<vmem>>
    %dma_wait3A_251 = tpu.memref_squeeze %dma_wait3A_250 : memref<1x32x512xf32, #tpu.memory_space<vmem>> -> memref<32x512xf32, #tpu.memory_space<vmem>>
    %dma_wait3A_252 = arith.constant 0 : i32
    %dma_wait3A_253 = tpu.memref_slice %arg2[%select_n3A, %add3A_141, %dma_wait3A_252] : memref<8x512x512xf32, #tpu.memory_space<hbm>> -> memref<1x32x512xf32, #tpu.memory_space<hbm>>
    %dma_wait3A_254 = tpu.memref_squeeze %dma_wait3A_253 : memref<1x32x512xf32, #tpu.memory_space<hbm>> -> memref<32x512xf32, #tpu.memory_space<hbm>>
    tpu.wait_dma2 semaphore(%arg8 : memref<!tpu.dma_semaphore, #tpu.memory_space<semaphore_mem>>) src(%dma_wait3A_254 : memref<32x512xf32, #tpu.memory_space<hbm>>) dst(%dma_wait3A_251 : memref<32x512xf32, #tpu.memory_space<vmem>>)
    %dma_wait3A_255 = arith.constant 0 : i32
    %dma_wait3A_256 = arith.constant 0 : i32
    %dma_wait3A_257 = arith.constant 0 : i32
    %dma_wait3A_258 = tpu.memref_slice %arg6[%dma_wait3A_255, %dma_wait3A_256, %dma_wait3A_257] : memref<2x32x512xi32, #tpu.memory_space<vmem>> -> memref<1x32x512xi32, #tpu.memory_space<vmem>>
    %dma_wait3A_259 = tpu.memref_squeeze %dma_wait3A_258 : memref<1x32x512xi32, #tpu.memory_space<vmem>> -> memref<32x512xi32, #tpu.memory_space<vmem>>
    %dma_wait3A_260 = arith.constant 0 : i32
    %dma_wait3A_261 = tpu.memref_slice %arg3[%select_n3A, %add3A_141, %dma_wait3A_260] : memref<8x512x512xi32, #tpu.memory_space<hbm>> -> memref<1x32x512xi32, #tpu.memory_space<hbm>>
    %dma_wait3A_262 = tpu.memref_squeeze %dma_wait3A_261 : memref<1x32x512xi32, #tpu.memory_space<hbm>> -> memref<32x512xi32, #tpu.memory_space<hbm>>
    %dma_wait3A_263 = arith.constant 0 : i32
    %dma_wait3A_264 = arith.constant 0 : i32
    %dma_wait3A_265 = tpu.memref_slice %arg6[%dma_wait3A_255, %dma_wait3A_263, %dma_wait3A_264] : memref<2x32x512xi32, #tpu.memory_space<vmem>> -> memref<1x32x512xi32, #tpu.memory_space<vmem>>
    %dma_wait3A_266 = tpu.memref_squeeze %dma_wait3A_265 : memref<1x32x512xi32, #tpu.memory_space<vmem>> -> memref<32x512xi32, #tpu.memory_space<vmem>>
    %dma_wait3A_267 = arith.constant 0 : i32
    %dma_wait3A_268 = tpu.memref_slice %arg3[%select_n3A, %add3A_141, %dma_wait3A_267] : memref<8x512x512xi32, #tpu.memory_space<hbm>> -> memref<1x32x512xi32, #tpu.memory_space<hbm>>
    %dma_wait3A_269 = tpu.memref_squeeze %dma_wait3A_268 : memref<1x32x512xi32, #tpu.memory_space<hbm>> -> memref<32x512xi32, #tpu.memory_space<hbm>>
    tpu.wait_dma2 semaphore(%arg9 : memref<!tpu.dma_semaphore, #tpu.memory_space<semaphore_mem>>) src(%dma_wait3A_269 : memref<32x512xi32, #tpu.memory_space<hbm>>) dst(%dma_wait3A_266 : memref<32x512xi32, #tpu.memory_space<vmem>>)
    %scan3A_270 = arith.constant 0 : i32
    %scan3A_271 = arith.constant 0 : i32
    %scan3A_272 = arith.constant 64 : i32
    %scan3A_273 = arith.addi %scan3A_271, %scan3A_272 : i32
    %scan3A_274 = arith.constant 1 : i32
    scf.for %scan3A_314 = %scan3A_271 to %scan3A_273 step %scan3A_274  : i32 {
      %jit3A_315 = arith.constant 2 : i32
      %div3A_316 = arith.divsi %scan3A_314, %jit3A_315 : i32
      %sign3A_317 = arith.constant 0 : i32
      %sign3A_318 = arith.cmpi sgt, %scan3A_314, %sign3A_317 : i32
      %sign3A_319 = arith.extui %sign3A_318 : i1 to i32
      %sign3A_320 = arith.constant 0 : i32
      %sign3A_321 = arith.cmpi slt, %scan3A_314, %sign3A_320 : i32
      %sign3A_322 = arith.extui %sign3A_321 : i1 to i32
      %sign3A_323 = arith.subi %sign3A_319, %sign3A_322 : i32
      %sign3A_324 = arith.constant 0 : i32
      %sign3A_325 = arith.cmpi sgt, %jit3A_315, %sign3A_324 : i32
      %sign3A_326 = arith.extui %sign3A_325 : i1 to i32
      %sign3A_327 = arith.constant 0 : i32
      %sign3A_328 = arith.cmpi slt, %jit3A_315, %sign3A_327 : i32
      %sign3A_329 = arith.extui %sign3A_328 : i1 to i32
      %sign3A_330 = arith.subi %sign3A_326, %sign3A_329 : i32
      %ne3A_331 = arith.cmpi ne, %sign3A_323, %sign3A_330 : i32
      %rem3A_332 = arith.remsi %scan3A_314, %jit3A_315 : i32
      %ne3A_333 = arith.constant 0 : i32
      %ne3A_334 = arith.cmpi ne, %rem3A_332, %ne3A_333 : i32
      %and3A_335 = arith.andi %ne3A_331, %ne3A_334 : i1
      %sub3A_336 = arith.constant 1 : i32
      %sub3A_337 = arith.subi %div3A_316, %sub3A_336 : i32
      %select_n3A_338 = arith.select %and3A_335, %sub3A_337, %div3A_316 : i32
      %jit3A_339 = arith.constant 2 : i32
      %eq3A_340 = arith.constant 0 : i32
      %eq3A_341 = arith.cmpi eq, %jit3A_339, %eq3A_340 : i32
      %jit3A_342 = arith.constant 1 : i32
      %select_n3A_343 = arith.select %eq3A_341, %jit3A_342, %jit3A_339 : i32
      %rem3A_344 = arith.remsi %scan3A_314, %select_n3A_343 : i32
      %ne3A_345 = arith.constant 0 : i32
      %ne3A_346 = arith.cmpi ne, %rem3A_344, %ne3A_345 : i32
      %lt3A_347 = arith.constant 0 : i32
      %lt3A_348 = arith.cmpi slt, %rem3A_344, %lt3A_347 : i32
      %lt3A_349 = arith.constant 0 : i32
      %lt3A_350 = arith.cmpi slt, %select_n3A_343, %lt3A_349 : i32
      %ne3A_351 = arith.xori %lt3A_348, %lt3A_350 : i1
      %and3A_352 = arith.andi %ne3A_351, %ne3A_346 : i1
      %add3A_353 = arith.addi %rem3A_344, %select_n3A_343 : i32
      %select_n3A_354 = arith.select %and3A_352, %add3A_353, %rem3A_344 : i32
      %mul3A_355 = arith.constant 256 : i32
      %mul3A_356 = arith.muli %select_n3A_354, %mul3A_355 : i32
      %add3A_357 = arith.constant 0 : i32
      %add3A_358 = arith.addi %mul3A_356, %add3A_357 : i32
      %get3A = arith.constant 0 : i32
      %get3A_359 = arith.index_cast %get3A : i32 to index
      %get3A_360 = arith.index_cast %select_n3A_338 : i32 to index
      %get3A_361 = arith.index_cast %add3A_358 : i32 to index
      %get3A_362 = tpu.vector_load %arg5[%get3A_359, %get3A_360, %get3A_361] {strides = array<i32>} : memref<2x32x512xf32, #tpu.memory_space<vmem>>, vector<16xf32>,
      %add3A_363 = arith.constant 16 : i32
      %add3A_364 = arith.addi %mul3A_356, %add3A_363 : i32
      %get3A_365 = arith.constant 0 : i32
      %get3A_366 = arith.index_cast %get3A_365 : i32 to index
      %get3A_367 = arith.index_cast %select_n3A_338 : i32 to index
      %get3A_368 = arith.index_cast %add3A_364 : i32 to index
      %get3A_369 = tpu.vector_load %arg5[%get3A_366, %get3A_367, %get3A_368] {strides = array<i32>} : memref<2x32x512xf32, #tpu.memory_space<vmem>>, vector<16xf32>,
      %add3A_370 = arith.constant 32 : i32
      %add3A_371 = arith.addi %mul3A_356, %add3A_370 : i32
      %get3A_372 = arith.constant 0 : i32
      %get3A_373 = arith.index_cast %get3A_372 : i32 to index
      %get3A_374 = arith.index_cast %select_n3A_338 : i32 to index
      %get3A_375 = arith.index_cast %add3A_371 : i32 to index
      %get3A_376 = tpu.vector_load %arg5[%get3A_373, %get3A_374, %get3A_375] {strides = array<i32>} : memref<2x32x512xf32, #tpu.memory_space<vmem>>, vector<16xf32>,
      %add3A_377 = arith.constant 48 : i32
      %add3A_378 = arith.addi %mul3A_356, %add3A_377 : i32
      %get3A_379 = arith.constant 0 : i32
      %get3A_380 = arith.index_cast %get3A_379 : i32 to index
      %get3A_381 = arith.index_cast %select_n3A_338 : i32 to index
      %get3A_382 = arith.index_cast %add3A_378 : i32 to index
      %get3A_383 = tpu.vector_load %arg5[%get3A_380, %get3A_381, %get3A_382] {strides = array<i32>} : memref<2x32x512xf32, #tpu.memory_space<vmem>>, vector<16xf32>,
      %add3A_384 = arith.constant 64 : i32
      %add3A_385 = arith.addi %mul3A_356, %add3A_384 : i32
      %get3A_386 = arith.constant 0 : i32
      %get3A_387 = arith.index_cast %get3A_386 : i32 to index
      %get3A_388 = arith.index_cast %select_n3A_338 : i32 to index
      %get3A_389 = arith.index_cast %add3A_385 : i32 to index
      %get3A_390 = tpu.vector_load %arg5[%get3A_387, %get3A_388, %get3A_389] {strides = array<i32>} : memref<2x32x512xf32, #tpu.memory_space<vmem>>, vector<16xf32>,
      %add3A_391 = arith.constant 80 : i32
      %add3A_392 = arith.addi %mul3A_356, %add3A_391 : i32
      %get3A_393 = arith.constant 0 : i32
      %get3A_394 = arith.index_cast %get3A_393 : i32 to index
      %get3A_395 = arith.index_cast %select_n3A_338 : i32 to index
      %get3A_396 = arith.index_cast %add3A_392 : i32 to index
      %get3A_397 = tpu.vector_load %arg5[%get3A_394, %get3A_395, %get3A_396] {strides = array<i32>} : memref<2x32x512xf32, #tpu.memory_space<vmem>>, vector<16xf32>,
      %add3A_398 = arith.constant 96 : i32
      %add3A_399 = arith.addi %mul3A_356, %add3A_398 : i32
      %get3A_400 = arith.constant 0 : i32
      %get3A_401 = arith.index_cast %get3A_400 : i32 to index
      %get3A_402 = arith.index_cast %select_n3A_338 : i32 to index
      %get3A_403 = arith.index_cast %add3A_399 : i32 to index
      %get3A_404 = tpu.vector_load %arg5[%get3A_401, %get3A_402, %get3A_403] {strides = array<i32>} : memref<2x32x512xf32, #tpu.memory_space<vmem>>, vector<16xf32>,
      %add3A_405 = arith.constant 112 : i32
      %add3A_406 = arith.addi %mul3A_356, %add3A_405 : i32
      %get3A_407 = arith.constant 0 : i32
      %get3A_408 = arith.index_cast %get3A_407 : i32 to index
      %get3A_409 = arith.index_cast %select_n3A_338 : i32 to index
      %get3A_410 = arith.index_cast %add3A_406 : i32 to index
      %get3A_411 = tpu.vector_load %arg5[%get3A_408, %get3A_409, %get3A_410] {strides = array<i32>} : memref<2x32x512xf32, #tpu.memory_space<vmem>>, vector<16xf32>,
      %add3A_412 = arith.constant 128 : i32
      %add3A_413 = arith.addi %mul3A_356, %add3A_412 : i32
      %get3A_414 = arith.constant 0 : i32
      %get3A_415 = arith.index_cast %get3A_414 : i32 to index
      %get3A_416 = arith.index_cast %select_n3A_338 : i32 to index
      %get3A_417 = arith.index_cast %add3A_413 : i32 to index
      %get3A_418 = tpu.vector_load %arg5[%get3A_415, %get3A_416, %get3A_417] {strides = array<i32>} : memref<2x32x512xf32, #tpu.memory_space<vmem>>, vector<16xf32>,
      %add3A_419 = arith.constant 144 : i32
      %add3A_420 = arith.addi %mul3A_356, %add3A_419 : i32
      %get3A_421 = arith.constant 0 : i32
      %get3A_422 = arith.index_cast %get3A_421 : i32 to index
      %get3A_423 = arith.index_cast %select_n3A_338 : i32 to index
      %get3A_424 = arith.index_cast %add3A_420 : i32 to index
      %get3A_425 = tpu.vector_load %arg5[%get3A_422, %get3A_423, %get3A_424] {strides = array<i32>} : memref<2x32x512xf32, #tpu.memory_space<vmem>>, vector<16xf32>,
      %add3A_426 = arith.constant 160 : i32
      %add3A_427 = arith.addi %mul3A_356, %add3A_426 : i32
      %get3A_428 = arith.constant 0 : i32
      %get3A_429 = arith.index_cast %get3A_428 : i32 to index
      %get3A_430 = arith.index_cast %select_n3A_338 : i32 to index
      %get3A_431 = arith.index_cast %add3A_427 : i32 to index
      %get3A_432 = tpu.vector_load %arg5[%get3A_429, %get3A_430, %get3A_431] {strides = array<i32>} : memref<2x32x512xf32, #tpu.memory_space<vmem>>, vector<16xf32>,
      %add3A_433 = arith.constant 176 : i32
      %add3A_434 = arith.addi %mul3A_356, %add3A_433 : i32
      %get3A_435 = arith.constant 0 : i32
      %get3A_436 = arith.index_cast %get3A_435 : i32 to index
      %get3A_437 = arith.index_cast %select_n3A_338 : i32 to index
      %get3A_438 = arith.index_cast %add3A_434 : i32 to index
      %get3A_439 = tpu.vector_load %arg5[%get3A_436, %get3A_437, %get3A_438] {strides = array<i32>} : memref<2x32x512xf32, #tpu.memory_space<vmem>>, vector<16xf32>,
      %add3A_440 = arith.constant 192 : i32
      %add3A_441 = arith.addi %mul3A_356, %add3A_440 : i32
      %get3A_442 = arith.constant 0 : i32
      %get3A_443 = arith.index_cast %get3A_442 : i32 to index
      %get3A_444 = arith.index_cast %select_n3A_338 : i32 to index
      %get3A_445 = arith.index_cast %add3A_441 : i32 to index
      %get3A_446 = tpu.vector_load %arg5[%get3A_443, %get3A_444, %get3A_445] {strides = array<i32>} : memref<2x32x512xf32, #tpu.memory_space<vmem>>, vector<16xf32>,
      %add3A_447 = arith.constant 208 : i32
      %add3A_448 = arith.addi %mul3A_356, %add3A_447 : i32
      %get3A_449 = arith.constant 0 : i32
      %get3A_450 = arith.index_cast %get3A_449 : i32 to index
      %get3A_451 = arith.index_cast %select_n3A_338 : i32 to index
      %get3A_452 = arith.index_cast %add3A_448 : i32 to index
      %get3A_453 = tpu.vector_load %arg5[%get3A_450, %get3A_451, %get3A_452] {strides = array<i32>} : memref<2x32x512xf32, #tpu.memory_space<vmem>>, vector<16xf32>,
      %add3A_454 = arith.constant 224 : i32
      %add3A_455 = arith.addi %mul3A_356, %add3A_454 : i32
      %get3A_456 = arith.constant 0 : i32
      %get3A_457 = arith.index_cast %get3A_456 : i32 to index
      %get3A_458 = arith.index_cast %select_n3A_338 : i32 to index
      %get3A_459 = arith.index_cast %add3A_455 : i32 to index
      %get3A_460 = tpu.vector_load %arg5[%get3A_457, %get3A_458, %get3A_459] {strides = array<i32>} : memref<2x32x512xf32, #tpu.memory_space<vmem>>, vector<16xf32>,
      %add3A_461 = arith.constant 240 : i32
      %add3A_462 = arith.addi %mul3A_356, %add3A_461 : i32
      %get3A_463 = arith.constant 0 : i32
      %get3A_464 = arith.index_cast %get3A_463 : i32 to index
      %get3A_465 = arith.index_cast %select_n3A_338 : i32 to index
      %get3A_466 = arith.index_cast %add3A_462 : i32 to index
      %get3A_467 = tpu.vector_load %arg5[%get3A_464, %get3A_465, %get3A_466] {strides = array<i32>} : memref<2x32x512xf32, #tpu.memory_space<vmem>>, vector<16xf32>,
      %add3A_468 = arith.constant 0 : i32
      %add3A_469 = arith.addi %mul3A_356, %add3A_468 : i32
      %get3A_470 = arith.constant 0 : i32
      %get3A_471 = arith.index_cast %get3A_470 : i32 to index
      %get3A_472 = arith.index_cast %select_n3A_338 : i32 to index
      %get3A_473 = arith.index_cast %add3A_469 : i32 to index
      %get3A_474 = tpu.vector_load %arg6[%get3A_471, %get3A_472, %get3A_473] {strides = array<i32>} : memref<2x32x512xi32, #tpu.memory_space<vmem>>, vector<16xi32>,
      %add3A_475 = arith.constant 16 : i32
      %add3A_476 = arith.addi %mul3A_356, %add3A_475 : i32
      %get3A_477 = arith.constant 0 : i32
      %get3A_478 = arith.index_cast %get3A_477 : i32 to index
      %get3A_479 = arith.index_cast %select_n3A_338 : i32 to index
      %get3A_480 = arith.index_cast %add3A_476 : i32 to index
      %get3A_481 = tpu.vector_load %arg6[%get3A_478, %get3A_479, %get3A_480] {strides = array<i32>} : memref<2x32x512xi32, #tpu.memory_space<vmem>>, vector<16xi32>,
      %add3A_482 = arith.constant 32 : i32
      %add3A_483 = arith.addi %mul3A_356, %add3A_482 : i32
      %get3A_484 = arith.constant 0 : i32
      %get3A_485 = arith.index_cast %get3A_484 : i32 to index
      %get3A_486 = arith.index_cast %select_n3A_338 : i32 to index
      %get3A_487 = arith.index_cast %add3A_483 : i32 to index
      %get3A_488 = tpu.vector_load %arg6[%get3A_485, %get3A_486, %get3A_487] {strides = array<i32>} : memref<2x32x512xi32, #tpu.memory_space<vmem>>, vector<16xi32>,
      %add3A_489 = arith.constant 48 : i32
      %add3A_490 = arith.addi %mul3A_356, %add3A_489 : i32
      %get3A_491 = arith.constant 0 : i32
      %get3A_492 = arith.index_cast %get3A_491 : i32 to index
      %get3A_493 = arith.index_cast %select_n3A_338 : i32 to index
      %get3A_494 = arith.index_cast %add3A_490 : i32 to index
      %get3A_495 = tpu.vector_load %arg6[%get3A_492, %get3A_493, %get3A_494] {strides = array<i32>} : memref<2x32x512xi32, #tpu.memory_space<vmem>>, vector<16xi32>,
      %add3A_496 = arith.constant 64 : i32
      %add3A_497 = arith.addi %mul3A_356, %add3A_496 : i32
      %get3A_498 = arith.constant 0 : i32
      %get3A_499 = arith.index_cast %get3A_498 : i32 to index
      %get3A_500 = arith.index_cast %select_n3A_338 : i32 to index
      %get3A_501 = arith.index_cast %add3A_497 : i32 to index
      %get3A_502 = tpu.vector_load %arg6[%get3A_499, %get3A_500, %get3A_501] {strides = array<i32>} : memref<2x32x512xi32, #tpu.memory_space<vmem>>, vector<16xi32>,
      %add3A_503 = arith.constant 80 : i32
      %add3A_504 = arith.addi %mul3A_356, %add3A_503 : i32
      %get3A_505 = arith.constant 0 : i32
      %get3A_506 = arith.index_cast %get3A_505 : i32 to index
      %get3A_507 = arith.index_cast %select_n3A_338 : i32 to index
      %get3A_508 = arith.index_cast %add3A_504 : i32 to index
      %get3A_509 = tpu.vector_load %arg6[%get3A_506, %get3A_507, %get3A_508] {strides = array<i32>} : memref<2x32x512xi32, #tpu.memory_space<vmem>>, vector<16xi32>,
      %add3A_510 = arith.constant 96 : i32
      %add3A_511 = arith.addi %mul3A_356, %add3A_510 : i32
      %get3A_512 = arith.constant 0 : i32
      %get3A_513 = arith.index_cast %get3A_512 : i32 to index
      %get3A_514 = arith.index_cast %select_n3A_338 : i32 to index
      %get3A_515 = arith.index_cast %add3A_511 : i32 to index
      %get3A_516 = tpu.vector_load %arg6[%get3A_513, %get3A_514, %get3A_515] {strides = array<i32>} : memref<2x32x512xi32, #tpu.memory_space<vmem>>, vector<16xi32>,
      %add3A_517 = arith.constant 112 : i32
      %add3A_518 = arith.addi %mul3A_356, %add3A_517 : i32
      %get3A_519 = arith.constant 0 : i32
      %get3A_520 = arith.index_cast %get3A_519 : i32 to index
      %get3A_521 = arith.index_cast %select_n3A_338 : i32 to index
      %get3A_522 = arith.index_cast %add3A_518 : i32 to index
      %get3A_523 = tpu.vector_load %arg6[%get3A_520, %get3A_521, %get3A_522] {strides = array<i32>} : memref<2x32x512xi32, #tpu.memory_space<vmem>>, vector<16xi32>,
      %add3A_524 = arith.constant 128 : i32
      %add3A_525 = arith.addi %mul3A_356, %add3A_524 : i32
      %get3A_526 = arith.constant 0 : i32
      %get3A_527 = arith.index_cast %get3A_526 : i32 to index
      %get3A_528 = arith.index_cast %select_n3A_338 : i32 to index
      %get3A_529 = arith.index_cast %add3A_525 : i32 to index
      %get3A_530 = tpu.vector_load %arg6[%get3A_527, %get3A_528, %get3A_529] {strides = array<i32>} : memref<2x32x512xi32, #tpu.memory_space<vmem>>, vector<16xi32>,
      %add3A_531 = arith.constant 144 : i32
      %add3A_532 = arith.addi %mul3A_356, %add3A_531 : i32
      %get3A_533 = arith.constant 0 : i32
      %get3A_534 = arith.index_cast %get3A_533 : i32 to index
      %get3A_535 = arith.index_cast %select_n3A_338 : i32 to index
      %get3A_536 = arith.index_cast %add3A_532 : i32 to index
      %get3A_537 = tpu.vector_load %arg6[%get3A_534, %get3A_535, %get3A_536] {strides = array<i32>} : memref<2x32x512xi32, #tpu.memory_space<vmem>>, vector<16xi32>,
      %add3A_538 = arith.constant 160 : i32
      %add3A_539 = arith.addi %mul3A_356, %add3A_538 : i32
      %get3A_540 = arith.constant 0 : i32
      %get3A_541 = arith.index_cast %get3A_540 : i32 to index
      %get3A_542 = arith.index_cast %select_n3A_338 : i32 to index
      %get3A_543 = arith.index_cast %add3A_539 : i32 to index
      %get3A_544 = tpu.vector_load %arg6[%get3A_541, %get3A_542, %get3A_543] {strides = array<i32>} : memref<2x32x512xi32, #tpu.memory_space<vmem>>, vector<16xi32>,
      %add3A_545 = arith.constant 176 : i32
      %add3A_546 = arith.addi %mul3A_356, %add3A_545 : i32
      %get3A_547 = arith.constant 0 : i32
      %get3A_548 = arith.index_cast %get3A_547 : i32 to index
      %get3A_549 = arith.index_cast %select_n3A_338 : i32 to index
      %get3A_550 = arith.index_cast %add3A_546 : i32 to index
      %get3A_551 = tpu.vector_load %arg6[%get3A_548, %get3A_549, %get3A_550] {strides = array<i32>} : memref<2x32x512xi32, #tpu.memory_space<vmem>>, vector<16xi32>,
      %add3A_552 = arith.constant 192 : i32
      %add3A_553 = arith.addi %mul3A_356, %add3A_552 : i32
      %get3A_554 = arith.constant 0 : i32
      %get3A_555 = arith.index_cast %get3A_554 : i32 to index
      %get3A_556 = arith.index_cast %select_n3A_338 : i32 to index
      %get3A_557 = arith.index_cast %add3A_553 : i32 to index
      %get3A_558 = tpu.vector_load %arg6[%get3A_555, %get3A_556, %get3A_557] {strides = array<i32>} : memref<2x32x512xi32, #tpu.memory_space<vmem>>, vector<16xi32>,
      %add3A_559 = arith.constant 208 : i32
      %add3A_560 = arith.addi %mul3A_356, %add3A_559 : i32
      %get3A_561 = arith.constant 0 : i32
      %get3A_562 = arith.index_cast %get3A_561 : i32 to index
      %get3A_563 = arith.index_cast %select_n3A_338 : i32 to index
      %get3A_564 = arith.index_cast %add3A_560 : i32 to index
      %get3A_565 = tpu.vector_load %arg6[%get3A_562, %get3A_563, %get3A_564] {strides = array<i32>} : memref<2x32x512xi32, #tpu.memory_space<vmem>>, vector<16xi32>,
      %add3A_566 = arith.constant 224 : i32
      %add3A_567 = arith.addi %mul3A_356, %add3A_566 : i32
      %get3A_568 = arith.constant 0 : i32
      %get3A_569 = arith.index_cast %get3A_568 : i32 to index
      %get3A_570 = arith.index_cast %select_n3A_338 : i32 to index
      %get3A_571 = arith.index_cast %add3A_567 : i32 to index
      %get3A_572 = tpu.vector_load %arg6[%get3A_569, %get3A_570, %get3A_571] {strides = array<i32>} : memref<2x32x512xi32, #tpu.memory_space<vmem>>, vector<16xi32>,
      %add3A_573 = arith.constant 240 : i32
      %add3A_574 = arith.addi %mul3A_356, %add3A_573 : i32
      %get3A_575 = arith.constant 0 : i32
      %get3A_576 = arith.index_cast %get3A_575 : i32 to index
      %get3A_577 = arith.index_cast %select_n3A_338 : i32 to index
      %get3A_578 = arith.index_cast %add3A_574 : i32 to index
      %get3A_579 = tpu.vector_load %arg6[%get3A_576, %get3A_577, %get3A_578] {strides = array<i32>} : memref<2x32x512xi32, #tpu.memory_space<vmem>>, vector<16xi32>,
      %convert_element_type3A = arith.sitofp %get3A_474 : vector<16xi32> to vector<16xf32>
      %sub3A_580 = arith.subf %convert_element_type3A, %get3A_362 : vector<16xf32>
      %abs3A = math.absf %sub3A_580 : vector<16xf32>
      %mul3A_581 = arith.constant 1.024000e+03 : f32
      %mul3A_582 = vector.broadcast %mul3A_581 : f32 to vector<16xf32>
      %mul3A_583 = arith.mulf %abs3A, %mul3A_582 : vector<16xf32>
      %min3A = arith.constant 1.023000e+03 : f32
      %min3A_584 = vector.broadcast %min3A : f32 to vector<16xf32>
      %min3A_585 = arith.minimumf %mul3A_583, %min3A_584 : vector<16xf32>
      %convert_element_type3A_586 = arith.fptosi %min3A_585 : vector<16xf32> to vector<16xi32>
      %add3A_587 = arith.addi %convert_element_type3A_586, %mul3A_35 : vector<16xi32>
      %shift_left3A = arith.constant 16 : i32
      %shift_left3A_588 = vector.broadcast %shift_left3A : i32 to vector<16xi32>
      %shift_left3A_589 = arith.shli %get3A_474, %shift_left3A_588 : vector<16xi32>
      %add3A_590 = arith.constant 1 : i32
      %add3A_591 = vector.broadcast %add3A_590 : i32 to vector<16xi32>
      %add3A_592 = arith.addi %add3A_591, %shift_left3A_589 : vector<16xi32>
      %convert_element_type3A_593 = arith.sitofp %get3A_481 : vector<16xi32> to vector<16xf32>
      %sub3A_594 = arith.subf %convert_element_type3A_593, %get3A_369 : vector<16xf32>
      %abs3A_595 = math.absf %sub3A_594 : vector<16xf32>
      %mul3A_596 = arith.constant 1.024000e+03 : f32
      %mul3A_597 = vector.broadcast %mul3A_596 : f32 to vector<16xf32>
      %mul3A_598 = arith.mulf %abs3A_595, %mul3A_597 : vector<16xf32>
      %min3A_599 = arith.constant 1.023000e+03 : f32
      %min3A_600 = vector.broadcast %min3A_599 : f32 to vector<16xf32>
      %min3A_601 = arith.minimumf %mul3A_598, %min3A_600 : vector<16xf32>
      %convert_element_type3A_602 = arith.fptosi %min3A_601 : vector<16xf32> to vector<16xi32>
      %add3A_603 = arith.addi %convert_element_type3A_602, %mul3A_35 : vector<16xi32>
      %shift_left3A_604 = arith.constant 16 : i32
      %shift_left3A_605 = vector.broadcast %shift_left3A_604 : i32 to vector<16xi32>
      %shift_left3A_606 = arith.shli %get3A_481, %shift_left3A_605 : vector<16xi32>
      %add3A_607 = arith.constant 1 : i32
      %add3A_608 = vector.broadcast %add3A_607 : i32 to vector<16xi32>
      %add3A_609 = arith.addi %add3A_608, %shift_left3A_606 : vector<16xi32>
      %convert_element_type3A_610 = arith.sitofp %get3A_488 : vector<16xi32> to vector<16xf32>
      %sub3A_611 = arith.subf %convert_element_type3A_610, %get3A_376 : vector<16xf32>
      %abs3A_612 = math.absf %sub3A_611 : vector<16xf32>
      %mul3A_613 = arith.constant 1.024000e+03 : f32
      %mul3A_614 = vector.broadcast %mul3A_613 : f32 to vector<16xf32>
      %mul3A_615 = arith.mulf %abs3A_612, %mul3A_614 : vector<16xf32>
      %min3A_616 = arith.constant 1.023000e+03 : f32
      %min3A_617 = vector.broadcast %min3A_616 : f32 to vector<16xf32>
      %min3A_618 = arith.minimumf %mul3A_615, %min3A_617 : vector<16xf32>
      %convert_element_type3A_619 = arith.fptosi %min3A_618 : vector<16xf32> to vector<16xi32>
      %add3A_620 = arith.addi %convert_element_type3A_619, %mul3A_35 : vector<16xi32>
      %shift_left3A_621 = arith.constant 16 : i32
      %shift_left3A_622 = vector.broadcast %shift_left3A_621 : i32 to vector<16xi32>
      %shift_left3A_623 = arith.shli %get3A_488, %shift_left3A_622 : vector<16xi32>
      %add3A_624 = arith.constant 1 : i32
      %add3A_625 = vector.broadcast %add3A_624 : i32 to vector<16xi32>
      %add3A_626 = arith.addi %add3A_625, %shift_left3A_623 : vector<16xi32>
      %convert_element_type3A_627 = arith.sitofp %get3A_495 : vector<16xi32> to vector<16xf32>
      %sub3A_628 = arith.subf %convert_element_type3A_627, %get3A_383 : vector<16xf32>
      %abs3A_629 = math.absf %sub3A_628 : vector<16xf32>
      %mul3A_630 = arith.constant 1.024000e+03 : f32
      %mul3A_631 = vector.broadcast %mul3A_630 : f32 to vector<16xf32>
      %mul3A_632 = arith.mulf %abs3A_629, %mul3A_631 : vector<16xf32>
      %min3A_633 = arith.constant 1.023000e+03 : f32
      %min3A_634 = vector.broadcast %min3A_633 : f32 to vector<16xf32>
      %min3A_635 = arith.minimumf %mul3A_632, %min3A_634 : vector<16xf32>
      %convert_element_type3A_636 = arith.fptosi %min3A_635 : vector<16xf32> to vector<16xi32>
      %add3A_637 = arith.addi %convert_element_type3A_636, %mul3A_35 : vector<16xi32>
      %shift_left3A_638 = arith.constant 16 : i32
      %shift_left3A_639 = vector.broadcast %shift_left3A_638 : i32 to vector<16xi32>
      %shift_left3A_640 = arith.shli %get3A_495, %shift_left3A_639 : vector<16xi32>
      %add3A_641 = arith.constant 1 : i32
      %add3A_642 = vector.broadcast %add3A_641 : i32 to vector<16xi32>
      %add3A_643 = arith.addi %add3A_642, %shift_left3A_640 : vector<16xi32>
      %convert_element_type3A_644 = arith.sitofp %get3A_502 : vector<16xi32> to vector<16xf32>
      %sub3A_645 = arith.subf %convert_element_type3A_644, %get3A_390 : vector<16xf32>
      %abs3A_646 = math.absf %sub3A_645 : vector<16xf32>
      %mul3A_647 = arith.constant 1.024000e+03 : f32
      %mul3A_648 = vector.broadcast %mul3A_647 : f32 to vector<16xf32>
      %mul3A_649 = arith.mulf %abs3A_646, %mul3A_648 : vector<16xf32>
      %min3A_650 = arith.constant 1.023000e+03 : f32
      %min3A_651 = vector.broadcast %min3A_650 : f32 to vector<16xf32>
      %min3A_652 = arith.minimumf %mul3A_649, %min3A_651 : vector<16xf32>
      %convert_element_type3A_653 = arith.fptosi %min3A_652 : vector<16xf32> to vector<16xi32>
      %add3A_654 = arith.addi %convert_element_type3A_653, %mul3A_35 : vector<16xi32>
      %shift_left3A_655 = arith.constant 16 : i32
      %shift_left3A_656 = vector.broadcast %shift_left3A_655 : i32 to vector<16xi32>
      %shift_left3A_657 = arith.shli %get3A_502, %shift_left3A_656 : vector<16xi32>
      %add3A_658 = arith.constant 1 : i32
      %add3A_659 = vector.broadcast %add3A_658 : i32 to vector<16xi32>
      %add3A_660 = arith.addi %add3A_659, %shift_left3A_657 : vector<16xi32>
      %convert_element_type3A_661 = arith.sitofp %get3A_509 : vector<16xi32> to vector<16xf32>
      %sub3A_662 = arith.subf %convert_element_type3A_661, %get3A_397 : vector<16xf32>
      %abs3A_663 = math.absf %sub3A_662 : vector<16xf32>
      %mul3A_664 = arith.constant 1.024000e+03 : f32
      %mul3A_665 = vector.broadcast %mul3A_664 : f32 to vector<16xf32>
      %mul3A_666 = arith.mulf %abs3A_663, %mul3A_665 : vector<16xf32>
      %min3A_667 = arith.constant 1.023000e+03 : f32
      %min3A_668 = vector.broadcast %min3A_667 : f32 to vector<16xf32>
      %min3A_669 = arith.minimumf %mul3A_666, %min3A_668 : vector<16xf32>
      %convert_element_type3A_670 = arith.fptosi %min3A_669 : vector<16xf32> to vector<16xi32>
      %add3A_671 = arith.addi %convert_element_type3A_670, %mul3A_35 : vector<16xi32>
      %shift_left3A_672 = arith.constant 16 : i32
      %shift_left3A_673 = vector.broadcast %shift_left3A_672 : i32 to vector<16xi32>
      %shift_left3A_674 = arith.shli %get3A_509, %shift_left3A_673 : vector<16xi32>
      %add3A_675 = arith.constant 1 : i32
      %add3A_676 = vector.broadcast %add3A_675 : i32 to vector<16xi32>
      %add3A_677 = arith.addi %add3A_676, %shift_left3A_674 : vector<16xi32>
      %convert_element_type3A_678 = arith.sitofp %get3A_516 : vector<16xi32> to vector<16xf32>
      %sub3A_679 = arith.subf %convert_element_type3A_678, %get3A_404 : vector<16xf32>
      %abs3A_680 = math.absf %sub3A_679 : vector<16xf32>
      %mul3A_681 = arith.constant 1.024000e+03 : f32
      %mul3A_682 = vector.broadcast %mul3A_681 : f32 to vector<16xf32>
      %mul3A_683 = arith.mulf %abs3A_680, %mul3A_682 : vector<16xf32>
      %min3A_684 = arith.constant 1.023000e+03 : f32
      %min3A_685 = vector.broadcast %min3A_684 : f32 to vector<16xf32>
      %min3A_686 = arith.minimumf %mul3A_683, %min3A_685 : vector<16xf32>
      %convert_element_type3A_687 = arith.fptosi %min3A_686 : vector<16xf32> to vector<16xi32>
      %add3A_688 = arith.addi %convert_element_type3A_687, %mul3A_35 : vector<16xi32>
      %shift_left3A_689 = arith.constant 16 : i32
      %shift_left3A_690 = vector.broadcast %shift_left3A_689 : i32 to vector<16xi32>
      %shift_left3A_691 = arith.shli %get3A_516, %shift_left3A_690 : vector<16xi32>
      %add3A_692 = arith.constant 1 : i32
      %add3A_693 = vector.broadcast %add3A_692 : i32 to vector<16xi32>
      %add3A_694 = arith.addi %add3A_693, %shift_left3A_691 : vector<16xi32>
      %convert_element_type3A_695 = arith.sitofp %get3A_523 : vector<16xi32> to vector<16xf32>
      %sub3A_696 = arith.subf %convert_element_type3A_695, %get3A_411 : vector<16xf32>
      %abs3A_697 = math.absf %sub3A_696 : vector<16xf32>
      %mul3A_698 = arith.constant 1.024000e+03 : f32
      %mul3A_699 = vector.broadcast %mul3A_698 : f32 to vector<16xf32>
      %mul3A_700 = arith.mulf %abs3A_697, %mul3A_699 : vector<16xf32>
      %min3A_701 = arith.constant 1.023000e+03 : f32
      %min3A_702 = vector.broadcast %min3A_701 : f32 to vector<16xf32>
      %min3A_703 = arith.minimumf %mul3A_700, %min3A_702 : vector<16xf32>
      %convert_element_type3A_704 = arith.fptosi %min3A_703 : vector<16xf32> to vector<16xi32>
      %add3A_705 = arith.addi %convert_element_type3A_704, %mul3A_35 : vector<16xi32>
      %shift_left3A_706 = arith.constant 16 : i32
      %shift_left3A_707 = vector.broadcast %shift_left3A_706 : i32 to vector<16xi32>
      %shift_left3A_708 = arith.shli %get3A_523, %shift_left3A_707 : vector<16xi32>
      %add3A_709 = arith.constant 1 : i32
      %add3A_710 = vector.broadcast %add3A_709 : i32 to vector<16xi32>
      %add3A_711 = arith.addi %add3A_710, %shift_left3A_708 : vector<16xi32>
      %convert_element_type3A_712 = arith.sitofp %get3A_530 : vector<16xi32> to vector<16xf32>
      %sub3A_713 = arith.subf %convert_element_type3A_712, %get3A_418 : vector<16xf32>
      %abs3A_714 = math.absf %sub3A_713 : vector<16xf32>
      %mul3A_715 = arith.constant 1.024000e+03 : f32
      %mul3A_716 = vector.broadcast %mul3A_715 : f32 to vector<16xf32>
      %mul3A_717 = arith.mulf %abs3A_714, %mul3A_716 : vector<16xf32>
      %min3A_718 = arith.constant 1.023000e+03 : f32
      %min3A_719 = vector.broadcast %min3A_718 : f32 to vector<16xf32>
      %min3A_720 = arith.minimumf %mul3A_717, %min3A_719 : vector<16xf32>
      %convert_element_type3A_721 = arith.fptosi %min3A_720 : vector<16xf32> to vector<16xi32>
      %add3A_722 = arith.addi %convert_element_type3A_721, %mul3A_35 : vector<16xi32>
      %shift_left3A_723 = arith.constant 16 : i32
      %shift_left3A_724 = vector.broadcast %shift_left3A_723 : i32 to vector<16xi32>
      %shift_left3A_725 = arith.shli %get3A_530, %shift_left3A_724 : vector<16xi32>
      %add3A_726 = arith.constant 1 : i32
      %add3A_727 = vector.broadcast %add3A_726 : i32 to vector<16xi32>
      %add3A_728 = arith.addi %add3A_727, %shift_left3A_725 : vector<16xi32>
      %convert_element_type3A_729 = arith.sitofp %get3A_537 : vector<16xi32> to vector<16xf32>
      %sub3A_730 = arith.subf %convert_element_type3A_729, %get3A_425 : vector<16xf32>
      %abs3A_731 = math.absf %sub3A_730 : vector<16xf32>
      %mul3A_732 = arith.constant 1.024000e+03 : f32
      %mul3A_733 = vector.broadcast %mul3A_732 : f32 to vector<16xf32>
      %mul3A_734 = arith.mulf %abs3A_731, %mul3A_733 : vector<16xf32>
      %min3A_735 = arith.constant 1.023000e+03 : f32
      %min3A_736 = vector.broadcast %min3A_735 : f32 to vector<16xf32>
      %min3A_737 = arith.minimumf %mul3A_734, %min3A_736 : vector<16xf32>
      %convert_element_type3A_738 = arith.fptosi %min3A_737 : vector<16xf32> to vector<16xi32>
      %add3A_739 = arith.addi %convert_element_type3A_738, %mul3A_35 : vector<16xi32>
      %shift_left3A_740 = arith.constant 16 : i32
      %shift_left3A_741 = vector.broadcast %shift_left3A_740 : i32 to vector<16xi32>
      %shift_left3A_742 = arith.shli %get3A_537, %shift_left3A_741 : vector<16xi32>
      %add3A_743 = arith.constant 1 : i32
      %add3A_744 = vector.broadcast %add3A_743 : i32 to vector<16xi32>
      %add3A_745 = arith.addi %add3A_744, %shift_left3A_742 : vector<16xi32>
      %convert_element_type3A_746 = arith.sitofp %get3A_544 : vector<16xi32> to vector<16xf32>
      %sub3A_747 = arith.subf %convert_element_type3A_746, %get3A_432 : vector<16xf32>
      %abs3A_748 = math.absf %sub3A_747 : vector<16xf32>
      %mul3A_749 = arith.constant 1.024000e+03 : f32
      %mul3A_750 = vector.broadcast %mul3A_749 : f32 to vector<16xf32>
      %mul3A_751 = arith.mulf %abs3A_748, %mul3A_750 : vector<16xf32>
      %min3A_752 = arith.constant 1.023000e+03 : f32
      %min3A_753 = vector.broadcast %min3A_752 : f32 to vector<16xf32>
      %min3A_754 = arith.minimumf %mul3A_751, %min3A_753 : vector<16xf32>
      %convert_element_type3A_755 = arith.fptosi %min3A_754 : vector<16xf32> to vector<16xi32>
      %add3A_756 = arith.addi %convert_element_type3A_755, %mul3A_35 : vector<16xi32>
      %shift_left3A_757 = arith.constant 16 : i32
      %shift_left3A_758 = vector.broadcast %shift_left3A_757 : i32 to vector<16xi32>
      %shift_left3A_759 = arith.shli %get3A_544, %shift_left3A_758 : vector<16xi32>
      %add3A_760 = arith.constant 1 : i32
      %add3A_761 = vector.broadcast %add3A_760 : i32 to vector<16xi32>
      %add3A_762 = arith.addi %add3A_761, %shift_left3A_759 : vector<16xi32>
      %convert_element_type3A_763 = arith.sitofp %get3A_551 : vector<16xi32> to vector<16xf32>
      %sub3A_764 = arith.subf %convert_element_type3A_763, %get3A_439 : vector<16xf32>
      %abs3A_765 = math.absf %sub3A_764 : vector<16xf32>
      %mul3A_766 = arith.constant 1.024000e+03 : f32
      %mul3A_767 = vector.broadcast %mul3A_766 : f32 to vector<16xf32>
      %mul3A_768 = arith.mulf %abs3A_765, %mul3A_767 : vector<16xf32>
      %min3A_769 = arith.constant 1.023000e+03 : f32
      %min3A_770 = vector.broadcast %min3A_769 : f32 to vector<16xf32>
      %min3A_771 = arith.minimumf %mul3A_768, %min3A_770 : vector<16xf32>
      %convert_element_type3A_772 = arith.fptosi %min3A_771 : vector<16xf32> to vector<16xi32>
      %add3A_773 = arith.addi %convert_element_type3A_772, %mul3A_35 : vector<16xi32>
      %shift_left3A_774 = arith.constant 16 : i32
      %shift_left3A_775 = vector.broadcast %shift_left3A_774 : i32 to vector<16xi32>
      %shift_left3A_776 = arith.shli %get3A_551, %shift_left3A_775 : vector<16xi32>
      %add3A_777 = arith.constant 1 : i32
      %add3A_778 = vector.broadcast %add3A_777 : i32 to vector<16xi32>
      %add3A_779 = arith.addi %add3A_778, %shift_left3A_776 : vector<16xi32>
      %convert_element_type3A_780 = arith.sitofp %get3A_558 : vector<16xi32> to vector<16xf32>
      %sub3A_781 = arith.subf %convert_element_type3A_780, %get3A_446 : vector<16xf32>
      %abs3A_782 = math.absf %sub3A_781 : vector<16xf32>
      %mul3A_783 = arith.constant 1.024000e+03 : f32
      %mul3A_784 = vector.broadcast %mul3A_783 : f32 to vector<16xf32>
      %mul3A_785 = arith.mulf %abs3A_782, %mul3A_784 : vector<16xf32>
      %min3A_786 = arith.constant 1.023000e+03 : f32
      %min3A_787 = vector.broadcast %min3A_786 : f32 to vector<16xf32>
      %min3A_788 = arith.minimumf %mul3A_785, %min3A_787 : vector<16xf32>
      %convert_element_type3A_789 = arith.fptosi %min3A_788 : vector<16xf32> to vector<16xi32>
      %add3A_790 = arith.addi %convert_element_type3A_789, %mul3A_35 : vector<16xi32>
      %shift_left3A_791 = arith.constant 16 : i32
      %shift_left3A_792 = vector.broadcast %shift_left3A_791 : i32 to vector<16xi32>
      %shift_left3A_793 = arith.shli %get3A_558, %shift_left3A_792 : vector<16xi32>
      %add3A_794 = arith.constant 1 : i32
      %add3A_795 = vector.broadcast %add3A_794 : i32 to vector<16xi32>
      %add3A_796 = arith.addi %add3A_795, %shift_left3A_793 : vector<16xi32>
      %convert_element_type3A_797 = arith.sitofp %get3A_565 : vector<16xi32> to vector<16xf32>
      %sub3A_798 = arith.subf %convert_element_type3A_797, %get3A_453 : vector<16xf32>
      %abs3A_799 = math.absf %sub3A_798 : vector<16xf32>
      %mul3A_800 = arith.constant 1.024000e+03 : f32
      %mul3A_801 = vector.broadcast %mul3A_800 : f32 to vector<16xf32>
      %mul3A_802 = arith.mulf %abs3A_799, %mul3A_801 : vector<16xf32>
      %min3A_803 = arith.constant 1.023000e+03 : f32
      %min3A_804 = vector.broadcast %min3A_803 : f32 to vector<16xf32>
      %min3A_805 = arith.minimumf %mul3A_802, %min3A_804 : vector<16xf32>
      %convert_element_type3A_806 = arith.fptosi %min3A_805 : vector<16xf32> to vector<16xi32>
      %add3A_807 = arith.addi %convert_element_type3A_806, %mul3A_35 : vector<16xi32>
      %shift_left3A_808 = arith.constant 16 : i32
      %shift_left3A_809 = vector.broadcast %shift_left3A_808 : i32 to vector<16xi32>
      %shift_left3A_810 = arith.shli %get3A_565, %shift_left3A_809 : vector<16xi32>
      %add3A_811 = arith.constant 1 : i32
      %add3A_812 = vector.broadcast %add3A_811 : i32 to vector<16xi32>
      %add3A_813 = arith.addi %add3A_812, %shift_left3A_810 : vector<16xi32>
      %convert_element_type3A_814 = arith.sitofp %get3A_572 : vector<16xi32> to vector<16xf32>
      %sub3A_815 = arith.subf %convert_element_type3A_814, %get3A_460 : vector<16xf32>
      %abs3A_816 = math.absf %sub3A_815 : vector<16xf32>
      %mul3A_817 = arith.constant 1.024000e+03 : f32
      %mul3A_818 = vector.broadcast %mul3A_817 : f32 to vector<16xf32>
      %mul3A_819 = arith.mulf %abs3A_816, %mul3A_818 : vector<16xf32>
      %min3A_820 = arith.constant 1.023000e+03 : f32
      %min3A_821 = vector.broadcast %min3A_820 : f32 to vector<16xf32>
      %min3A_822 = arith.minimumf %mul3A_819, %min3A_821 : vector<16xf32>
      %convert_element_type3A_823 = arith.fptosi %min3A_822 : vector<16xf32> to vector<16xi32>
      %add3A_824 = arith.addi %convert_element_type3A_823, %mul3A_35 : vector<16xi32>
      %shift_left3A_825 = arith.constant 16 : i32
      %shift_left3A_826 = vector.broadcast %shift_left3A_825 : i32 to vector<16xi32>
      %shift_left3A_827 = arith.shli %get3A_572, %shift_left3A_826 : vector<16xi32>
      %add3A_828 = arith.constant 1 : i32
      %add3A_829 = vector.broadcast %add3A_828 : i32 to vector<16xi32>
      %add3A_830 = arith.addi %add3A_829, %shift_left3A_827 : vector<16xi32>
      %convert_element_type3A_831 = arith.sitofp %get3A_579 : vector<16xi32> to vector<16xf32>
      %sub3A_832 = arith.subf %convert_element_type3A_831, %get3A_467 : vector<16xf32>
      %abs3A_833 = math.absf %sub3A_832 : vector<16xf32>
      %mul3A_834 = arith.constant 1.024000e+03 : f32
      %mul3A_835 = vector.broadcast %mul3A_834 : f32 to vector<16xf32>
      %mul3A_836 = arith.mulf %abs3A_833, %mul3A_835 : vector<16xf32>
      %min3A_837 = arith.constant 1.023000e+03 : f32
      %min3A_838 = vector.broadcast %min3A_837 : f32 to vector<16xf32>
      %min3A_839 = arith.minimumf %mul3A_836, %min3A_838 : vector<16xf32>
      %convert_element_type3A_840 = arith.fptosi %min3A_839 : vector<16xf32> to vector<16xi32>
      %add3A_841 = arith.addi %convert_element_type3A_840, %mul3A_35 : vector<16xi32>
      %shift_left3A_842 = arith.constant 16 : i32
      %shift_left3A_843 = vector.broadcast %shift_left3A_842 : i32 to vector<16xi32>
      %shift_left3A_844 = arith.shli %get3A_579, %shift_left3A_843 : vector<16xi32>
      %add3A_845 = arith.constant 1 : i32
      %add3A_846 = vector.broadcast %add3A_845 : i32 to vector<16xi32>
      %add3A_847 = arith.addi %add3A_846, %shift_left3A_844 : vector<16xi32>
      tpu.vector_store_idx %arg7[%add3A_587], %add3A_592 {add = true} : memref<16384xi32, #tpu.memory_space<vmem>>[vector<16xi32>], vector<16xi32>,
      tpu.vector_store_idx %arg7[%add3A_603], %add3A_609 {add = true} : memref<16384xi32, #tpu.memory_space<vmem>>[vector<16xi32>], vector<16xi32>,
      tpu.vector_store_idx %arg7[%add3A_620], %add3A_626 {add = true} : memref<16384xi32, #tpu.memory_space<vmem>>[vector<16xi32>], vector<16xi32>,
      tpu.vector_store_idx %arg7[%add3A_637], %add3A_643 {add = true} : memref<16384xi32, #tpu.memory_space<vmem>>[vector<16xi32>], vector<16xi32>,
      tpu.vector_store_idx %arg7[%add3A_654], %add3A_660 {add = true} : memref<16384xi32, #tpu.memory_space<vmem>>[vector<16xi32>], vector<16xi32>,
      tpu.vector_store_idx %arg7[%add3A_671], %add3A_677 {add = true} : memref<16384xi32, #tpu.memory_space<vmem>>[vector<16xi32>], vector<16xi32>,
      tpu.vector_store_idx %arg7[%add3A_688], %add3A_694 {add = true} : memref<16384xi32, #tpu.memory_space<vmem>>[vector<16xi32>], vector<16xi32>,
      tpu.vector_store_idx %arg7[%add3A_705], %add3A_711 {add = true} : memref<16384xi32, #tpu.memory_space<vmem>>[vector<16xi32>], vector<16xi32>,
      tpu.vector_store_idx %arg7[%add3A_722], %add3A_728 {add = true} : memref<16384xi32, #tpu.memory_space<vmem>>[vector<16xi32>], vector<16xi32>,
      tpu.vector_store_idx %arg7[%add3A_739], %add3A_745 {add = true} : memref<16384xi32, #tpu.memory_space<vmem>>[vector<16xi32>], vector<16xi32>,
      tpu.vector_store_idx %arg7[%add3A_756], %add3A_762 {add = true} : memref<16384xi32, #tpu.memory_space<vmem>>[vector<16xi32>], vector<16xi32>,
      tpu.vector_store_idx %arg7[%add3A_773], %add3A_779 {add = true} : memref<16384xi32, #tpu.memory_space<vmem>>[vector<16xi32>], vector<16xi32>,
      tpu.vector_store_idx %arg7[%add3A_790], %add3A_796 {add = true} : memref<16384xi32, #tpu.memory_space<vmem>>[vector<16xi32>], vector<16xi32>,
      tpu.vector_store_idx %arg7[%add3A_807], %add3A_813 {add = true} : memref<16384xi32, #tpu.memory_space<vmem>>[vector<16xi32>], vector<16xi32>,
      tpu.vector_store_idx %arg7[%add3A_824], %add3A_830 {add = true} : memref<16384xi32, #tpu.memory_space<vmem>>[vector<16xi32>], vector<16xi32>,
      tpu.vector_store_idx %arg7[%add3A_841], %add3A_847 {add = true} : memref<16384xi32, #tpu.memory_space<vmem>>[vector<16xi32>], vector<16xi32>,
    }
    %scan3A_275 = arith.constant 64 : i32
    %dma_wait3A_276 = arith.constant 1 : i32
    %dma_wait3A_277 = arith.constant 0 : i32
    %dma_wait3A_278 = arith.constant 0 : i32
    %dma_wait3A_279 = tpu.memref_slice %arg5[%dma_wait3A_276, %dma_wait3A_277, %dma_wait3A_278] : memref<2x32x512xf32, #tpu.memory_space<vmem>> -> memref<1x32x512xf32, #tpu.memory_space<vmem>>
    %dma_wait3A_280 = tpu.memref_squeeze %dma_wait3A_279 : memref<1x32x512xf32, #tpu.memory_space<vmem>> -> memref<32x512xf32, #tpu.memory_space<vmem>>
    %dma_wait3A_281 = arith.constant 0 : i32
    %dma_wait3A_282 = tpu.memref_slice %arg2[%select_n3A, %add3A_209, %dma_wait3A_281] : memref<8x512x512xf32, #tpu.memory_space<hbm>> -> memref<1x32x512xf32, #tpu.memory_space<hbm>>
    %dma_wait3A_283 = tpu.memref_squeeze %dma_wait3A_282 : memref<1x32x512xf32, #tpu.memory_space<hbm>> -> memref<32x512xf32, #tpu.memory_space<hbm>>
    %dma_wait3A_284 = arith.constant 0 : i32
    %dma_wait3A_285 = arith.constant 0 : i32
    %dma_wait3A_286 = tpu.memref_slice %arg5[%dma_wait3A_276, %dma_wait3A_284, %dma_wait3A_285] : memref<2x32x512xf32, #tpu.memory_space<vmem>> -> memref<1x32x512xf32, #tpu.memory_space<vmem>>
    %dma_wait3A_287 = tpu.memref_squeeze %dma_wait3A_286 : memref<1x32x512xf32, #tpu.memory_space<vmem>> -> memref<32x512xf32, #tpu.memory_space<vmem>>
    %dma_wait3A_288 = arith.constant 0 : i32
    %dma_wait3A_289 = tpu.memref_slice %arg2[%select_n3A, %add3A_209, %dma_wait3A_288] : memref<8x512x512xf32, #tpu.memory_space<hbm>> -> memref<1x32x512xf32, #tpu.memory_space<hbm>>
    %dma_wait3A_290 = tpu.memref_squeeze %dma_wait3A_289 : memref<1x32x512xf32, #tpu.memory_space<hbm>> -> memref<32x512xf32, #tpu.memory_space<hbm>>
    tpu.wait_dma2 semaphore(%arg10 : memref<!tpu.dma_semaphore, #tpu.memory_space<semaphore_mem>>) src(%dma_wait3A_290 : memref<32x512xf32, #tpu.memory_space<hbm>>) dst(%dma_wait3A_287 : memref<32x512xf32, #tpu.memory_space<vmem>>)
    %dma_wait3A_291 = arith.constant 1 : i32
    %dma_wait3A_292 = arith.constant 0 : i32
    %dma_wait3A_293 = arith.constant 0 : i32
    %dma_wait3A_294 = tpu.memref_slice %arg6[%dma_wait3A_291, %dma_wait3A_292, %dma_wait3A_293] : memref<2x32x512xi32, #tpu.memory_space<vmem>> -> memref<1x32x512xi32, #tpu.memory_space<vmem>>
    %dma_wait3A_295 = tpu.memref_squeeze %dma_wait3A_294 : memref<1x32x512xi32, #tpu.memory_space<vmem>> -> memref<32x512xi32, #tpu.memory_space<vmem>>
    %dma_wait3A_296 = arith.constant 0 : i32
    %dma_wait3A_297 = tpu.memref_slice %arg3[%select_n3A, %add3A_209, %dma_wait3A_296] : memref<8x512x512xi32, #tpu.memory_space<hbm>> -> memref<1x32x512xi32, #tpu.memory_space<hbm>>
    %dma_wait3A_298 = tpu.memref_squeeze %dma_wait3A_297 : memref<1x32x512xi32, #tpu.memory_space<hbm>> -> memref<32x512xi32, #tpu.memory_space<hbm>>
    %dma_wait3A_299 = arith.constant 0 : i32
    %dma_wait3A_300 = arith.constant 0 : i32
    %dma_wait3A_301 = tpu.memref_slice %arg6[%dma_wait3A_291, %dma_wait3A_299, %dma_wait3A_300] : memref<2x32x512xi32, #tpu.memory_space<vmem>> -> memref<1x32x512xi32, #tpu.memory_space<vmem>>
    %dma_wait3A_302 = tpu.memref_squeeze %dma_wait3A_301 : memref<1x32x512xi32, #tpu.memory_space<vmem>> -> memref<32x512xi32, #tpu.memory_space<vmem>>
    %dma_wait3A_303 = arith.constant 0 : i32
    %dma_wait3A_304 = tpu.memref_slice %arg3[%select_n3A, %add3A_209, %dma_wait3A_303] : memref<8x512x512xi32, #tpu.memory_space<hbm>> -> memref<1x32x512xi32, #tpu.memory_space<hbm>>
    %dma_wait3A_305 = tpu.memref_squeeze %dma_wait3A_304 : memref<1x32x512xi32, #tpu.memory_space<hbm>> -> memref<32x512xi32, #tpu.memory_space<hbm>>
    tpu.wait_dma2 semaphore(%arg11 : memref<!tpu.dma_semaphore, #tpu.memory_space<semaphore_mem>>) src(%dma_wait3A_305 : memref<32x512xi32, #tpu.memory_space<hbm>>) dst(%dma_wait3A_302 : memref<32x512xi32, #tpu.memory_space<vmem>>)
    %scan3A_306 = arith.constant 0 : i32
    %scan3A_307 = arith.constant 0 : i32
    %scan3A_308 = arith.constant 64 : i32
    %scan3A_309 = arith.addi %scan3A_307, %scan3A_308 : i32
    %scan3A_310 = arith.constant 1 : i32
    scf.for %scan3A_314 = %scan3A_307 to %scan3A_309 step %scan3A_310  : i32 {
      %jit3A_315 = arith.constant 2 : i32
      %div3A_316 = arith.divsi %scan3A_314, %jit3A_315 : i32
      %sign3A_317 = arith.constant 0 : i32
      %sign3A_318 = arith.cmpi sgt, %scan3A_314, %sign3A_317 : i32
      %sign3A_319 = arith.extui %sign3A_318 : i1 to i32
      %sign3A_320 = arith.constant 0 : i32
      %sign3A_321 = arith.cmpi slt, %scan3A_314, %sign3A_320 : i32
      %sign3A_322 = arith.extui %sign3A_321 : i1 to i32
      %sign3A_323 = arith.subi %sign3A_319, %sign3A_322 : i32
      %sign3A_324 = arith.constant 0 : i32
      %sign3A_325 = arith.cmpi sgt, %jit3A_315, %sign3A_324 : i32
      %sign3A_326 = arith.extui %sign3A_325 : i1 to i32
      %sign3A_327 = arith.constant 0 : i32
      %sign3A_328 = arith.cmpi slt, %jit3A_315, %sign3A_327 : i32
      %sign3A_329 = arith.extui %sign3A_328 : i1 to i32
      %sign3A_330 = arith.subi %sign3A_326, %sign3A_329 : i32
      %ne3A_331 = arith.cmpi ne, %sign3A_323, %sign3A_330 : i32
      %rem3A_332 = arith.remsi %scan3A_314, %jit3A_315 : i32
      %ne3A_333 = arith.constant 0 : i32
      %ne3A_334 = arith.cmpi ne, %rem3A_332, %ne3A_333 : i32
      %and3A_335 = arith.andi %ne3A_331, %ne3A_334 : i1
      %sub3A_336 = arith.constant 1 : i32
      %sub3A_337 = arith.subi %div3A_316, %sub3A_336 : i32
      %select_n3A_338 = arith.select %and3A_335, %sub3A_337, %div3A_316 : i32
      %jit3A_339 = arith.constant 2 : i32
      %eq3A_340 = arith.constant 0 : i32
      %eq3A_341 = arith.cmpi eq, %jit3A_339, %eq3A_340 : i32
      %jit3A_342 = arith.constant 1 : i32
      %select_n3A_343 = arith.select %eq3A_341, %jit3A_342, %jit3A_339 : i32
      %rem3A_344 = arith.remsi %scan3A_314, %select_n3A_343 : i32
      %ne3A_345 = arith.constant 0 : i32
      %ne3A_346 = arith.cmpi ne, %rem3A_344, %ne3A_345 : i32
      %lt3A_347 = arith.constant 0 : i32
      %lt3A_348 = arith.cmpi slt, %rem3A_344, %lt3A_347 : i32
      %lt3A_349 = arith.constant 0 : i32
      %lt3A_350 = arith.cmpi slt, %select_n3A_343, %lt3A_349 : i32
      %ne3A_351 = arith.xori %lt3A_348, %lt3A_350 : i1
      %and3A_352 = arith.andi %ne3A_351, %ne3A_346 : i1
      %add3A_353 = arith.addi %rem3A_344, %select_n3A_343 : i32
      %select_n3A_354 = arith.select %and3A_352, %add3A_353, %rem3A_344 : i32
      %mul3A_355 = arith.constant 256 : i32
      %mul3A_356 = arith.muli %select_n3A_354, %mul3A_355 : i32
      %add3A_357 = arith.constant 0 : i32
      %add3A_358 = arith.addi %mul3A_356, %add3A_357 : i32
      %get3A = arith.constant 1 : i32
      %get3A_359 = arith.index_cast %get3A : i32 to index
      %get3A_360 = arith.index_cast %select_n3A_338 : i32 to index
      %get3A_361 = arith.index_cast %add3A_358 : i32 to index
      %get3A_362 = tpu.vector_load %arg5[%get3A_359, %get3A_360, %get3A_361] {strides = array<i32>} : memref<2x32x512xf32, #tpu.memory_space<vmem>>, vector<16xf32>,
      %add3A_363 = arith.constant 16 : i32
      %add3A_364 = arith.addi %mul3A_356, %add3A_363 : i32
      %get3A_365 = arith.constant 1 : i32
      %get3A_366 = arith.index_cast %get3A_365 : i32 to index
      %get3A_367 = arith.index_cast %select_n3A_338 : i32 to index
      %get3A_368 = arith.index_cast %add3A_364 : i32 to index
      %get3A_369 = tpu.vector_load %arg5[%get3A_366, %get3A_367, %get3A_368] {strides = array<i32>} : memref<2x32x512xf32, #tpu.memory_space<vmem>>, vector<16xf32>,
      %add3A_370 = arith.constant 32 : i32
      %add3A_371 = arith.addi %mul3A_356, %add3A_370 : i32
      %get3A_372 = arith.constant 1 : i32
      %get3A_373 = arith.index_cast %get3A_372 : i32 to index
      %get3A_374 = arith.index_cast %select_n3A_338 : i32 to index
      %get3A_375 = arith.index_cast %add3A_371 : i32 to index
      %get3A_376 = tpu.vector_load %arg5[%get3A_373, %get3A_374, %get3A_375] {strides = array<i32>} : memref<2x32x512xf32, #tpu.memory_space<vmem>>, vector<16xf32>,
      %add3A_377 = arith.constant 48 : i32
      %add3A_378 = arith.addi %mul3A_356, %add3A_377 : i32
      %get3A_379 = arith.constant 1 : i32
      %get3A_380 = arith.index_cast %get3A_379 : i32 to index
      %get3A_381 = arith.index_cast %select_n3A_338 : i32 to index
      %get3A_382 = arith.index_cast %add3A_378 : i32 to index
      %get3A_383 = tpu.vector_load %arg5[%get3A_380, %get3A_381, %get3A_382] {strides = array<i32>} : memref<2x32x512xf32, #tpu.memory_space<vmem>>, vector<16xf32>,
      %add3A_384 = arith.constant 64 : i32
      %add3A_385 = arith.addi %mul3A_356, %add3A_384 : i32
      %get3A_386 = arith.constant 1 : i32
      %get3A_387 = arith.index_cast %get3A_386 : i32 to index
      %get3A_388 = arith.index_cast %select_n3A_338 : i32 to index
      %get3A_389 = arith.index_cast %add3A_385 : i32 to index
      %get3A_390 = tpu.vector_load %arg5[%get3A_387, %get3A_388, %get3A_389] {strides = array<i32>} : memref<2x32x512xf32, #tpu.memory_space<vmem>>, vector<16xf32>,
      %add3A_391 = arith.constant 80 : i32
      %add3A_392 = arith.addi %mul3A_356, %add3A_391 : i32
      %get3A_393 = arith.constant 1 : i32
      %get3A_394 = arith.index_cast %get3A_393 : i32 to index
      %get3A_395 = arith.index_cast %select_n3A_338 : i32 to index
      %get3A_396 = arith.index_cast %add3A_392 : i32 to index
      %get3A_397 = tpu.vector_load %arg5[%get3A_394, %get3A_395, %get3A_396] {strides = array<i32>} : memref<2x32x512xf32, #tpu.memory_space<vmem>>, vector<16xf32>,
      %add3A_398 = arith.constant 96 : i32
      %add3A_399 = arith.addi %mul3A_356, %add3A_398 : i32
      %get3A_400 = arith.constant 1 : i32
      %get3A_401 = arith.index_cast %get3A_400 : i32 to index
      %get3A_402 = arith.index_cast %select_n3A_338 : i32 to index
      %get3A_403 = arith.index_cast %add3A_399 : i32 to index
      %get3A_404 = tpu.vector_load %arg5[%get3A_401, %get3A_402, %get3A_403] {strides = array<i32>} : memref<2x32x512xf32, #tpu.memory_space<vmem>>, vector<16xf32>,
      %add3A_405 = arith.constant 112 : i32
      %add3A_406 = arith.addi %mul3A_356, %add3A_405 : i32
      %get3A_407 = arith.constant 1 : i32
      %get3A_408 = arith.index_cast %get3A_407 : i32 to index
      %get3A_409 = arith.index_cast %select_n3A_338 : i32 to index
      %get3A_410 = arith.index_cast %add3A_406 : i32 to index
      %get3A_411 = tpu.vector_load %arg5[%get3A_408, %get3A_409, %get3A_410] {strides = array<i32>} : memref<2x32x512xf32, #tpu.memory_space<vmem>>, vector<16xf32>,
      %add3A_412 = arith.constant 128 : i32
      %add3A_413 = arith.addi %mul3A_356, %add3A_412 : i32
      %get3A_414 = arith.constant 1 : i32
      %get3A_415 = arith.index_cast %get3A_414 : i32 to index
      %get3A_416 = arith.index_cast %select_n3A_338 : i32 to index
      %get3A_417 = arith.index_cast %add3A_413 : i32 to index
      %get3A_418 = tpu.vector_load %arg5[%get3A_415, %get3A_416, %get3A_417] {strides = array<i32>} : memref<2x32x512xf32, #tpu.memory_space<vmem>>, vector<16xf32>,
      %add3A_419 = arith.constant 144 : i32
      %add3A_420 = arith.addi %mul3A_356, %add3A_419 : i32
      %get3A_421 = arith.constant 1 : i32
      %get3A_422 = arith.index_cast %get3A_421 : i32 to index
      %get3A_423 = arith.index_cast %select_n3A_338 : i32 to index
      %get3A_424 = arith.index_cast %add3A_420 : i32 to index
      %get3A_425 = tpu.vector_load %arg5[%get3A_422, %get3A_423, %get3A_424] {strides = array<i32>} : memref<2x32x512xf32, #tpu.memory_space<vmem>>, vector<16xf32>,
      %add3A_426 = arith.constant 160 : i32
      %add3A_427 = arith.addi %mul3A_356, %add3A_426 : i32
      %get3A_428 = arith.constant 1 : i32
      %get3A_429 = arith.index_cast %get3A_428 : i32 to index
      %get3A_430 = arith.index_cast %select_n3A_338 : i32 to index
      %get3A_431 = arith.index_cast %add3A_427 : i32 to index
      %get3A_432 = tpu.vector_load %arg5[%get3A_429, %get3A_430, %get3A_431] {strides = array<i32>} : memref<2x32x512xf32, #tpu.memory_space<vmem>>, vector<16xf32>,
      %add3A_433 = arith.constant 176 : i32
      %add3A_434 = arith.addi %mul3A_356, %add3A_433 : i32
      %get3A_435 = arith.constant 1 : i32
      %get3A_436 = arith.index_cast %get3A_435 : i32 to index
      %get3A_437 = arith.index_cast %select_n3A_338 : i32 to index
      %get3A_438 = arith.index_cast %add3A_434 : i32 to index
      %get3A_439 = tpu.vector_load %arg5[%get3A_436, %get3A_437, %get3A_438] {strides = array<i32>} : memref<2x32x512xf32, #tpu.memory_space<vmem>>, vector<16xf32>,
      %add3A_440 = arith.constant 192 : i32
      %add3A_441 = arith.addi %mul3A_356, %add3A_440 : i32
      %get3A_442 = arith.constant 1 : i32
      %get3A_443 = arith.index_cast %get3A_442 : i32 to index
      %get3A_444 = arith.index_cast %select_n3A_338 : i32 to index
      %get3A_445 = arith.index_cast %add3A_441 : i32 to index
      %get3A_446 = tpu.vector_load %arg5[%get3A_443, %get3A_444, %get3A_445] {strides = array<i32>} : memref<2x32x512xf32, #tpu.memory_space<vmem>>, vector<16xf32>,
      %add3A_447 = arith.constant 208 : i32
      %add3A_448 = arith.addi %mul3A_356, %add3A_447 : i32
      %get3A_449 = arith.constant 1 : i32
      %get3A_450 = arith.index_cast %get3A_449 : i32 to index
      %get3A_451 = arith.index_cast %select_n3A_338 : i32 to index
      %get3A_452 = arith.index_cast %add3A_448 : i32 to index
      %get3A_453 = tpu.vector_load %arg5[%get3A_450, %get3A_451, %get3A_452] {strides = array<i32>} : memref<2x32x512xf32, #tpu.memory_space<vmem>>, vector<16xf32>,
      %add3A_454 = arith.constant 224 : i32
      %add3A_455 = arith.addi %mul3A_356, %add3A_454 : i32
      %get3A_456 = arith.constant 1 : i32
      %get3A_457 = arith.index_cast %get3A_456 : i32 to index
      %get3A_458 = arith.index_cast %select_n3A_338 : i32 to index
      %get3A_459 = arith.index_cast %add3A_455 : i32 to index
      %get3A_460 = tpu.vector_load %arg5[%get3A_457, %get3A_458, %get3A_459] {strides = array<i32>} : memref<2x32x512xf32, #tpu.memory_space<vmem>>, vector<16xf32>,
      %add3A_461 = arith.constant 240 : i32
      %add3A_462 = arith.addi %mul3A_356, %add3A_461 : i32
      %get3A_463 = arith.constant 1 : i32
      %get3A_464 = arith.index_cast %get3A_463 : i32 to index
      %get3A_465 = arith.index_cast %select_n3A_338 : i32 to index
      %get3A_466 = arith.index_cast %add3A_462 : i32 to index
      %get3A_467 = tpu.vector_load %arg5[%get3A_464, %get3A_465, %get3A_466] {strides = array<i32>} : memref<2x32x512xf32, #tpu.memory_space<vmem>>, vector<16xf32>,
      %add3A_468 = arith.constant 0 : i32
      %add3A_469 = arith.addi %mul3A_356, %add3A_468 : i32
      %get3A_470 = arith.constant 1 : i32
      %get3A_471 = arith.index_cast %get3A_470 : i32 to index
      %get3A_472 = arith.index_cast %select_n3A_338 : i32 to index
      %get3A_473 = arith.index_cast %add3A_469 : i32 to index
      %get3A_474 = tpu.vector_load %arg6[%get3A_471, %get3A_472, %get3A_473] {strides = array<i32>} : memref<2x32x512xi32, #tpu.memory_space<vmem>>, vector<16xi32>,
      %add3A_475 = arith.constant 16 : i32
      %add3A_476 = arith.addi %mul3A_356, %add3A_475 : i32
      %get3A_477 = arith.constant 1 : i32
      %get3A_478 = arith.index_cast %get3A_477 : i32 to index
      %get3A_479 = arith.index_cast %select_n3A_338 : i32 to index
      %get3A_480 = arith.index_cast %add3A_476 : i32 to index
      %get3A_481 = tpu.vector_load %arg6[%get3A_478, %get3A_479, %get3A_480] {strides = array<i32>} : memref<2x32x512xi32, #tpu.memory_space<vmem>>, vector<16xi32>,
      %add3A_482 = arith.constant 32 : i32
      %add3A_483 = arith.addi %mul3A_356, %add3A_482 : i32
      %get3A_484 = arith.constant 1 : i32
      %get3A_485 = arith.index_cast %get3A_484 : i32 to index
      %get3A_486 = arith.index_cast %select_n3A_338 : i32 to index
      %get3A_487 = arith.index_cast %add3A_483 : i32 to index
      %get3A_488 = tpu.vector_load %arg6[%get3A_485, %get3A_486, %get3A_487] {strides = array<i32>} : memref<2x32x512xi32, #tpu.memory_space<vmem>>, vector<16xi32>,
      %add3A_489 = arith.constant 48 : i32
      %add3A_490 = arith.addi %mul3A_356, %add3A_489 : i32
      %get3A_491 = arith.constant 1 : i32
      %get3A_492 = arith.index_cast %get3A_491 : i32 to index
      %get3A_493 = arith.index_cast %select_n3A_338 : i32 to index
      %get3A_494 = arith.index_cast %add3A_490 : i32 to index
      %get3A_495 = tpu.vector_load %arg6[%get3A_492, %get3A_493, %get3A_494] {strides = array<i32>} : memref<2x32x512xi32, #tpu.memory_space<vmem>>, vector<16xi32>,
      %add3A_496 = arith.constant 64 : i32
      %add3A_497 = arith.addi %mul3A_356, %add3A_496 : i32
      %get3A_498 = arith.constant 1 : i32
      %get3A_499 = arith.index_cast %get3A_498 : i32 to index
      %get3A_500 = arith.index_cast %select_n3A_338 : i32 to index
      %get3A_501 = arith.index_cast %add3A_497 : i32 to index
      %get3A_502 = tpu.vector_load %arg6[%get3A_499, %get3A_500, %get3A_501] {strides = array<i32>} : memref<2x32x512xi32, #tpu.memory_space<vmem>>, vector<16xi32>,
      %add3A_503 = arith.constant 80 : i32
      %add3A_504 = arith.addi %mul3A_356, %add3A_503 : i32
      %get3A_505 = arith.constant 1 : i32
      %get3A_506 = arith.index_cast %get3A_505 : i32 to index
      %get3A_507 = arith.index_cast %select_n3A_338 : i32 to index
      %get3A_508 = arith.index_cast %add3A_504 : i32 to index
      %get3A_509 = tpu.vector_load %arg6[%get3A_506, %get3A_507, %get3A_508] {strides = array<i32>} : memref<2x32x512xi32, #tpu.memory_space<vmem>>, vector<16xi32>,
      %add3A_510 = arith.constant 96 : i32
      %add3A_511 = arith.addi %mul3A_356, %add3A_510 : i32
      %get3A_512 = arith.constant 1 : i32
      %get3A_513 = arith.index_cast %get3A_512 : i32 to index
      %get3A_514 = arith.index_cast %select_n3A_338 : i32 to index
      %get3A_515 = arith.index_cast %add3A_511 : i32 to index
      %get3A_516 = tpu.vector_load %arg6[%get3A_513, %get3A_514, %get3A_515] {strides = array<i32>} : memref<2x32x512xi32, #tpu.memory_space<vmem>>, vector<16xi32>,
      %add3A_517 = arith.constant 112 : i32
      %add3A_518 = arith.addi %mul3A_356, %add3A_517 : i32
      %get3A_519 = arith.constant 1 : i32
      %get3A_520 = arith.index_cast %get3A_519 : i32 to index
      %get3A_521 = arith.index_cast %select_n3A_338 : i32 to index
      %get3A_522 = arith.index_cast %add3A_518 : i32 to index
      %get3A_523 = tpu.vector_load %arg6[%get3A_520, %get3A_521, %get3A_522] {strides = array<i32>} : memref<2x32x512xi32, #tpu.memory_space<vmem>>, vector<16xi32>,
      %add3A_524 = arith.constant 128 : i32
      %add3A_525 = arith.addi %mul3A_356, %add3A_524 : i32
      %get3A_526 = arith.constant 1 : i32
      %get3A_527 = arith.index_cast %get3A_526 : i32 to index
      %get3A_528 = arith.index_cast %select_n3A_338 : i32 to index
      %get3A_529 = arith.index_cast %add3A_525 : i32 to index
      %get3A_530 = tpu.vector_load %arg6[%get3A_527, %get3A_528, %get3A_529] {strides = array<i32>} : memref<2x32x512xi32, #tpu.memory_space<vmem>>, vector<16xi32>,
      %add3A_531 = arith.constant 144 : i32
      %add3A_532 = arith.addi %mul3A_356, %add3A_531 : i32
      %get3A_533 = arith.constant 1 : i32
      %get3A_534 = arith.index_cast %get3A_533 : i32 to index
      %get3A_535 = arith.index_cast %select_n3A_338 : i32 to index
      %get3A_536 = arith.index_cast %add3A_532 : i32 to index
      %get3A_537 = tpu.vector_load %arg6[%get3A_534, %get3A_535, %get3A_536] {strides = array<i32>} : memref<2x32x512xi32, #tpu.memory_space<vmem>>, vector<16xi32>,
      %add3A_538 = arith.constant 160 : i32
      %add3A_539 = arith.addi %mul3A_356, %add3A_538 : i32
      %get3A_540 = arith.constant 1 : i32
      %get3A_541 = arith.index_cast %get3A_540 : i32 to index
      %get3A_542 = arith.index_cast %select_n3A_338 : i32 to index
      %get3A_543 = arith.index_cast %add3A_539 : i32 to index
      %get3A_544 = tpu.vector_load %arg6[%get3A_541, %get3A_542, %get3A_543] {strides = array<i32>} : memref<2x32x512xi32, #tpu.memory_space<vmem>>, vector<16xi32>,
      %add3A_545 = arith.constant 176 : i32
      %add3A_546 = arith.addi %mul3A_356, %add3A_545 : i32
      %get3A_547 = arith.constant 1 : i32
      %get3A_548 = arith.index_cast %get3A_547 : i32 to index
      %get3A_549 = arith.index_cast %select_n3A_338 : i32 to index
      %get3A_550 = arith.index_cast %add3A_546 : i32 to index
      %get3A_551 = tpu.vector_load %arg6[%get3A_548, %get3A_549, %get3A_550] {strides = array<i32>} : memref<2x32x512xi32, #tpu.memory_space<vmem>>, vector<16xi32>,
      %add3A_552 = arith.constant 192 : i32
      %add3A_553 = arith.addi %mul3A_356, %add3A_552 : i32
      %get3A_554 = arith.constant 1 : i32
      %get3A_555 = arith.index_cast %get3A_554 : i32 to index
      %get3A_556 = arith.index_cast %select_n3A_338 : i32 to index
      %get3A_557 = arith.index_cast %add3A_553 : i32 to index
      %get3A_558 = tpu.vector_load %arg6[%get3A_555, %get3A_556, %get3A_557] {strides = array<i32>} : memref<2x32x512xi32, #tpu.memory_space<vmem>>, vector<16xi32>,
      %add3A_559 = arith.constant 208 : i32
      %add3A_560 = arith.addi %mul3A_356, %add3A_559 : i32
      %get3A_561 = arith.constant 1 : i32
      %get3A_562 = arith.index_cast %get3A_561 : i32 to index
      %get3A_563 = arith.index_cast %select_n3A_338 : i32 to index
      %get3A_564 = arith.index_cast %add3A_560 : i32 to index
      %get3A_565 = tpu.vector_load %arg6[%get3A_562, %get3A_563, %get3A_564] {strides = array<i32>} : memref<2x32x512xi32, #tpu.memory_space<vmem>>, vector<16xi32>,
      %add3A_566 = arith.constant 224 : i32
      %add3A_567 = arith.addi %mul3A_356, %add3A_566 : i32
      %get3A_568 = arith.constant 1 : i32
      %get3A_569 = arith.index_cast %get3A_568 : i32 to index
      %get3A_570 = arith.index_cast %select_n3A_338 : i32 to index
      %get3A_571 = arith.index_cast %add3A_567 : i32 to index
      %get3A_572 = tpu.vector_load %arg6[%get3A_569, %get3A_570, %get3A_571] {strides = array<i32>} : memref<2x32x512xi32, #tpu.memory_space<vmem>>, vector<16xi32>,
      %add3A_573 = arith.constant 240 : i32
      %add3A_574 = arith.addi %mul3A_356, %add3A_573 : i32
      %get3A_575 = arith.constant 1 : i32
      %get3A_576 = arith.index_cast %get3A_575 : i32 to index
      %get3A_577 = arith.index_cast %select_n3A_338 : i32 to index
      %get3A_578 = arith.index_cast %add3A_574 : i32 to index
      %get3A_579 = tpu.vector_load %arg6[%get3A_576, %get3A_577, %get3A_578] {strides = array<i32>} : memref<2x32x512xi32, #tpu.memory_space<vmem>>, vector<16xi32>,
      %convert_element_type3A = arith.sitofp %get3A_474 : vector<16xi32> to vector<16xf32>
      %sub3A_580 = arith.subf %convert_element_type3A, %get3A_362 : vector<16xf32>
      %abs3A = math.absf %sub3A_580 : vector<16xf32>
      %mul3A_581 = arith.constant 1.024000e+03 : f32
      %mul3A_582 = vector.broadcast %mul3A_581 : f32 to vector<16xf32>
      %mul3A_583 = arith.mulf %abs3A, %mul3A_582 : vector<16xf32>
      %min3A = arith.constant 1.023000e+03 : f32
      %min3A_584 = vector.broadcast %min3A : f32 to vector<16xf32>
      %min3A_585 = arith.minimumf %mul3A_583, %min3A_584 : vector<16xf32>
      %convert_element_type3A_586 = arith.fptosi %min3A_585 : vector<16xf32> to vector<16xi32>
      %add3A_587 = arith.addi %convert_element_type3A_586, %mul3A_35 : vector<16xi32>
      %shift_left3A = arith.constant 16 : i32
      %shift_left3A_588 = vector.broadcast %shift_left3A : i32 to vector<16xi32>
      %shift_left3A_589 = arith.shli %get3A_474, %shift_left3A_588 : vector<16xi32>
      %add3A_590 = arith.constant 1 : i32
      %add3A_591 = vector.broadcast %add3A_590 : i32 to vector<16xi32>
      %add3A_592 = arith.addi %add3A_591, %shift_left3A_589 : vector<16xi32>
      %convert_element_type3A_593 = arith.sitofp %get3A_481 : vector<16xi32> to vector<16xf32>
      %sub3A_594 = arith.subf %convert_element_type3A_593, %get3A_369 : vector<16xf32>
      %abs3A_595 = math.absf %sub3A_594 : vector<16xf32>
      %mul3A_596 = arith.constant 1.024000e+03 : f32
      %mul3A_597 = vector.broadcast %mul3A_596 : f32 to vector<16xf32>
      %mul3A_598 = arith.mulf %abs3A_595, %mul3A_597 : vector<16xf32>
      %min3A_599 = arith.constant 1.023000e+03 : f32
      %min3A_600 = vector.broadcast %min3A_599 : f32 to vector<16xf32>
      %min3A_601 = arith.minimumf %mul3A_598, %min3A_600 : vector<16xf32>
      %convert_element_type3A_602 = arith.fptosi %min3A_601 : vector<16xf32> to vector<16xi32>
      %add3A_603 = arith.addi %convert_element_type3A_602, %mul3A_35 : vector<16xi32>
      %shift_left3A_604 = arith.constant 16 : i32
      %shift_left3A_605 = vector.broadcast %shift_left3A_604 : i32 to vector<16xi32>
      %shift_left3A_606 = arith.shli %get3A_481, %shift_left3A_605 : vector<16xi32>
      %add3A_607 = arith.constant 1 : i32
      %add3A_608 = vector.broadcast %add3A_607 : i32 to vector<16xi32>
      %add3A_609 = arith.addi %add3A_608, %shift_left3A_606 : vector<16xi32>
      %convert_element_type3A_610 = arith.sitofp %get3A_488 : vector<16xi32> to vector<16xf32>
      %sub3A_611 = arith.subf %convert_element_type3A_610, %get3A_376 : vector<16xf32>
      %abs3A_612 = math.absf %sub3A_611 : vector<16xf32>
      %mul3A_613 = arith.constant 1.024000e+03 : f32
      %mul3A_614 = vector.broadcast %mul3A_613 : f32 to vector<16xf32>
      %mul3A_615 = arith.mulf %abs3A_612, %mul3A_614 : vector<16xf32>
      %min3A_616 = arith.constant 1.023000e+03 : f32
      %min3A_617 = vector.broadcast %min3A_616 : f32 to vector<16xf32>
      %min3A_618 = arith.minimumf %mul3A_615, %min3A_617 : vector<16xf32>
      %convert_element_type3A_619 = arith.fptosi %min3A_618 : vector<16xf32> to vector<16xi32>
      %add3A_620 = arith.addi %convert_element_type3A_619, %mul3A_35 : vector<16xi32>
      %shift_left3A_621 = arith.constant 16 : i32
      %shift_left3A_622 = vector.broadcast %shift_left3A_621 : i32 to vector<16xi32>
      %shift_left3A_623 = arith.shli %get3A_488, %shift_left3A_622 : vector<16xi32>
      %add3A_624 = arith.constant 1 : i32
      %add3A_625 = vector.broadcast %add3A_624 : i32 to vector<16xi32>
      %add3A_626 = arith.addi %add3A_625, %shift_left3A_623 : vector<16xi32>
      %convert_element_type3A_627 = arith.sitofp %get3A_495 : vector<16xi32> to vector<16xf32>
      %sub3A_628 = arith.subf %convert_element_type3A_627, %get3A_383 : vector<16xf32>
      %abs3A_629 = math.absf %sub3A_628 : vector<16xf32>
      %mul3A_630 = arith.constant 1.024000e+03 : f32
      %mul3A_631 = vector.broadcast %mul3A_630 : f32 to vector<16xf32>
      %mul3A_632 = arith.mulf %abs3A_629, %mul3A_631 : vector<16xf32>
      %min3A_633 = arith.constant 1.023000e+03 : f32
      %min3A_634 = vector.broadcast %min3A_633 : f32 to vector<16xf32>
      %min3A_635 = arith.minimumf %mul3A_632, %min3A_634 : vector<16xf32>
      %convert_element_type3A_636 = arith.fptosi %min3A_635 : vector<16xf32> to vector<16xi32>
      %add3A_637 = arith.addi %convert_element_type3A_636, %mul3A_35 : vector<16xi32>
      %shift_left3A_638 = arith.constant 16 : i32
      %shift_left3A_639 = vector.broadcast %shift_left3A_638 : i32 to vector<16xi32>
      %shift_left3A_640 = arith.shli %get3A_495, %shift_left3A_639 : vector<16xi32>
      %add3A_641 = arith.constant 1 : i32
      %add3A_642 = vector.broadcast %add3A_641 : i32 to vector<16xi32>
      %add3A_643 = arith.addi %add3A_642, %shift_left3A_640 : vector<16xi32>
      %convert_element_type3A_644 = arith.sitofp %get3A_502 : vector<16xi32> to vector<16xf32>
      %sub3A_645 = arith.subf %convert_element_type3A_644, %get3A_390 : vector<16xf32>
      %abs3A_646 = math.absf %sub3A_645 : vector<16xf32>
      %mul3A_647 = arith.constant 1.024000e+03 : f32
      %mul3A_648 = vector.broadcast %mul3A_647 : f32 to vector<16xf32>
      %mul3A_649 = arith.mulf %abs3A_646, %mul3A_648 : vector<16xf32>
      %min3A_650 = arith.constant 1.023000e+03 : f32
      %min3A_651 = vector.broadcast %min3A_650 : f32 to vector<16xf32>
      %min3A_652 = arith.minimumf %mul3A_649, %min3A_651 : vector<16xf32>
      %convert_element_type3A_653 = arith.fptosi %min3A_652 : vector<16xf32> to vector<16xi32>
      %add3A_654 = arith.addi %convert_element_type3A_653, %mul3A_35 : vector<16xi32>
      %shift_left3A_655 = arith.constant 16 : i32
      %shift_left3A_656 = vector.broadcast %shift_left3A_655 : i32 to vector<16xi32>
      %shift_left3A_657 = arith.shli %get3A_502, %shift_left3A_656 : vector<16xi32>
      %add3A_658 = arith.constant 1 : i32
      %add3A_659 = vector.broadcast %add3A_658 : i32 to vector<16xi32>
      %add3A_660 = arith.addi %add3A_659, %shift_left3A_657 : vector<16xi32>
      %convert_element_type3A_661 = arith.sitofp %get3A_509 : vector<16xi32> to vector<16xf32>
      %sub3A_662 = arith.subf %convert_element_type3A_661, %get3A_397 : vector<16xf32>
      %abs3A_663 = math.absf %sub3A_662 : vector<16xf32>
      %mul3A_664 = arith.constant 1.024000e+03 : f32
      %mul3A_665 = vector.broadcast %mul3A_664 : f32 to vector<16xf32>
      %mul3A_666 = arith.mulf %abs3A_663, %mul3A_665 : vector<16xf32>
      %min3A_667 = arith.constant 1.023000e+03 : f32
      %min3A_668 = vector.broadcast %min3A_667 : f32 to vector<16xf32>
      %min3A_669 = arith.minimumf %mul3A_666, %min3A_668 : vector<16xf32>
      %convert_element_type3A_670 = arith.fptosi %min3A_669 : vector<16xf32> to vector<16xi32>
      %add3A_671 = arith.addi %convert_element_type3A_670, %mul3A_35 : vector<16xi32>
      %shift_left3A_672 = arith.constant 16 : i32
      %shift_left3A_673 = vector.broadcast %shift_left3A_672 : i32 to vector<16xi32>
      %shift_left3A_674 = arith.shli %get3A_509, %shift_left3A_673 : vector<16xi32>
      %add3A_675 = arith.constant 1 : i32
      %add3A_676 = vector.broadcast %add3A_675 : i32 to vector<16xi32>
      %add3A_677 = arith.addi %add3A_676, %shift_left3A_674 : vector<16xi32>
      %convert_element_type3A_678 = arith.sitofp %get3A_516 : vector<16xi32> to vector<16xf32>
      %sub3A_679 = arith.subf %convert_element_type3A_678, %get3A_404 : vector<16xf32>
      %abs3A_680 = math.absf %sub3A_679 : vector<16xf32>
      %mul3A_681 = arith.constant 1.024000e+03 : f32
      %mul3A_682 = vector.broadcast %mul3A_681 : f32 to vector<16xf32>
      %mul3A_683 = arith.mulf %abs3A_680, %mul3A_682 : vector<16xf32>
      %min3A_684 = arith.constant 1.023000e+03 : f32
      %min3A_685 = vector.broadcast %min3A_684 : f32 to vector<16xf32>
      %min3A_686 = arith.minimumf %mul3A_683, %min3A_685 : vector<16xf32>
      %convert_element_type3A_687 = arith.fptosi %min3A_686 : vector<16xf32> to vector<16xi32>
      %add3A_688 = arith.addi %convert_element_type3A_687, %mul3A_35 : vector<16xi32>
      %shift_left3A_689 = arith.constant 16 : i32
      %shift_left3A_690 = vector.broadcast %shift_left3A_689 : i32 to vector<16xi32>
      %shift_left3A_691 = arith.shli %get3A_516, %shift_left3A_690 : vector<16xi32>
      %add3A_692 = arith.constant 1 : i32
      %add3A_693 = vector.broadcast %add3A_692 : i32 to vector<16xi32>
      %add3A_694 = arith.addi %add3A_693, %shift_left3A_691 : vector<16xi32>
      %convert_element_type3A_695 = arith.sitofp %get3A_523 : vector<16xi32> to vector<16xf32>
      %sub3A_696 = arith.subf %convert_element_type3A_695, %get3A_411 : vector<16xf32>
      %abs3A_697 = math.absf %sub3A_696 : vector<16xf32>
      %mul3A_698 = arith.constant 1.024000e+03 : f32
      %mul3A_699 = vector.broadcast %mul3A_698 : f32 to vector<16xf32>
      %mul3A_700 = arith.mulf %abs3A_697, %mul3A_699 : vector<16xf32>
      %min3A_701 = arith.constant 1.023000e+03 : f32
      %min3A_702 = vector.broadcast %min3A_701 : f32 to vector<16xf32>
      %min3A_703 = arith.minimumf %mul3A_700, %min3A_702 : vector<16xf32>
      %convert_element_type3A_704 = arith.fptosi %min3A_703 : vector<16xf32> to vector<16xi32>
      %add3A_705 = arith.addi %convert_element_type3A_704, %mul3A_35 : vector<16xi32>
      %shift_left3A_706 = arith.constant 16 : i32
      %shift_left3A_707 = vector.broadcast %shift_left3A_706 : i32 to vector<16xi32>
      %shift_left3A_708 = arith.shli %get3A_523, %shift_left3A_707 : vector<16xi32>
      %add3A_709 = arith.constant 1 : i32
      %add3A_710 = vector.broadcast %add3A_709 : i32 to vector<16xi32>
      %add3A_711 = arith.addi %add3A_710, %shift_left3A_708 : vector<16xi32>
      %convert_element_type3A_712 = arith.sitofp %get3A_530 : vector<16xi32> to vector<16xf32>
      %sub3A_713 = arith.subf %convert_element_type3A_712, %get3A_418 : vector<16xf32>
      %abs3A_714 = math.absf %sub3A_713 : vector<16xf32>
      %mul3A_715 = arith.constant 1.024000e+03 : f32
      %mul3A_716 = vector.broadcast %mul3A_715 : f32 to vector<16xf32>
      %mul3A_717 = arith.mulf %abs3A_714, %mul3A_716 : vector<16xf32>
      %min3A_718 = arith.constant 1.023000e+03 : f32
      %min3A_719 = vector.broadcast %min3A_718 : f32 to vector<16xf32>
      %min3A_720 = arith.minimumf %mul3A_717, %min3A_719 : vector<16xf32>
      %convert_element_type3A_721 = arith.fptosi %min3A_720 : vector<16xf32> to vector<16xi32>
      %add3A_722 = arith.addi %convert_element_type3A_721, %mul3A_35 : vector<16xi32>
      %shift_left3A_723 = arith.constant 16 : i32
      %shift_left3A_724 = vector.broadcast %shift_left3A_723 : i32 to vector<16xi32>
      %shift_left3A_725 = arith.shli %get3A_530, %shift_left3A_724 : vector<16xi32>
      %add3A_726 = arith.constant 1 : i32
      %add3A_727 = vector.broadcast %add3A_726 : i32 to vector<16xi32>
      %add3A_728 = arith.addi %add3A_727, %shift_left3A_725 : vector<16xi32>
      %convert_element_type3A_729 = arith.sitofp %get3A_537 : vector<16xi32> to vector<16xf32>
      %sub3A_730 = arith.subf %convert_element_type3A_729, %get3A_425 : vector<16xf32>
      %abs3A_731 = math.absf %sub3A_730 : vector<16xf32>
      %mul3A_732 = arith.constant 1.024000e+03 : f32
      %mul3A_733 = vector.broadcast %mul3A_732 : f32 to vector<16xf32>
      %mul3A_734 = arith.mulf %abs3A_731, %mul3A_733 : vector<16xf32>
      %min3A_735 = arith.constant 1.023000e+03 : f32
      %min3A_736 = vector.broadcast %min3A_735 : f32 to vector<16xf32>
      %min3A_737 = arith.minimumf %mul3A_734, %min3A_736 : vector<16xf32>
      %convert_element_type3A_738 = arith.fptosi %min3A_737 : vector<16xf32> to vector<16xi32>
      %add3A_739 = arith.addi %convert_element_type3A_738, %mul3A_35 : vector<16xi32>
      %shift_left3A_740 = arith.constant 16 : i32
      %shift_left3A_741 = vector.broadcast %shift_left3A_740 : i32 to vector<16xi32>
      %shift_left3A_742 = arith.shli %get3A_537, %shift_left3A_741 : vector<16xi32>
      %add3A_743 = arith.constant 1 : i32
      %add3A_744 = vector.broadcast %add3A_743 : i32 to vector<16xi32>
      %add3A_745 = arith.addi %add3A_744, %shift_left3A_742 : vector<16xi32>
      %convert_element_type3A_746 = arith.sitofp %get3A_544 : vector<16xi32> to vector<16xf32>
      %sub3A_747 = arith.subf %convert_element_type3A_746, %get3A_432 : vector<16xf32>
      %abs3A_748 = math.absf %sub3A_747 : vector<16xf32>
      %mul3A_749 = arith.constant 1.024000e+03 : f32
      %mul3A_750 = vector.broadcast %mul3A_749 : f32 to vector<16xf32>
      %mul3A_751 = arith.mulf %abs3A_748, %mul3A_750 : vector<16xf32>
      %min3A_752 = arith.constant 1.023000e+03 : f32
      %min3A_753 = vector.broadcast %min3A_752 : f32 to vector<16xf32>
      %min3A_754 = arith.minimumf %mul3A_751, %min3A_753 : vector<16xf32>
      %convert_element_type3A_755 = arith.fptosi %min3A_754 : vector<16xf32> to vector<16xi32>
      %add3A_756 = arith.addi %convert_element_type3A_755, %mul3A_35 : vector<16xi32>
      %shift_left3A_757 = arith.constant 16 : i32
      %shift_left3A_758 = vector.broadcast %shift_left3A_757 : i32 to vector<16xi32>
      %shift_left3A_759 = arith.shli %get3A_544, %shift_left3A_758 : vector<16xi32>
      %add3A_760 = arith.constant 1 : i32
      %add3A_761 = vector.broadcast %add3A_760 : i32 to vector<16xi32>
      %add3A_762 = arith.addi %add3A_761, %shift_left3A_759 : vector<16xi32>
      %convert_element_type3A_763 = arith.sitofp %get3A_551 : vector<16xi32> to vector<16xf32>
      %sub3A_764 = arith.subf %convert_element_type3A_763, %get3A_439 : vector<16xf32>
      %abs3A_765 = math.absf %sub3A_764 : vector<16xf32>
      %mul3A_766 = arith.constant 1.024000e+03 : f32
      %mul3A_767 = vector.broadcast %mul3A_766 : f32 to vector<16xf32>
      %mul3A_768 = arith.mulf %abs3A_765, %mul3A_767 : vector<16xf32>
      %min3A_769 = arith.constant 1.023000e+03 : f32
      %min3A_770 = vector.broadcast %min3A_769 : f32 to vector<16xf32>
      %min3A_771 = arith.minimumf %mul3A_768, %min3A_770 : vector<16xf32>
      %convert_element_type3A_772 = arith.fptosi %min3A_771 : vector<16xf32> to vector<16xi32>
      %add3A_773 = arith.addi %convert_element_type3A_772, %mul3A_35 : vector<16xi32>
      %shift_left3A_774 = arith.constant 16 : i32
      %shift_left3A_775 = vector.broadcast %shift_left3A_774 : i32 to vector<16xi32>
      %shift_left3A_776 = arith.shli %get3A_551, %shift_left3A_775 : vector<16xi32>
      %add3A_777 = arith.constant 1 : i32
      %add3A_778 = vector.broadcast %add3A_777 : i32 to vector<16xi32>
      %add3A_779 = arith.addi %add3A_778, %shift_left3A_776 : vector<16xi32>
      %convert_element_type3A_780 = arith.sitofp %get3A_558 : vector<16xi32> to vector<16xf32>
      %sub3A_781 = arith.subf %convert_element_type3A_780, %get3A_446 : vector<16xf32>
      %abs3A_782 = math.absf %sub3A_781 : vector<16xf32>
      %mul3A_783 = arith.constant 1.024000e+03 : f32
      %mul3A_784 = vector.broadcast %mul3A_783 : f32 to vector<16xf32>
      %mul3A_785 = arith.mulf %abs3A_782, %mul3A_784 : vector<16xf32>
      %min3A_786 = arith.constant 1.023000e+03 : f32
      %min3A_787 = vector.broadcast %min3A_786 : f32 to vector<16xf32>
      %min3A_788 = arith.minimumf %mul3A_785, %min3A_787 : vector<16xf32>
      %convert_element_type3A_789 = arith.fptosi %min3A_788 : vector<16xf32> to vector<16xi32>
      %add3A_790 = arith.addi %convert_element_type3A_789, %mul3A_35 : vector<16xi32>
      %shift_left3A_791 = arith.constant 16 : i32
      %shift_left3A_792 = vector.broadcast %shift_left3A_791 : i32 to vector<16xi32>
      %shift_left3A_793 = arith.shli %get3A_558, %shift_left3A_792 : vector<16xi32>
      %add3A_794 = arith.constant 1 : i32
      %add3A_795 = vector.broadcast %add3A_794 : i32 to vector<16xi32>
      %add3A_796 = arith.addi %add3A_795, %shift_left3A_793 : vector<16xi32>
      %convert_element_type3A_797 = arith.sitofp %get3A_565 : vector<16xi32> to vector<16xf32>
      %sub3A_798 = arith.subf %convert_element_type3A_797, %get3A_453 : vector<16xf32>
      %abs3A_799 = math.absf %sub3A_798 : vector<16xf32>
      %mul3A_800 = arith.constant 1.024000e+03 : f32
      %mul3A_801 = vector.broadcast %mul3A_800 : f32 to vector<16xf32>
      %mul3A_802 = arith.mulf %abs3A_799, %mul3A_801 : vector<16xf32>
      %min3A_803 = arith.constant 1.023000e+03 : f32
      %min3A_804 = vector.broadcast %min3A_803 : f32 to vector<16xf32>
      %min3A_805 = arith.minimumf %mul3A_802, %min3A_804 : vector<16xf32>
      %convert_element_type3A_806 = arith.fptosi %min3A_805 : vector<16xf32> to vector<16xi32>
      %add3A_807 = arith.addi %convert_element_type3A_806, %mul3A_35 : vector<16xi32>
      %shift_left3A_808 = arith.constant 16 : i32
      %shift_left3A_809 = vector.broadcast %shift_left3A_808 : i32 to vector<16xi32>
      %shift_left3A_810 = arith.shli %get3A_565, %shift_left3A_809 : vector<16xi32>
      %add3A_811 = arith.constant 1 : i32
      %add3A_812 = vector.broadcast %add3A_811 : i32 to vector<16xi32>
      %add3A_813 = arith.addi %add3A_812, %shift_left3A_810 : vector<16xi32>
      %convert_element_type3A_814 = arith.sitofp %get3A_572 : vector<16xi32> to vector<16xf32>
      %sub3A_815 = arith.subf %convert_element_type3A_814, %get3A_460 : vector<16xf32>
      %abs3A_816 = math.absf %sub3A_815 : vector<16xf32>
      %mul3A_817 = arith.constant 1.024000e+03 : f32
      %mul3A_818 = vector.broadcast %mul3A_817 : f32 to vector<16xf32>
      %mul3A_819 = arith.mulf %abs3A_816, %mul3A_818 : vector<16xf32>
      %min3A_820 = arith.constant 1.023000e+03 : f32
      %min3A_821 = vector.broadcast %min3A_820 : f32 to vector<16xf32>
      %min3A_822 = arith.minimumf %mul3A_819, %min3A_821 : vector<16xf32>
      %convert_element_type3A_823 = arith.fptosi %min3A_822 : vector<16xf32> to vector<16xi32>
      %add3A_824 = arith.addi %convert_element_type3A_823, %mul3A_35 : vector<16xi32>
      %shift_left3A_825 = arith.constant 16 : i32
      %shift_left3A_826 = vector.broadcast %shift_left3A_825 : i32 to vector<16xi32>
      %shift_left3A_827 = arith.shli %get3A_572, %shift_left3A_826 : vector<16xi32>
      %add3A_828 = arith.constant 1 : i32
      %add3A_829 = vector.broadcast %add3A_828 : i32 to vector<16xi32>
      %add3A_830 = arith.addi %add3A_829, %shift_left3A_827 : vector<16xi32>
      %convert_element_type3A_831 = arith.sitofp %get3A_579 : vector<16xi32> to vector<16xf32>
      %sub3A_832 = arith.subf %convert_element_type3A_831, %get3A_467 : vector<16xf32>
      %abs3A_833 = math.absf %sub3A_832 : vector<16xf32>
      %mul3A_834 = arith.constant 1.024000e+03 : f32
      %mul3A_835 = vector.broadcast %mul3A_834 : f32 to vector<16xf32>
      %mul3A_836 = arith.mulf %abs3A_833, %mul3A_835 : vector<16xf32>
      %min3A_837 = arith.constant 1.023000e+03 : f32
      %min3A_838 = vector.broadcast %min3A_837 : f32 to vector<16xf32>
      %min3A_839 = arith.minimumf %mul3A_836, %min3A_838 : vector<16xf32>
      %convert_element_type3A_840 = arith.fptosi %min3A_839 : vector<16xf32> to vector<16xi32>
      %add3A_841 = arith.addi %convert_element_type3A_840, %mul3A_35 : vector<16xi32>
      %shift_left3A_842 = arith.constant 16 : i32
      %shift_left3A_843 = vector.broadcast %shift_left3A_842 : i32 to vector<16xi32>
      %shift_left3A_844 = arith.shli %get3A_579, %shift_left3A_843 : vector<16xi32>
      %add3A_845 = arith.constant 1 : i32
      %add3A_846 = vector.broadcast %add3A_845 : i32 to vector<16xi32>
      %add3A_847 = arith.addi %add3A_846, %shift_left3A_844 : vector<16xi32>
      tpu.vector_store_idx %arg7[%add3A_587], %add3A_592 {add = true} : memref<16384xi32, #tpu.memory_space<vmem>>[vector<16xi32>], vector<16xi32>,
      tpu.vector_store_idx %arg7[%add3A_603], %add3A_609 {add = true} : memref<16384xi32, #tpu.memory_space<vmem>>[vector<16xi32>], vector<16xi32>,
      tpu.vector_store_idx %arg7[%add3A_620], %add3A_626 {add = true} : memref<16384xi32, #tpu.memory_space<vmem>>[vector<16xi32>], vector<16xi32>,
      tpu.vector_store_idx %arg7[%add3A_637], %add3A_643 {add = true} : memref<16384xi32, #tpu.memory_space<vmem>>[vector<16xi32>], vector<16xi32>,
      tpu.vector_store_idx %arg7[%add3A_654], %add3A_660 {add = true} : memref<16384xi32, #tpu.memory_space<vmem>>[vector<16xi32>], vector<16xi32>,
      tpu.vector_store_idx %arg7[%add3A_671], %add3A_677 {add = true} : memref<16384xi32, #tpu.memory_space<vmem>>[vector<16xi32>], vector<16xi32>,
      tpu.vector_store_idx %arg7[%add3A_688], %add3A_694 {add = true} : memref<16384xi32, #tpu.memory_space<vmem>>[vector<16xi32>], vector<16xi32>,
      tpu.vector_store_idx %arg7[%add3A_705], %add3A_711 {add = true} : memref<16384xi32, #tpu.memory_space<vmem>>[vector<16xi32>], vector<16xi32>,
      tpu.vector_store_idx %arg7[%add3A_722], %add3A_728 {add = true} : memref<16384xi32, #tpu.memory_space<vmem>>[vector<16xi32>], vector<16xi32>,
      tpu.vector_store_idx %arg7[%add3A_739], %add3A_745 {add = true} : memref<16384xi32, #tpu.memory_space<vmem>>[vector<16xi32>], vector<16xi32>,
      tpu.vector_store_idx %arg7[%add3A_756], %add3A_762 {add = true} : memref<16384xi32, #tpu.memory_space<vmem>>[vector<16xi32>], vector<16xi32>,
      tpu.vector_store_idx %arg7[%add3A_773], %add3A_779 {add = true} : memref<16384xi32, #tpu.memory_space<vmem>>[vector<16xi32>], vector<16xi32>,
      tpu.vector_store_idx %arg7[%add3A_790], %add3A_796 {add = true} : memref<16384xi32, #tpu.memory_space<vmem>>[vector<16xi32>], vector<16xi32>,
      tpu.vector_store_idx %arg7[%add3A_807], %add3A_813 {add = true} : memref<16384xi32, #tpu.memory_space<vmem>>[vector<16xi32>], vector<16xi32>,
      tpu.vector_store_idx %arg7[%add3A_824], %add3A_830 {add = true} : memref<16384xi32, #tpu.memory_space<vmem>>[vector<16xi32>], vector<16xi32>,
      tpu.vector_store_idx %arg7[%add3A_841], %add3A_847 {add = true} : memref<16384xi32, #tpu.memory_space<vmem>>[vector<16xi32>], vector<16xi32>,
    }
    %scan3A_311 = arith.constant 64 : i32
    %mul3A_312 = arith.constant 16384 : i32
    %mul3A_313 = arith.muli %add3A, %mul3A_312 : i32
    "tpu.region"() ({
      %run_scoped3A = tpu.sem_alloc : memref<!tpu.dma_semaphore, #tpu.memory_space<semaphore_mem>>
      %dma_start3A_314 = tpu.memref_slice %arg4[%mul3A_313] : memref<524288xi32, #tpu.memory_space<hbm>> -> memref<16384xi32, #tpu.memory_space<hbm>>
      %dma_start3A_315 = tpu.memref_slice %arg4[%mul3A_313] : memref<524288xi32, #tpu.memory_space<hbm>> -> memref<16384xi32, #tpu.memory_space<hbm>>
      tpu.enqueue_dma source(%arg7 : memref<16384xi32, #tpu.memory_space<vmem>>) target(%dma_start3A_315 : memref<16384xi32, #tpu.memory_space<hbm>>) target_semaphore(%run_scoped3A : memref<!tpu.dma_semaphore, #tpu.memory_space<semaphore_mem>>)
      %dma_wait3A_316 = tpu.memref_slice %arg4[%mul3A_313] : memref<524288xi32, #tpu.memory_space<hbm>> -> memref<16384xi32, #tpu.memory_space<hbm>>
      %dma_wait3A_317 = tpu.memref_slice %arg4[%mul3A_313] : memref<524288xi32, #tpu.memory_space<hbm>> -> memref<16384xi32, #tpu.memory_space<hbm>>
      tpu.wait_dma2 semaphore(%run_scoped3A : memref<!tpu.dma_semaphore, #tpu.memory_space<semaphore_mem>>) src(%arg7 : memref<16384xi32, #tpu.memory_space<vmem>>) dst(%dma_wait3A_317 : memref<16384xi32, #tpu.memory_space<hbm>>)
      tpu.yield
    }) : () -> ()
    return
  }
}

module attributes {stable_mosaic.version = 14 : i64} {
  func.func @_tc_finish_body(%arg0: memref<8x64x8x128xi32, #tpu.memory_space<vmem>>, %arg1: memref<1x1xf32, #tpu.memory_space<vmem>>) attributes {dimension_semantics = [], scalar_prefetch = 0 : i64, scratch_operands = 0 : i64, tpu.core_type = #tpu.core_type<tc>} {
    %get3A = arith.constant 0 : index
    %get3A_0 = arith.constant 0 : index
    %get3A_1 = arith.constant 0 : index
    %get3A_2 = arith.constant 0 : index
    %get3A_3 = vector.load %arg0[%get3A, %get3A_0, %get3A_1, %get3A_2] : memref<8x64x8x128xi32, #tpu.memory_space<vmem>>, vector<8x64x8x128xi32>
    %shift_right_arithmetic3A = arith.constant 16 : i32
    %shift_right_arithmetic3A_4 = vector.broadcast %shift_right_arithmetic3A : i32 to vector<8x64x8x128xi32>
    %shift_right_arithmetic3A_5 = arith.shrsi %get3A_3, %shift_right_arithmetic3A_4 : vector<8x64x8x128xi32>
    %reduce_sum3A = arith.constant dense<0> : vector<8x8x128xi32>
    %reduce_sum3A_6 = vector.multi_reduction <add>, %shift_right_arithmetic3A_5, %reduce_sum3A [1] : vector<8x64x8x128xi32> to vector<8x8x128xi32>
    %convert_element_type3A = arith.sitofp %reduce_sum3A_6 : vector<8x8x128xi32> to vector<8x8x128xf32>
    %reshape3A = vector.shape_cast %convert_element_type3A : vector<8x8x128xf32> to vector<64x128xf32>
    %and3A = arith.constant 65535 : i32
    %and3A_7 = vector.broadcast %and3A : i32 to vector<8x64x8x128xi32>
    %and3A_8 = arith.andi %get3A_3, %and3A_7 : vector<8x64x8x128xi32>
    %reduce_sum3A_9 = arith.constant dense<0> : vector<8x8x128xi32>
    %reduce_sum3A_10 = vector.multi_reduction <add>, %and3A_8, %reduce_sum3A_9 [1] : vector<8x64x8x128xi32> to vector<8x8x128xi32>
    %convert_element_type3A_11 = arith.sitofp %reduce_sum3A_10 : vector<8x8x128xi32> to vector<8x8x128xf32>
    %reshape3A_12 = vector.shape_cast %convert_element_type3A_11 : vector<8x8x128xf32> to vector<64x128xf32>
    %iota3A = tpu.iota {dimensions = array<i32: 0>} : vector<128x128xi32>
    %iota3A_13 = tpu.iota {dimensions = array<i32: 1>} : vector<128x128xi32>
    %ge3A = arith.cmpi sge, %iota3A, %iota3A_13 : vector<128x128xi32>
    %jit3A = arith.constant 1.000000e+00 : f32
    %jit3A_14 = arith.constant 0.000000e+00 : f32
    %broadcast_in_dim3A = vector.broadcast %jit3A : f32 to vector<128x128xf32>
    %broadcast_in_dim3A_15 = vector.broadcast %jit3A_14 : f32 to vector<128x128xf32>
    %select_n3A = arith.select %ge3A, %broadcast_in_dim3A, %broadcast_in_dim3A_15 : vector<128x128xi1>, vector<128x128xf32>
    %iota3A_16 = tpu.iota {dimensions = array<i32: 0>} : vector<64x64xi32>
    %iota3A_17 = tpu.iota {dimensions = array<i32: 1>} : vector<64x64xi32>
    %jit3A_18 = arith.constant 8 : i32
    %div3A = vector.broadcast %jit3A_18 : i32 to vector<64x64xi32>
    %div3A_19 = arith.divsi %iota3A_16, %div3A : vector<64x64xi32>
    %sign3A = arith.constant 0 : i32
    %sign3A_20 = vector.broadcast %sign3A : i32 to vector<64x64xi32>
    %sign3A_21 = arith.cmpi sgt, %iota3A_16, %sign3A_20 : vector<64x64xi32>
    %sign3A_22 = arith.extui %sign3A_21 : vector<64x64xi1> to vector<64x64xi32>
    %sign3A_23 = arith.constant 0 : i32
    %sign3A_24 = vector.broadcast %sign3A_23 : i32 to vector<64x64xi32>
    %sign3A_25 = arith.cmpi slt, %iota3A_16, %sign3A_24 : vector<64x64xi32>
    %sign3A_26 = arith.extui %sign3A_25 : vector<64x64xi1> to vector<64x64xi32>
    %sign3A_27 = arith.subi %sign3A_22, %sign3A_26 : vector<64x64xi32>
    %sign3A_28 = arith.constant 0 : i32
    %sign3A_29 = arith.cmpi sgt, %jit3A_18, %sign3A_28 : i32
    %sign3A_30 = arith.extui %sign3A_29 : i1 to i32
    %sign3A_31 = arith.constant 0 : i32
    %sign3A_32 = arith.cmpi slt, %jit3A_18, %sign3A_31 : i32
    %sign3A_33 = arith.extui %sign3A_32 : i1 to i32
    %sign3A_34 = arith.subi %sign3A_30, %sign3A_33 : i32
    %ne3A = vector.broadcast %sign3A_34 : i32 to vector<64x64xi32>
    %ne3A_35 = arith.cmpi ne, %sign3A_27, %ne3A : vector<64x64xi32>
    %rem3A = vector.broadcast %jit3A_18 : i32 to vector<64x64xi32>
    %rem3A_36 = arith.remsi %iota3A_16, %rem3A : vector<64x64xi32>
    %ne3A_37 = arith.constant 0 : i32
    %ne3A_38 = vector.broadcast %ne3A_37 : i32 to vector<64x64xi32>
    %ne3A_39 = arith.cmpi ne, %rem3A_36, %ne3A_38 : vector<64x64xi32>
    %and3A_40 = arith.andi %ne3A_35, %ne3A_39 : vector<64x64xi1>
    %sub3A = arith.constant 1 : i32
    %sub3A_41 = vector.broadcast %sub3A : i32 to vector<64x64xi32>
    %sub3A_42 = arith.subi %div3A_19, %sub3A_41 : vector<64x64xi32>
    %select_n3A_43 = arith.select %and3A_40, %sub3A_42, %div3A_19 : vector<64x64xi1>, vector<64x64xi32>
    %jit3A_44 = arith.constant 8 : i32
    %div3A_45 = vector.broadcast %jit3A_44 : i32 to vector<64x64xi32>
    %div3A_46 = arith.divsi %iota3A_17, %div3A_45 : vector<64x64xi32>
    %sign3A_47 = arith.constant 0 : i32
    %sign3A_48 = vector.broadcast %sign3A_47 : i32 to vector<64x64xi32>
    %sign3A_49 = arith.cmpi sgt, %iota3A_17, %sign3A_48 : vector<64x64xi32>
    %sign3A_50 = arith.extui %sign3A_49 : vector<64x64xi1> to vector<64x64xi32>
    %sign3A_51 = arith.constant 0 : i32
    %sign3A_52 = vector.broadcast %sign3A_51 : i32 to vector<64x64xi32>
    %sign3A_53 = arith.cmpi slt, %iota3A_17, %sign3A_52 : vector<64x64xi32>
    %sign3A_54 = arith.extui %sign3A_53 : vector<64x64xi1> to vector<64x64xi32>
    %sign3A_55 = arith.subi %sign3A_50, %sign3A_54 : vector<64x64xi32>
    %sign3A_56 = arith.constant 0 : i32
    %sign3A_57 = arith.cmpi sgt, %jit3A_44, %sign3A_56 : i32
    %sign3A_58 = arith.extui %sign3A_57 : i1 to i32
    %sign3A_59 = arith.constant 0 : i32
    %sign3A_60 = arith.cmpi slt, %jit3A_44, %sign3A_59 : i32
    %sign3A_61 = arith.extui %sign3A_60 : i1 to i32
    %sign3A_62 = arith.subi %sign3A_58, %sign3A_61 : i32
    %ne3A_63 = vector.broadcast %sign3A_62 : i32 to vector<64x64xi32>
    %ne3A_64 = arith.cmpi ne, %sign3A_55, %ne3A_63 : vector<64x64xi32>
    %rem3A_65 = vector.broadcast %jit3A_44 : i32 to vector<64x64xi32>
    %rem3A_66 = arith.remsi %iota3A_17, %rem3A_65 : vector<64x64xi32>
    %ne3A_67 = arith.constant 0 : i32
    %ne3A_68 = vector.broadcast %ne3A_67 : i32 to vector<64x64xi32>
    %ne3A_69 = arith.cmpi ne, %rem3A_66, %ne3A_68 : vector<64x64xi32>
    %and3A_70 = arith.andi %ne3A_64, %ne3A_69 : vector<64x64xi1>
    %sub3A_71 = arith.constant 1 : i32
    %sub3A_72 = vector.broadcast %sub3A_71 : i32 to vector<64x64xi32>
    %sub3A_73 = arith.subi %div3A_46, %sub3A_72 : vector<64x64xi32>
    %select_n3A_74 = arith.select %and3A_70, %sub3A_73, %div3A_46 : vector<64x64xi1>, vector<64x64xi32>
    %eq3A = arith.cmpi eq, %select_n3A_43, %select_n3A_74 : vector<64x64xi32>
    %gt3A = arith.cmpi sgt, %iota3A_17, %iota3A_16 : vector<64x64xi32>
    %and3A_75 = arith.andi %eq3A, %gt3A : vector<64x64xi1>
    %jit3A_76 = arith.constant 1.000000e+00 : f32
    %jit3A_77 = arith.constant 0.000000e+00 : f32
    %broadcast_in_dim3A_78 = vector.broadcast %jit3A_76 : f32 to vector<64x64xf32>
    %broadcast_in_dim3A_79 = vector.broadcast %jit3A_77 : f32 to vector<64x64xf32>
    %select_n3A_80 = arith.select %and3A_75, %broadcast_in_dim3A_78, %broadcast_in_dim3A_79 : vector<64x64xi1>, vector<64x64xf32>
    %jit3A_81 = arith.constant 1.000000e+00 : f32
    %jit3A_82 = arith.constant 0.000000e+00 : f32
    %broadcast_in_dim3A_83 = vector.broadcast %jit3A_81 : f32 to vector<64x64xf32>
    %broadcast_in_dim3A_84 = vector.broadcast %jit3A_82 : f32 to vector<64x64xf32>
    %select_n3A_85 = arith.select %eq3A, %broadcast_in_dim3A_83, %broadcast_in_dim3A_84 : vector<64x64xi1>, vector<64x64xf32>
    %reduce_sum3A_86 = arith.constant dense<0.000000e+00> : vector<64xf32>
    %reduce_sum3A_87 = vector.multi_reduction <add>, %reshape3A_12, %reduce_sum3A_86 [1] : vector<64x128xf32> to vector<64xf32>
    %broadcast_in_dim3A_88 = vector.shape_cast %reduce_sum3A_87 : vector<64xf32> to vector<64x1xf32>
    %dot_general3A = arith.constant dense<0.000000e+00> : vector<64x128xf32>
    %dot_general3A_89 = tpu.matmul %reshape3A_12, %select_n3A, %dot_general3A {dimension_numbers = #tpu.dot_dimension_numbers<[1], [0], [0], [1], [0, 0, 1, 1], [], []>, precision = #tpu.contract_precision<fp32>, transpose_lhs_hint = false} : vector<64x128xf32>, vector<128x128xf32>, vector<64x128xf32> -> vector<64x128xf32>
    %dot_general3A_90 = arith.constant dense<0.000000e+00> : vector<64x1xf32>
    %dot_general3A_91 = tpu.matmul %select_n3A_80, %broadcast_in_dim3A_88, %dot_general3A_90 {dimension_numbers = #tpu.dot_dimension_numbers<[1], [0], [0], [1], [0, 0, 1, 1], [], []>, precision = #tpu.contract_precision<fp32>, transpose_lhs_hint = false} : vector<64x64xf32>, vector<64x1xf32>, vector<64x1xf32> -> vector<64x1xf32>
    %add3A = vector.broadcast %dot_general3A_91 : vector<64x1xf32> to vector<64x128xf32>
    %add3A_92 = arith.addf %dot_general3A_89, %add3A : vector<64x128xf32>
    %reduce_sum3A_93 = arith.constant dense<0.000000e+00> : vector<64xf32>
    %reduce_sum3A_94 = vector.multi_reduction <add>, %reshape3A, %reduce_sum3A_93 [1] : vector<64x128xf32> to vector<64xf32>
    %broadcast_in_dim3A_95 = vector.shape_cast %reduce_sum3A_94 : vector<64xf32> to vector<64x1xf32>
    %dot_general3A_96 = arith.constant dense<0.000000e+00> : vector<64x128xf32>
    %dot_general3A_97 = tpu.matmul %reshape3A, %select_n3A, %dot_general3A_96 {dimension_numbers = #tpu.dot_dimension_numbers<[1], [0], [0], [1], [0, 0, 1, 1], [], []>, precision = #tpu.contract_precision<fp32>, transpose_lhs_hint = false} : vector<64x128xf32>, vector<128x128xf32>, vector<64x128xf32> -> vector<64x128xf32>
    %dot_general3A_98 = arith.constant dense<0.000000e+00> : vector<64x1xf32>
    %dot_general3A_99 = tpu.matmul %select_n3A_80, %broadcast_in_dim3A_95, %dot_general3A_98 {dimension_numbers = #tpu.dot_dimension_numbers<[1], [0], [0], [1], [0, 0, 1, 1], [], []>, precision = #tpu.contract_precision<fp32>, transpose_lhs_hint = false} : vector<64x64xf32>, vector<64x1xf32>, vector<64x1xf32> -> vector<64x1xf32>
    %add3A_100 = vector.broadcast %dot_general3A_99 : vector<64x1xf32> to vector<64x128xf32>
    %add3A_101 = arith.addf %dot_general3A_97, %add3A_100 : vector<64x128xf32>
    %dot_general3A_102 = arith.constant dense<0.000000e+00> : vector<64x1xf32>
    %dot_general3A_103 = tpu.matmul %select_n3A_85, %broadcast_in_dim3A_95, %dot_general3A_102 {dimension_numbers = #tpu.dot_dimension_numbers<[1], [0], [0], [1], [0, 0, 1, 1], [], []>, precision = #tpu.contract_precision<fp32>, transpose_lhs_hint = false} : vector<64x64xf32>, vector<64x1xf32>, vector<64x1xf32> -> vector<64x1xf32>
    %sub3A_104 = arith.subf %add3A_92, %reshape3A_12 : vector<64x128xf32>
    %sub3A_105 = arith.subf %add3A_101, %reshape3A : vector<64x128xf32>
    %add3A_106 = vector.broadcast %dot_general3A_103 : vector<64x1xf32> to vector<64x128xf32>
    %add3A_107 = arith.addf %add3A_106, %add3A_92 : vector<64x128xf32>
    %sub3A_108 = arith.subf %add3A_107, %add3A_101 : vector<64x128xf32>
    %add3A_109 = vector.broadcast %dot_general3A_103 : vector<64x1xf32> to vector<64x128xf32>
    %add3A_110 = arith.addf %add3A_109, %sub3A_104 : vector<64x128xf32>
    %sub3A_111 = arith.subf %add3A_110, %sub3A_105 : vector<64x128xf32>
    %gt3A_112 = arith.constant 0.000000e+00 : f32
    %gt3A_113 = vector.broadcast %gt3A_112 : f32 to vector<64x128xf32>
    %gt3A_114 = arith.cmpf ogt, %sub3A_108, %gt3A_113 : vector<64x128xf32>
    %sub3A_115 = vector.broadcast %dot_general3A_103 : vector<64x1xf32> to vector<64x128xf32>
    %sub3A_116 = arith.subf %sub3A_115, %add3A_101 : vector<64x128xf32>
    %div3A_117 = arith.divf %sub3A_116, %sub3A_108 : vector<64x128xf32>
    %sub3A_118 = arith.constant 1.000000e+00 : f32
    %sub3A_119 = vector.broadcast %sub3A_118 : f32 to vector<64x128xf32>
    %sub3A_120 = arith.subf %sub3A_119, %div3A_117 : vector<64x128xf32>
    %jit3A_121 = arith.constant 0.000000e+00 : f32
    %broadcast_in_dim3A_122 = vector.broadcast %jit3A_121 : f32 to vector<64x128xf32>
    %select_n3A_123 = arith.select %gt3A_114, %sub3A_120, %broadcast_in_dim3A_122 : vector<64x128xi1>, vector<64x128xf32>
    %gt3A_124 = arith.constant 0.000000e+00 : f32
    %gt3A_125 = vector.broadcast %gt3A_124 : f32 to vector<64x128xf32>
    %gt3A_126 = arith.cmpf ogt, %sub3A_111, %gt3A_125 : vector<64x128xf32>
    %sub3A_127 = vector.broadcast %dot_general3A_103 : vector<64x1xf32> to vector<64x128xf32>
    %sub3A_128 = arith.subf %sub3A_127, %sub3A_105 : vector<64x128xf32>
    %div3A_129 = arith.divf %sub3A_128, %sub3A_111 : vector<64x128xf32>
    %sub3A_130 = arith.constant 1.000000e+00 : f32
    %sub3A_131 = vector.broadcast %sub3A_130 : f32 to vector<64x128xf32>
    %sub3A_132 = arith.subf %sub3A_131, %div3A_129 : vector<64x128xf32>
    %jit3A_133 = arith.constant 0.000000e+00 : f32
    %broadcast_in_dim3A_134 = vector.broadcast %jit3A_133 : f32 to vector<64x128xf32>
    %select_n3A_135 = arith.select %gt3A_126, %sub3A_132, %broadcast_in_dim3A_134 : vector<64x128xi1>, vector<64x128xf32>
    %iota3A_136 = tpu.iota {dimensions = array<i32: 0>} : vector<64x128xi32>
    %jit3A_137 = arith.constant 8 : i32
    %eq3A_138 = arith.constant 0 : i32
    %eq3A_139 = arith.cmpi eq, %jit3A_137, %eq3A_138 : i32
    %jit3A_140 = arith.constant 1 : i32
    %select_n3A_141 = arith.select %eq3A_139, %jit3A_140, %jit3A_137 : i32
    %rem3A_142 = vector.broadcast %select_n3A_141 : i32 to vector<64x128xi32>
    %rem3A_143 = arith.remsi %iota3A_136, %rem3A_142 : vector<64x128xi32>
    %ne3A_144 = arith.constant 0 : i32
    %ne3A_145 = vector.broadcast %ne3A_144 : i32 to vector<64x128xi32>
    %ne3A_146 = arith.cmpi ne, %rem3A_143, %ne3A_145 : vector<64x128xi32>
    %lt3A = arith.constant 0 : i32
    %lt3A_147 = vector.broadcast %lt3A : i32 to vector<64x128xi32>
    %lt3A_148 = arith.cmpi slt, %rem3A_143, %lt3A_147 : vector<64x128xi32>
    %lt3A_149 = arith.constant 0 : i32
    %lt3A_150 = arith.cmpi slt, %select_n3A_141, %lt3A_149 : i32
    %ne3A_151 = vector.broadcast %lt3A_150 : i1 to vector<64x128xi1>
    %ne3A_152 = vector.broadcast %ne3A_151 : vector<64x128xi1> to vector<64x128xi1>
    %ne3A_153 = arith.xori %lt3A_148, %ne3A_152 : vector<64x128xi1>
    %and3A_154 = arith.andi %ne3A_153, %ne3A_146 : vector<64x128xi1>
    %add3A_155 = vector.broadcast %select_n3A_141 : i32 to vector<64x128xi32>
    %add3A_156 = arith.addi %rem3A_143, %add3A_155 : vector<64x128xi32>
    %select_n3A_157 = arith.select %and3A_154, %add3A_156, %rem3A_143 : vector<64x128xi1>, vector<64x128xi32>
    %mul3A = arith.constant 128 : i32
    %mul3A_158 = vector.broadcast %mul3A : i32 to vector<64x128xi32>
    %mul3A_159 = arith.muli %select_n3A_157, %mul3A_158 : vector<64x128xi32>
    %iota3A_160 = tpu.iota {dimensions = array<i32: 1>} : vector<64x128xi32>
    %add3A_161 = arith.addi %mul3A_159, %iota3A_160 : vector<64x128xi32>
    %convert_element_type3A_162 = arith.sitofp %add3A_161 : vector<64x128xi32> to vector<64x128xf32>
    %add3A_163 = arith.constant 5.000000e-01 : f32
    %add3A_164 = vector.broadcast %add3A_163 : f32 to vector<64x128xf32>
    %add3A_165 = arith.addf %convert_element_type3A_162, %add3A_164 : vector<64x128xf32>
    %mul3A_166 = arith.constant 9.765625E-4 : f32
    %mul3A_167 = vector.broadcast %mul3A_166 : f32 to vector<64x128xf32>
    %mul3A_168 = arith.mulf %add3A_165, %mul3A_167 : vector<64x128xf32>
    %gt3A_169 = arith.constant 0.000000e+00 : f32
    %gt3A_170 = vector.broadcast %gt3A_169 : f32 to vector<64x128xf32>
    %gt3A_171 = arith.cmpf ogt, %reshape3A_12, %gt3A_170 : vector<64x128xf32>
    %sub3A_172 = arith.subf %select_n3A_123, %select_n3A_135 : vector<64x128xf32>
    %mul3A_173 = arith.mulf %mul3A_168, %sub3A_172 : vector<64x128xf32>
    %jit3A_174 = arith.constant 0.000000e+00 : f32
    %broadcast_in_dim3A_175 = vector.broadcast %jit3A_174 : f32 to vector<64x128xf32>
    %select_n3A_176 = arith.select %gt3A_171, %mul3A_173, %broadcast_in_dim3A_175 : vector<64x128xi1>, vector<64x128xf32>
    %reduce_sum3A_177 = vector.shape_cast %select_n3A_176 : vector<64x128xf32> to vector<1x64x128xf32>
    %reduce_sum3A_178 = arith.constant dense<0.000000e+00> : vector<1xf32>
    %reduce_sum3A_179 = vector.multi_reduction <add>, %reduce_sum3A_177, %reduce_sum3A_178 [1, 2] : vector<1x64x128xf32> to vector<1xf32>
    %reduce_sum3A_180 = vector.shape_cast %reduce_sum3A_179 : vector<1xf32> to vector<1x1x1xf32>
    %reduce_sum3A_181 = vector.extract %reduce_sum3A_180[0, 0, 0] : f32 from vector<1x1x1xf32>
    %broadcast_in_dim3A_182 = arith.constant 0.000000e+00 : f32
    %broadcast_in_dim3A_183 = vector.broadcast %broadcast_in_dim3A_182 : f32 to vector<1x1xf32>
    %mul3A_184 = arith.constant 1.250000e-01 : f32
    %mul3A_185 = arith.mulf %reduce_sum3A_181, %mul3A_184 : f32
    %add3A_186 = vector.broadcast %mul3A_185 : f32 to vector<1x1xf32>
    %add3A_187 = arith.addf %broadcast_in_dim3A_183, %add3A_186 : vector<1x1xf32>
    %swap3A = arith.constant 0 : index
    %swap3A_188 = arith.constant 0 : index
    %swap3A_189 = vector.load %arg1[%swap3A, %swap3A_188] : memref<1x1xf32, #tpu.memory_space<vmem>>, vector<1x1xf32>
    tpu.vector_store %arg1[%swap3A, %swap3A_188], %add3A_187 {strides = array<i32>} : memref<1x1xf32, #tpu.memory_space<vmem>>, vector<1x1xf32>,
    return
  }
}

</mosaic_0001>

<sc_bundles>
// kernel: kernel.4.cloned.1.call-start
scs
__scs_entry_jumppad:
0x0: {  	(pc) =	sbr.rel $0x88, $3  }
0x1: {  	(tag) =	ssettag $0x0;
	lr =	simm.s32 $0x1  }
0x2: {  	[smem:$0x3F9F] =	sst lr;
	_ =	strace $0xD0000000  }
0x3: {  	_ = 	snop  }
0x4: {  	_ = 	snop  }
0x5: {  	_ = 	snop  }
0x6: {  	_ = 	snop  }
0x7: {  	_ = 	snop  }
__scs_overlays_trampoline_lowered:
0x8: {  	[smem:$0x3FAE] =	sst s0  }
0x9: {  	[smem:$0x3FAF] =	sst s1  }
0xa: {  	[smem:$0x3FB0] =	sst s2  }
0xb: {  	[smem:$0x3FB1] =	sst s3  }
0xc: {  	[smem:$0x3FB2] =	sst s4  }
0xd: {  	[smem:$0x3FB3] =	sst s5  }
0xe: {  	[smem:$0x3FB4] =	sst s6  }
0xf: {  	[smem:$0x3FB5] =	sst s7  }
0x10: {  	[smem:$0x3FB6] =	sst s8  }
0x11: {  	[smem:$0x3FB7] =	sst s9;
	s0 =	simm.s32 @!p0 $0x0  }
0x12: {  	s1 =	sld [smem:$0x3F9D];
	s0 =	simm.s32 @p0 $0x1  }
0x13: {  	[smem:$0x3FB8] =	sst s0;
	s0 =	simm.s32 @!p1 $0x0  }
0x14: {  	s2 =	sld [smem:$0x3F9C];
	s0 =	simm.s32 @p1 $0x1  }
0x15: {  	[smem:$0x3FB9] =	sst s0;
	s0 =	simm.s32 @!p2 $0x0  }
0x16: {  	s3 =	sld [smem:$0x3FDB];
	s0 =	simm.s32 @p2 $0x1  }
0x17: {  	s4 =	simm.s32 $0x1BF5;
	[smem:$0x3FBB] =	sst s0  }
0x18: {  	s0 =	sld [smem:$0x3F9E];
	_ =	swait.ge [sflag:s4], $0x0  }
0x19: {  	s7 =	sld [smem:$0x3F9F]  }
0x1a: {  	s8 =	sadd.s32 $0xFFFFE003, lr  }
0x1b: {  	s9 =	sadd.s32 $0xFFFFFEF7, lr;
	s5 =	simm.s32 $0xFFFFFFFF;
	p2 =	slt.u32 s8, $0xFFFFF086  }
0x1c: {  	p1 =	slt.u32 s9, $0xF7A;
	s5 =	simm.s32 @!p2 $0x0  }
0x1d: {  	s5 =	simm.s32 @p1 $0x1;
	p0 =	seq.s32 s7, s2  }
0x1e: {  	s7 =	smul.u32 @!p0 $0xF7A, s2;
	p2 =	seq.s32 @!p0 s5, $0x0  }
0x1f: {  	s9 =	smul.u32 $0xF7A, s1;
	s8 =	simm.s32 @!p0 $0x1BF5;
	p2 =	por !p2, p0  }
0x20: {  	[sflag:s8] =	ssyncset.s32 @!p0 $0xFFFFF086;
	s6 =	sadd.s32 @!p0 s3, s7;
	s7 =	simm.s32 @!p0 $0x108  }
0x21: {  	s3 =	sadd.s32 s3, s9;
	s6 =	sadd.s32 @!p0 $0x88, s6;
	s7 =	simm.s32 @p2 $0x1082  }
0x22: {  	[simem:s7], [sflag:s8] =	dma.local @!p0 [hbm:s6], $0xF7A  }
0x23: {  	s9 =	sor.u32 $0xD0000000, s2;
	s6 =	simm.s32 $0x108;
	_ =	swait.ge @!p0 [sflag:s8], $0x0  }
0x24: {  	s3 =	sadd.s32 $0x88, s3;
	s6 =	simm.s32 @!p1 $0x1082;
	[sflag:s4] =	ssyncset.s32 $0xFFFFF086  }
0x25: {  	[simem:s6], [sflag:s4] =	dma.local [hbm:s3], $0xF7A  }
0x26: {  	[smem:$0x3F9F] =	sst s1;
	(tag) =	ssettag s2;
	_ =	strace s9  }
0x27: {  	s1 =	sld [smem:$0x3FAF]  }
0x28: {  	s2 =	sld [smem:$0x3FB0]  }
0x29: {  	s4 =	sld [smem:$0x3FB2]  }
0x2a: {  	p0 =	seq.s32 s5, $0x0;
	s5 =	sld [smem:$0x3FB3]  }
0x2b: {  	s6 =	sld [smem:$0x3FB4]  }
0x2c: {  	s7 =	sld [smem:$0x3FB5]  }
0x2d: {  	s3 =	simm.s32 $0x108;
	s8 =	sld [smem:$0x3FB6]  }
0x2e: {  	s3 =	simm.s32 @!p0 $0x1082;
	s9 =	sld [smem:$0x3FB7]  }
0x2f: {  	lr =	sadd.s32 s0, s3;
	s0 =	sld [smem:$0x3FAE]  }
0x30: {  	s3 =	sld [smem:$0x3FB1]  }
0x31: {  	[smem:$0x3FBA] =	sst s10  }
0x32: {  	s10 =	sld [smem:$0x3FB8];
	_ =	sdelay $0x3  }
0x33: {  	p0 =	seq.s32 s10, $0x1;
	s10 =	sld [smem:$0x3FBA];
	_ =	sdelay $0x3  }
0x34: {  	[smem:$0x3FBA] =	sst s10  }
0x35: {  	s10 =	sld [smem:$0x3FB9];
	_ =	sdelay $0x3  }
0x36: {  	p1 =	seq.s32 s10, $0x1;
	s10 =	sld [smem:$0x3FBA];
	_ =	sdelay $0x3  }
0x37: {  	[smem:$0x3FBA] =	sst s10  }
0x38: {  	s10 =	sld [smem:$0x3FBB]  }
0x39: {  	_ = 	snop;
	(pc) =	sbr.ind lr, $3  }
0x3a: {  	_ = 	snop  }
0x3b: {  	_ = 	snop  }
0x3c: {  	p2 =	seq.s32 s10, $0x1;
	s10 =	sld [smem:$0x3FBA]  }
0x3d: {  	_ =	shalt  }
0x3e: {  	_ =	shalt  }
0x3f: {  	_ =	shalt  }
0x40: {  	_ =	shalt  }
0x41: {  	_ =	shalt  }
0x42: {  	_ =	shalt  }
0x43: {  	_ =	shalt  }
0x44: {  	_ =	shalt  }
0x45: {  	_ =	shalt  }
0x46: {  	_ =	shalt  }
0x47: {  	_ =	shalt  }
0x48: {  	_ =	shalt  }
0x49: {  	_ =	shalt  }
0x4a: {  	_ =	shalt  }
0x4b: {  	_ =	shalt  }
0x4c: {  	_ =	shalt  }
0x4d: {  	_ =	shalt  }
0x4e: {  	_ =	shalt  }
0x4f: {  	_ =	shalt  }
0x50: {  	_ =	shalt  }
0x51: {  	_ =	shalt  }
0x52: {  	_ =	shalt  }
0x53: {  	_ =	shalt  }
0x54: {  	_ =	shalt  }
0x55: {  	_ =	shalt  }
0x56: {  	_ =	shalt  }
0x57: {  	_ =	shalt  }
0x58: {  	_ =	shalt  }
0x59: {  	_ =	shalt  }
0x5a: {  	_ =	shalt  }
0x5b: {  	_ =	shalt  }
0x5c: {  	_ =	shalt  }
0x5d: {  	_ =	shalt  }
0x5e: {  	_ =	shalt  }
0x5f: {  	_ =	shalt  }
0x60: {  	_ =	shalt  }
0x61: {  	_ =	shalt  }
0x62: {  	_ =	shalt  }
0x63: {  	_ =	shalt  }
0x64: {  	_ =	shalt  }
0x65: {  	_ =	shalt  }
0x66: {  	_ =	shalt  }
0x67: {  	_ =	shalt  }
0x68: {  	_ =	shalt  }
0x69: {  	_ =	shalt  }
0x6a: {  	_ =	shalt  }
0x6b: {  	_ =	shalt  }
0x6c: {  	_ =	shalt  }
0x6d: {  	_ =	shalt  }
0x6e: {  	_ =	shalt  }
0x6f: {  	_ =	shalt  }
0x70: {  	_ =	shalt  }
0x71: {  	_ =	shalt  }
0x72: {  	_ =	shalt  }
0x73: {  	_ =	shalt  }
0x74: {  	_ =	shalt  }
0x75: {  	_ =	shalt  }
0x76: {  	_ =	shalt  }
0x77: {  	_ =	shalt  }
0x78: {  	_ =	shalt  }
0x79: {  	_ =	shalt  }
0x7a: {  	_ =	shalt  }
0x7b: {  	_ =	shalt  }
0x7c: {  	_ =	shalt  }
0x7d: {  	_ =	shalt  }
0x7e: {  	_ =	shalt  }
0x7f: {  	_ =	shalt  }
0x80: {  	_ =	shalt  }
0x81: {  	_ =	shalt  }
0x82: {  	_ =	shalt  }
0x83: {  	_ =	shalt  }
0x84: {  	_ =	shalt  }
0x85: {  	_ =	shalt  }
0x86: {  	_ =	shalt  }
0x87: {  	_ =	shalt  }
.Lfunc_end0:
.L_simem_size_0:
called_computation_lowered:
.L_overlay_start_0:
0x88: {  	s2 =	sld [smem:$0x3FD9]  }
0x89: {  	s3 =	sld [smem:$0x3FFE];
	_ =	sdelay $0x1  }
0x8a: {  	s1 =	srdreg.scid  }
0x8b: {  	s0 =	sand.u32 $0x1, s1  }
0x8c: {  	s17 =	sshll.u32 s0, $0xA;
	s2 =	sadd.s32 s3, s2  }
0x8d: {  	s2 =	sadd.s32 s2, s17  }
0x8e: {  	[smem:$0x3FC6] =	sst s2  }
0x8f: {  	_ = 	snop  }
0x90: {  	s2 =	sld [smem:$0x3FC9]  }
0x91: {  	s18 =	sld [smem:$0x3FC8];
	(tm) =	ssettm $0x1  }
0x92: {  	s4 =	sld [smem:$0x3FFB];
	_ =	sdelay $0x3  }
0x93: {  	_ =	strace s4  }
0x94: {  	s4 =	sld [smem:$0x3FFC];
	_ =	sdelay $0x3  }
0x95: {  	_ =	strace s4  }
0x96: {  	s4 =	sld [smem:$0x3FFD];
	_ =	sdelay $0x3  }
0x97: {  	_ =	strace s4  }
0x98: {  	_ =	strace $0x8FFFFFFF  }
0x99: {  	s19 =	sld [smem:$0x3FDB];
	_ =	sdelay $0x1  }
0x9a: {  	s5 =	simm.s32 $_scs_section_size  }
0x9b: {  	s6 =	simm.s32 $_size__tile_overlayer_lowered;
	s7 =	simm.s32 $_tile_overlayer_lowered  }
0x9c: {  	s22 =	simm.s32 $0x1BFF;
	s21 =	sshll.u32 s7, $0x1;
	s4 =	sadd.s32 s5, s19  }
0x9d: {  	s8 =	simm.s32 $0x0;
	s20 =	sshll.u32 s6, $0x1;
	s6 =	sadd.s32 s21, s4  }
0x9e: {  	[timem:s8], [sflag:s22] =	dma.local [hbm:s6], s20  }
0x9f: {  	_ =	swait.ge [sflag:s22], s20  }
0xa0: {  	s5 =	ssub.s32 $0x0, s20;
	[sflag:s22] =	ssyncset.done $0x0  }
0xa1: {  	[sflag:s22] =	ssyncadd.s32 s5;
	_ =	sdelay $0x1  }
0xa2: {  	s23 =	simm.s32 $0x1B8B  }
0xa3: {  	_ =	swait.ge [sflag:s23], $0x1  }
0xa4: {  	[sflag:s23] =	ssyncset.done $0x0  }
0xa5: {  	s25 =	simm.s32 $0x1B8E;
	s24 =	sld [smem:$0x3FFE];
	[sflag:s23] =	ssyncadd.s32 $0xFFFFFFFF  }
0xa6: {  	s26 =	simm.s32 $execute0_lowered;
	[smem:$0x3FD2] =	sst s25  }
0xa7: {  	s6 =	sshll.u32 s26, $0x1;
	_ =	strace $0x80000046;
	[dreg:$0x1] =	wrdreg $0xFFFFFFFF  }
0xa8: {  	s28 =	simm.s32 $_size_execute0_lowered;
	s4 =	sadd.s32 s4, s6;
	[dreg:$0x0] =	wrdreg $0x0  }
0xa9: {  	s6 =	sshll.u32 s28, $0x1;
	[dreg:$0x2] =	wrdreg s4  }
0xaa: {  	[dreg:$0x3] =	wrdreg s6  }
0xab: {  	[dreg:$0x4] =	wrdreg $0xC0  }
0xac: {  	_ =	task [dreg:s8], $0x5FFFF  }
0xad: {  	[dreg:$0x1] =	wrdreg $0xFFFFFFFF  }
0xae: {  	[dreg:$0x0] =	wrdreg $0x60  }
0xaf: {  	[dreg:$0x2] =	wrdreg s2  }
0xb0: {  	[dreg:$0x3] =	wrdreg s18  }
0xb1: {  	[dreg:$0x4] =	wrdreg s24  }
0xb2: {  	[dreg:$0x5] =	wrdreg $0x9  }
0xb3: {  	_ =	task.clear_ibuf [dreg:s8], $0x6FFFF;
	_ =	strace $0x90000046  }
0xb4: {  	s29 =	simm.s32 $0x9;
	_ =	strace $0x80000048  }
0xb5: {  	_ =	swait.ge [sflag:s29], $0x1  }
0xb6: {  	[sflag:s29] =	ssyncadd.s32 $0xFFFFFFFF  }
0xb7: {  	_ =	strace $0x90000048  }
0xb8: {  	_ =	sfence  }
0xb9: {  	s30 =	sld [smem:$0x0];
	_ =	sdelay $0x2  }
0xba: {  	s31 =	sshll.u32 s1, $0xD;
	s1 =	sshrl.u32 s1, $0x2  }
0xbb: {  	s3 =	sand.u32 $0x4000, s31;
	s1 =	sadd.s32 s1, s30  }
0xbc: {  	s0 =	sor.u32 s3, s0;
	s1 =	sshll.u32 s1, $0x11  }
0xbd: {  	s0 =	sor.u32 s1, s0  }
0xbe: {  	s0 =	sadd.s32 $0x8F2B, s0  }
0xbf: {  	[sflag:s0] =	ssyncadd.remote.s32 $0x1  }
0xc0: {  	_ =	sfence.sel $0xFFFF  }
0xc1: {  	[dreg:$0x0] =	wrdreg $0xFFFFFFFF;
	(pc) =	sbr.abs _section_cstart, $3  }
0xc2: {  	[dreg:$0x1] =	wrdreg $0xFFFFFFFF  }
0xc3: {  	_ =	task.clear_ibuf [dreg:s8], $0x2FFFF;
	_ =	strace $0x9FFFFFFF  }
0xc4: {  	(tm) =	ssettm $0x7FFFFFFF  }
0xc5: {  	_ =	shalt  }
tec
execute0_lowered:
.L_overlay_start_1:
0x0: {  	(tag) =	ssettag $0x1  }
0x1: {  	s9 =	rddreg [dreg:$0x0]  }
0x2: {  	s10 =	rddreg [dreg:$0x1]  }
0x3: {  	s3 =	rddreg [dreg:$0x2]  }
0x4: {  	s0 =	rddreg [dreg:$0x3];
	s2 =	simm.s32 $0x0;
	s4 =	srdreg.scid  }
0x5: {  	s1 =	stileid.u32;
	s15 =	simm.s32 $0xC000;
	s16 =	simm.s32 $0x1  }
0x6: {  	s17 =	simm.s32 $0x2;
	s18 =	simm.s32 $0x10000;
	s19 =	simm.s32 $0x3  }
0x7: {  	s20 =	simm.s32 $0x4;
	s21 =	simm.s32 $0x5;
	s22 =	simm.s32 $0x0  }
0x8: {  	[smem:$0x7FF] =	sst s2;
	s4 =	sand.u32 $0x1, s4;
	s5 =	sshll.u32 s1, $0x1  }
0x9: {  	s7 =	sshll.u32 s1, $0xE;
	_ =	strace $0x80000047;
	s5 =	sor.u32 s4, s5  }
0xa: {  	s4 =	ssub.s32 $0x2, s4;
	s6 =	sshll.u32 s5, $0xB;
	s5 =	sshll.u32 s5, $0xD  }
0xb: {  	s7 =	sand.u32 $0x38000, s7;
	s30 =	sshrl.u32 s4, $0x1;
	s5 =	sand.u32 $0x6000, s5  }
0xc: {  	s11 =	sadd.s32 s6, s3;
	s12 =	ssub.s32 s4, s30;
	s8 =	sor.u32 s7, s5  }
0xd: {  	s11 =	sadd.s32 $0x600, s11;
	s12 =	smax.u32 s12, $0x1;
	s3 =	sadd.s32 s9, s8  }
0xe: {  	s31 =	sor.u32 $0x800, s8;
	s4 =	sadd.s32 s10, s8;
	s13 =	sor.u32 $0x1000, s8  }
0xf: {  	s14 =	sor.u32 $0x1800, s8;
	s5 =	sadd.s32 s9, s31;
	s6 =	sadd.s32 s10, s31  }
0x10: {  	v1 =	vlaneseq.u32;
	s7 =	sadd.s32 s9, s13;
	s8 =	sadd.s32 s10, s13;
	s9 =	sadd.s32 s9, s14  }
0x11: {  	v0 =	vimm.s32 $0x0;
	v1 =	vmul.u32 $0x400, v1;
	s10 =	sadd.s32 s10, s14;
	s13 =	simm.s32 $0x8000;
	s14 =	simm.s32 $0x4000  }
.LBB2_1:
0x12: {  	[tilespmem:s2], [sflag:$0x1] =	stream.linear.gather [hbm4b:s3+s2], $0x4000, $0x38;
	[tilespmem:$0x14000] =	vst v63  }
0x13: {  	s23 =	simm.s32 $0x0;
	s24 =	simm.s32 $0x400  }
0x14: {  	[tilespmem:s13], [sflag:$0x2] =	stream.linear.gather [hbm4b:s4+s2], $0x4000, $0x38;
	[tilespmem:$0x14000] =	vst v63  }
.LBB2_2:
0x15: {  	p0 =	sne.s32 s24, $0xFC00;
	[tilespmem:s23+$0x100F0] =	vst v0  }
0x16: {  	[tilespmem:s23+$0x10000] =	vst v0  }
0x17: {  	[tilespmem:s23+$0x10010] =	vst v0  }
0x18: {  	[tilespmem:s23+$0x10020] =	vst v0  }
0x19: {  	[tilespmem:s23+$0x10030] =	vst v0  }
0x1a: {  	[tilespmem:s23+$0x10040] =	vst v0  }
0x1b: {  	[tilespmem:s23+$0x10050] =	vst v0  }
0x1c: {  	[tilespmem:s23+$0x10060] =	vst v0  }
0x1d: {  	[tilespmem:s23+$0x10070] =	vst v0  }
0x1e: {  	[tilespmem:s23+$0x10080] =	vst v0  }
0x1f: {  	[tilespmem:s23+$0x10090] =	vst v0  }
.Ltmp0:
0x20: {  	[tilespmem:s23+$0x100A0] =	vst v0;
	(pc) =	sbr.rel @p0 .LBB2_2-.Ltmp0, $4  }
0x21: {  	[tilespmem:s23+$0x100B0] =	vst v0  }
0x22: {  	[tilespmem:s23+$0x100C0] =	vst v0  }
0x23: {  	[tilespmem:s23+$0x100D0] =	vst v0  }
0x24: {  	[tilespmem:s23+$0x100E0] =	vst v0;
	s23 =	sshra.s32 s24, $0x2;
	s24 =	sadd.s32 $0x400, s24  }
0x25: {  	[tilespmem:s23+$0x100F0] =	vst v0  }
0x26: {  	[tilespmem:s23+$0x10000] =	vst v0  }
0x27: {  	[tilespmem:s23+$0x10010] =	vst v0  }
0x28: {  	[tilespmem:s23+$0x10020] =	vst v0  }
0x29: {  	[tilespmem:s23+$0x10030] =	vst v0  }
0x2a: {  	[tilespmem:s23+$0x10040] =	vst v0  }
0x2b: {  	[tilespmem:s23+$0x10050] =	vst v0  }
0x2c: {  	[tilespmem:s23+$0x10060] =	vst v0  }
0x2d: {  	[tilespmem:s23+$0x10070] =	vst v0  }
0x2e: {  	[tilespmem:s23+$0x10080] =	vst v0  }
0x2f: {  	[tilespmem:s23+$0x10090] =	vst v0  }
0x30: {  	[tilespmem:s23+$0x100A0] =	vst v0  }
0x31: {  	[tilespmem:s23+$0x100B0] =	vst v0  }
0x32: {  	[tilespmem:s23+$0x100C0] =	vst v0  }
0x33: {  	[tilespmem:s23+$0x100D0] =	vst v0  }
0x34: {  	[tilespmem:s23+$0x100E0] =	vst v0;
	s23 =	simm.s32 $0x0  }
0x35: {  	[tilespmem:s14], [sflag:$0x3] =	stream.linear.gather [hbm4b:s5+s23], $0x4000, $0x38;
	[tilespmem:$0x14000] =	vst v63  }
0x36: {  	_ = 	snop  }
0x37: {  	[tilespmem:s15], [sflag:$0x4] =	stream.linear.gather [hbm4b:s6+s23], $0x4000, $0x38;
	[tilespmem:$0x14000] =	vst v63  }
0x38: {  	_ =	swait.ge [sflag:s16], $0x4000  }
0x39: {  	[sflag:s16] =	ssyncset.done $0x0  }
0x3a: {  	s24 =	simm.s32 $0x0;
	s26 =	simm.s32 $0x0;
	[sflag:s16] =	ssyncadd.s32 $0xFFFFC000  }
0x3b: {  	s25 =	sand.u32 $0x800, s23;
	s24 =	sand.u32 $0x3000, s24;
	_ =	swait.ge [sflag:s17], $0x4000  }
0x3c: {  	s31 =	sand.u32 $0x380, s26;
	s24 =	sor.u32 s25, s24;
	[sflag:s17] =	ssyncset.done $0x0  }
0x3d: {  	s24 =	sor.u32 s31, s24;
	[sflag:s17] =	ssyncadd.s32 $0xFFFFC000  }
0x3e: {  	v2 =	vld [tilespmem:s24+$0x410]  }
0x3f: {  	v3 =	vld [tilespmem:s24+$0x8410]  }
0x40: {  	v5 =	vld [tilespmem:s24+$0x30]  }
0x41: {  	v6 =	vld [tilespmem:s24+$0x20]  }
0x42: {  	v8 =	vld [tilespmem:s24+$0x8030]  }
0x43: {  	v10 =	vld [tilespmem:s24+$0x8020]  }
0x44: {  	v11 =	vld [tilespmem:s24+$0x8010]  }
0x45: {  	v7 =	vld [tilespmem:s24+$0x8040]  }
0x46: {  	v14 =	vld [tilespmem:s24+$0x8000]  }
0x47: {  	v12 =	vld [tilespmem:s24+$0x10];
	v9 =	vcvt.s32.f32 v3;
	v3 =	vshll.u32 v3, $0x10  }
0x48: {  	v4 =	vld [tilespmem:s24+$0x40];
	v15 =	vcvt.s32.f32 v8;
	v8 =	vshll.u32 v8, $0x10;
	v16 =	vcvt.s32.f32 v10  }
0x49: {  	v13 =	vld [tilespmem:s24+$0x0];
	v18 =	vcvt.s32.f32 v11;
	v10 =	vshll.u32 v10, $0x10;
	v9 =	vsub.f32 v9, v2  }
0x4a: {  	v2 =	vor.u32 $0x1, v3;
	v3 =	vcvt.s32.f32 v7;
	v7 =	vshll.u32 v7, $0x10  }
0x4b: {  	v5 =	vsub.f32 v15, v5;
	v15 =	vcvt.s32.f32 v14;
	v16 =	vsub.f32 v16, v6  }
0x4c: {  	v18 =	vsub.f32 v18, v12;
	v6 =	vor.u32 $0x1, v10;
	v12 =	vshll.u32 v11, $0x10  }
0x4d: {  	v9 =	vand.u32 $0x7FFFFFFF, v9;
	v17 =	vsub.f32 v3, v4;
	v3 =	vor.u32 $0x1, v7  }
0x4e: {  	v19 =	vld [tilespmem:s24+$0x8060];
	v5 =	vand.u32 $0x7FFFFFFF, v5;
	v10 =	vsub.f32 v15, v13;
	v11 =	vand.u32 $0x7FFFFFFF, v16  }
0x4f: {  	v20 =	vld [tilespmem:s24+$0x50];
	v13 =	vand.u32 $0x7FFFFFFF, v18;
	v9 =	vmul.f32 $1.024000000e+03, v9;
	v11 =	vmul.f32 $1.024000000e+03, v11  }
0x50: {  	v4 =	vor.u32 $0x1, v8;
	v8 =	vld [tilespmem:s24+$0x8070];
	v18 =	vmul.f32 $1.024000000e+03, v13;
	v5 =	vmul.f32 $1.024000000e+03, v5  }
0x51: {  	v7 =	vld [tilespmem:s24+$0x8050];
	v22 =	vand.u32 $0x7FFFFFFF, v10;
	v17 =	vand.u32 $0x7FFFFFFF, v17;
	v9 =	vmin.f32 v9, $1.023000000e+03  }
0x52: {  	v21 =	vld [tilespmem:s24+$0x60];
	v11 =	vmin.f32 v11, $1.023000000e+03;
	v17 =	vmul.f32 $1.024000000e+03, v17;
	v5 =	vmin.f32 v5, $1.023000000e+03  }
0x53: {  	v16 =	vld [tilespmem:s24+$0x70];
	v13 =	vtrunc.f32 v9;
	v9 =	vmul.f32 $1.024000000e+03, v22;
	v22 =	vmin.f32 v18, $1.023000000e+03  }
0x54: {  	v10 =	vld [tilespmem:s24+$0x8400];
	v18 =	vshll.u32 v19, $0x10;
	v11 =	vtrunc.f32 v11;
	v19 =	vcvt.s32.f32 v19  }
0x55: {  	v25 =	vtrunc.f32 v5;
	v23 =	vcvt.s32.f32 v8  }
0x56: {  	v24 =	vld [tilespmem:s24+$0x400];
	v15 =	vshll.u32 v7, $0x10;
	v7 =	vcvt.s32.f32 v7;
	v11 =	vcvt.f32.s32 v11  }
0x57: {  	v29 =	vtrunc.f32 v22;
	v30 =	vcvt.f32.s32 v25;
	v5 =	vsub.f32 v19, v21  }
0x58: {  	v16 =	vsub.f32 v23, v16;
	v7 =	vsub.f32 v7, v20;
	v20 =	vshll.u32 v14, $0x10  }
0x59: {  	v19 =	vcvt.s32.f32 v10;
	v14 =	vadd.s32 v1, v11;
	v11 =	vmin.f32 v17, $1.023000000e+03  }
0x5a: {  	v28 =	vld [tilespmem:s24+$0x8460];
	v26 =	vshll.u32 v8, $0x10;
	v32 =	vcvt.f32.s32 v29;
	v17 =	vtrunc.f32 v11  }
0x5b: {  	v22 =	vld [tilespmem:s24+$0x420];
	v7 =	vand.u32 $0x7FFFFFFF, v7;
	v16 =	vand.u32 $0x7FFFFFFF, v16;
	v19 =	vsub.f32 v19, v24  }
0x5c: {  	v9 =	vmin.f32 v9, $1.023000000e+03;
	v29 =	vld [tilespmem:s24+$0x430];
	v11 =	vmul.f32 $1.024000000e+03, v7;
	v16 =	vmul.f32 $1.024000000e+03, v16  }
0x5d: {  	v21 =	vtrunc.f32 v9;
	v24 =	vand.u32 $0x7FFFFFFF, v5;
	v5 =	vld [tilespmem:s24+$0x8470];
	v23 =	vand.u32 $0x7FFFFFFF, v19  }
0x5e: {  	v9 =	vld [tilespmem:s24+$0x8420];
	v27 =	vmin.f32 v11, $1.023000000e+03;
	v11 =	vmul.f32 $1.024000000e+03, v24;
	v19 =	vmin.f32 v16, $1.023000000e+03  }
0x5f: {  	v20 =	vor.u32 $0x1, v20;
	v31 =	vcvt.f32.s32 v21;
	v7 =	vld [tilespmem:s24+$0x8450];
	v8 =	vtrunc.f32 v19  }
0x60: {  	v21 =	vcvt.s32.f32 v28;
	v16 =	vld [tilespmem:s24+$0x8430];
	v11 =	vmin.f32 v11, $1.023000000e+03;
	v33 =	vcvt.f32.s32 v8  }
0x61: {  	v25 =	vadd.s32 v1, v31;
	v24 =	vld [tilespmem:s24+$0x470];
	v8 =	vshll.u32 v28, $0x10;
	v11 =	vtrunc.f32 v11  }
0x62: {  	s25 =	simm.s32 $0x1;
	v19 =	vld [tilespmem:s24+$0x8440];
	v28 =	vcvt.s32.f32 v5;
	v31 =	vcvt.f32.s32 v11;
	v11 =	vadd.s32 v1, v33  }
.LBB2_4:
0x63: {  	p0 =	sne.s32 s25, $0x3F  }
0x64: {  	v33 =	vld [tilespmem:s24+$0x460];
	v32 =	vadd.s32 v1, v32;
	v12 =	vor.u32 $0x1, v12;
	v30 =	vadd.s32 v1, v30;
	s23 =	sadd.s32 $0x800, s23;
	s26 =	smov.u32 s25;
	s25 =	sadd.s32 $0x1, s25  }
0x65: {  	v27 =	vtrunc.f32 v27;
	v15 =	vor.u32 $0x1, v15;
	v18 =	vor.u32 $0x1, v18;
	v34 =	vld [tilespmem:s24+$0x440]  }
0x66: {  	v37 =	vcvt.s32.f32 v7;
	v31 =	vadd.s32 v1, v31;
	v36 =	vcvt.s32.f32 v16;
	v35 =	vld [tilespmem:s24+$0x450]  }
0x67: {  	v26 =	vor.u32 $0x1, v26;
	v13 =	vcvt.f32.s32 v13;
	v38 =	vshll.u32 v19, $0x10;
	[tilespmem:v25+s18+$0x0] =	vst.idx.add.s32.msk $0xffff, v20  }
0x68: {  	v20 =	vcvt.f32.s32 v27;
	v25 =	vcvt.s32.f32 v9;
	v27 =	vsub.f32 v36, v29  }
0x69: {  	v23 =	vmul.f32 $1.024000000e+03, v23;
	v10 =	vshll.u32 v10, $0x10;
	v19 =	vcvt.s32.f32 v19;
	[tilespmem:v32+s18+$0x0] =	vst.idx.add.s32.msk $0xffff, v12  }
0x6a: {  	v10 =	vor.u32 $0x1, v10;
	v12 =	vadd.s32 v1, v13;
	v13 =	vsub.f32 v28, v24;
	[tilespmem:v14+s18+$0x0] =	vst.idx.add.s32.msk $0xffff, v6  }
0x6b: {  	v6 =	vmin.f32 v23, $1.023000000e+03;
	v14 =	vsub.f32 v25, v22;
	v22 =	vand.u32 $0x7FFFFFFF, v27;
	[tilespmem:v30+s18+$0x0] =	vst.idx.add.s32.msk $0xffff, v4  }
0x6c: {  	v16 =	vshll.u32 v16, $0x10;
	v4 =	vadd.s32 v1, v20;
	v6 =	vtrunc.f32 v6  }
0x6d: {  	v17 =	vcvt.f32.s32 v17;
	v19 =	vsub.f32 v19, v34;
	v6 =	vcvt.f32.s32 v6  }
0x6e: {  	v20 =	vmul.f32 $1.024000000e+03, v22;
	v22 =	vsub.f32 v37, v35;
	v14 =	vand.u32 $0x7FFFFFFF, v14  }
0x6f: {  	v21 =	vsub.f32 v21, v33;
	v19 =	vand.u32 $0x7FFFFFFF, v19;
	v6 =	vadd.s32 v1, v6  }
0x70: {  	v14 =	vmul.f32 $1.024000000e+03, v14;
	v20 =	vmin.f32 v20, $1.023000000e+03;
	v22 =	vand.u32 $0x7FFFFFFF, v22  }
0x71: {  	v17 =	vadd.s32 v1, v17;
	v9 =	vshll.u32 v9, $0x10;
	v19 =	vmul.f32 $1.024000000e+03, v19  }
0x72: {  	v9 =	vor.u32 $0x1, v9;
	v20 =	vtrunc.f32 v20;
	v14 =	vmin.f32 v14, $1.023000000e+03  }
0x73: {  	v21 =	vand.u32 $0x7FFFFFFF, v21;
	v22 =	vmul.f32 $1.024000000e+03, v22;
	v14 =	vtrunc.f32 v14  }
0x74: {  	v13 =	vand.u32 $0x7FFFFFFF, v13;
	v20 =	vcvt.f32.s32 v20;
	v19 =	vmin.f32 v19, $1.023000000e+03  }
0x75: {  	v16 =	vor.u32 $0x1, v16;
	v13 =	vmul.f32 $1.024000000e+03, v13;
	v22 =	vmin.f32 v22, $1.023000000e+03  }
0x76: {  	v21 =	vmul.f32 $1.024000000e+03, v21;
	v19 =	vtrunc.f32 v19;
	v20 =	vadd.s32 v1, v20;
	[tilespmem:v17+s18+$0x0] =	vst.idx.add.s32.msk $0xffff, v3  }
0x77: {  	v13 =	vmin.f32 v13, $1.023000000e+03;
	v3 =	vcvt.f32.s32 v14;
	v14 =	vtrunc.f32 v22;
	[tilespmem:v4+s18+$0x0] =	vst.idx.add.s32.msk $0xffff, v15  }
0x78: {  	v4 =	vcvt.f32.s32 v19;
	v14 =	vcvt.f32.s32 v14;
	v15 =	vmin.f32 v21, $1.023000000e+03;
	[tilespmem:v31+s18+$0x0] =	vst.idx.add.s32.msk $0xffff, v18  }
0x79: {  	v17 =	vor.u32 $0x1, v38;
	v3 =	vadd.s32 v1, v3;
	v15 =	vtrunc.f32 v15;
	[tilespmem:v11+s18+$0x0] =	vst.idx.add.s32.msk $0xffff, v26  }
0x7a: {  	v13 =	vtrunc.f32 v13;
	v11 =	vadd.s32 v1, v14;
	v14 =	vcvt.f32.s32 v15;
	[tilespmem:v6+s18+$0x0] =	vst.idx.add.s32.msk $0xffff, v10  }
0x7b: {  	v5 =	vshll.u32 v5, $0x10;
	v4 =	vadd.s32 v1, v4;
	v6 =	vcvt.f32.s32 v13;
	[tilespmem:v12+s18+$0x0] =	vst.idx.add.s32.msk $0xffff, v2  }
0x7c: {  	v2 =	vadd.s32 v1, v14  }
0x7d: {  	v7 =	vshll.u32 v7, $0x10;
	v6 =	vadd.s32 v1, v6  }
0x7e: {  	v7 =	vor.u32 $0x1, v7;
	[tilespmem:v3+s18+$0x0] =	vst.idx.add.s32.msk $0xffff, v9  }
0x7f: {  	[tilespmem:v20+s18+$0x0] =	vst.idx.add.s32.msk $0xffff, v16  }
0x80: {  	s24 =	sshll.u32 s26, $0x8;
	v3 =	vor.u32 $0x1, v8;
	[tilespmem:v4+s18+$0x0] =	vst.idx.add.s32.msk $0xffff, v17  }
0x81: {  	s28 =	sand.u32 $0x800, s23;
	s26 =	sshll.u32 s26, $0x6;
	s24 =	sand.u32 $0x3000, s24;
	v4 =	vor.u32 $0x1, v5;
	[tilespmem:v11+s18+$0x0] =	vst.idx.add.s32.msk $0xffff, v7  }
0x82: {  	s26 =	sand.u32 $0x380, s26;
	s24 =	sor.u32 s28, s24;
	[tilespmem:v2+s18+$0x0] =	vst.idx.add.s32.msk $0xffff, v3  }
0x83: {  	s24 =	sor.u32 s26, s24;
	[tilespmem:v6+s18+$0x0] =	vst.idx.add.s32.msk $0xffff, v4  }
0x84: {  	v2 =	vld [tilespmem:s24+$0x410]  }
0x85: {  	v3 =	vld [tilespmem:s24+$0x8410]  }
0x86: {  	v4 =	vld [tilespmem:s24+$0x40]  }
0x87: {  	v5 =	vld [tilespmem:s24+$0x30]  }
0x88: {  	v6 =	vld [tilespmem:s24+$0x20]  }
0x89: {  	v7 =	vld [tilespmem:s24+$0x8040]  }
0x8a: {  	v8 =	vld [tilespmem:s24+$0x8030];
	v9 =	vcvt.s32.f32 v3;
	v3 =	vshll.u32 v3, $0x10  }
0x8b: {  	v10 =	vld [tilespmem:s24+$0x8020]  }
0x8c: {  	v11 =	vld [tilespmem:s24+$0x8010];
	v9 =	vsub.f32 v9, v2  }
0x8d: {  	v2 =	vor.u32 $0x1, v3;
	v14 =	vld [tilespmem:s24+$0x8000]  }
0x8e: {  	v12 =	vld [tilespmem:s24+$0x10];
	v3 =	vcvt.s32.f32 v7;
	v7 =	vshll.u32 v7, $0x10;
	v9 =	vand.u32 $0x7FFFFFFF, v9  }
0x8f: {  	v13 =	vld [tilespmem:s24+$0x0];
	v15 =	vcvt.s32.f32 v8;
	v8 =	vshll.u32 v8, $0x10;
	v9 =	vmul.f32 $1.024000000e+03, v9  }
0x90: {  	v16 =	vcvt.s32.f32 v10;
	v17 =	vsub.f32 v3, v4;
	v3 =	vor.u32 $0x1, v7  }
0x91: {  	v10 =	vshll.u32 v10, $0x10;
	v7 =	vld [tilespmem:s24+$0x8050];
	v18 =	vcvt.s32.f32 v11;
	v5 =	vsub.f32 v15, v5  }
0x92: {  	v4 =	vor.u32 $0x1, v8;
	v19 =	vld [tilespmem:s24+$0x70];
	v15 =	vcvt.s32.f32 v14;
	v16 =	vsub.f32 v16, v6  }
0x93: {  	v6 =	vor.u32 $0x1, v10;
	v8 =	vld [tilespmem:s24+$0x8070];
	v18 =	vsub.f32 v18, v12;
	v5 =	vand.u32 $0x7FFFFFFF, v5  }
0x94: {  	v12 =	vshll.u32 v11, $0x10;
	v20 =	vld [tilespmem:s24+$0x8060];
	v10 =	vsub.f32 v15, v13;
	v11 =	vand.u32 $0x7FFFFFFF, v16  }
0x95: {  	v9 =	vmin.f32 v9, $1.023000000e+03;
	v16 =	vld [tilespmem:s24+$0x50];
	v13 =	vand.u32 $0x7FFFFFFF, v18;
	v11 =	vmul.f32 $1.024000000e+03, v11  }
0x96: {  	v5 =	vmul.f32 $1.024000000e+03, v5;
	v21 =	vld [tilespmem:s24+$0x60];
	v18 =	vmul.f32 $1.024000000e+03, v13;
	v15 =	vshll.u32 v7, $0x10  }
0x97: {  	v22 =	vand.u32 $0x7FFFFFFF, v10;
	v13 =	vtrunc.f32 v9;
	v11 =	vmin.f32 v11, $1.023000000e+03  }
0x98: {  	v9 =	vmul.f32 $1.024000000e+03, v22;
	v10 =	vld [tilespmem:s24+$0x8400];
	v22 =	vmin.f32 v18, $1.023000000e+03;
	v23 =	vcvt.s32.f32 v8  }
0x99: {  	v17 =	vand.u32 $0x7FFFFFFF, v17;
	v7 =	vcvt.s32.f32 v7;
	v18 =	vshll.u32 v20, $0x10  }
0x9a: {  	v11 =	vtrunc.f32 v11;
	v20 =	vcvt.s32.f32 v20;
	v24 =	vld [tilespmem:s24+$0x400];
	v19 =	vsub.f32 v23, v19  }
0x9b: {  	v17 =	vmul.f32 $1.024000000e+03, v17;
	v11 =	vcvt.f32.s32 v11;
	v7 =	vsub.f32 v7, v16  }
0x9c: {  	v5 =	vmin.f32 v5, $1.023000000e+03;
	v9 =	vmin.f32 v9, $1.023000000e+03;
	v16 =	vshll.u32 v14, $0x10  }
0x9d: {  	v25 =	vtrunc.f32 v5;
	v5 =	vsub.f32 v20, v21;
	v20 =	vcvt.s32.f32 v10  }
0x9e: {  	v21 =	vtrunc.f32 v9;
	v7 =	vand.u32 $0x7FFFFFFF, v7;
	v19 =	vand.u32 $0x7FFFFFFF, v19  }
0x9f: {  	v14 =	vadd.s32 v1, v11;
	v11 =	vmin.f32 v17, $1.023000000e+03;
	v9 =	vld [tilespmem:s24+$0x8420];
	v23 =	vsub.f32 v20, v24  }
0xa0: {  	v17 =	vtrunc.f32 v11;
	v11 =	vmul.f32 $1.024000000e+03, v7;
	v24 =	vand.u32 $0x7FFFFFFF, v5;
	v28 =	vld [tilespmem:s24+$0x8460]  }
0xa1: {  	v20 =	vor.u32 $0x1, v16;
	v16 =	vmul.f32 $1.024000000e+03, v19;
	v5 =	vld [tilespmem:s24+$0x8470];
	v23 =	vand.u32 $0x7FFFFFFF, v23  }
0xa2: {  	v29 =	vtrunc.f32 v22;
	v27 =	vmin.f32 v11, $1.023000000e+03;
	v11 =	vmul.f32 $1.024000000e+03, v24;
	v7 =	vld [tilespmem:s24+$0x8450]  }
.Ltmp1:
0xa3: {  	v26 =	vshll.u32 v8, $0x10;
	v31 =	vcvt.f32.s32 v21;
	v19 =	vmin.f32 v16, $1.023000000e+03;
	v22 =	vld [tilespmem:s24+$0x420];
	(pc) =	sbr.rel @p0 .LBB2_4-.Ltmp1, $4  }
0xa4: {  	v30 =	vcvt.f32.s32 v25;
	v11 =	vmin.f32 v11, $1.023000000e+03;
	v8 =	vtrunc.f32 v19;
	v16 =	vld [tilespmem:s24+$0x8430]  }
0xa5: {  	v33 =	vcvt.f32.s32 v8;
	v24 =	vld [tilespmem:s24+$0x470];
	v21 =	vcvt.s32.f32 v28;
	v8 =	vshll.u32 v28, $0x10  }
0xa6: {  	v32 =	vcvt.f32.s32 v29;
	v25 =	vadd.s32 v1, v31;
	v11 =	vtrunc.f32 v11;
	v19 =	vld [tilespmem:s24+$0x8440]  }
0xa7: {  	v31 =	vcvt.f32.s32 v11;
	v11 =	vadd.s32 v1, v33;
	v28 =	vcvt.s32.f32 v5;
	v29 =	vld [tilespmem:s24+$0x430]  }
0xa8: {  	v32 =	vadd.s32 v1, v32;
	v12 =	vor.u32 $0x1, v12;
	v30 =	vadd.s32 v1, v30  }
0xa9: {  	v27 =	vtrunc.f32 v27;
	v15 =	vor.u32 $0x1, v15;
	v18 =	vor.u32 $0x1, v18  }
0xaa: {  	v34 =	vcvt.s32.f32 v7;
	v26 =	vor.u32 $0x1, v26;
	v13 =	vcvt.f32.s32 v13  }
0xab: {  	v35 =	vld [tilespmem:s24+$0x440];
	v36 =	vcvt.s32.f32 v9;
	v23 =	vmul.f32 $1.024000000e+03, v23;
	v10 =	vshll.u32 v10, $0x10  }
0xac: {  	v37 =	vld [tilespmem:s24+$0x450];
	v17 =	vcvt.f32.s32 v17;
	v31 =	vadd.s32 v1, v31;
	v33 =	vcvt.s32.f32 v16  }
0xad: {  	v38 =	vld [tilespmem:s24+$0x460];
	v27 =	vcvt.f32.s32 v27;
	v10 =	vor.u32 $0x1, v10;
	v13 =	vadd.s32 v1, v13  }
0xae: {  	v24 =	vsub.f32 v28, v24;
	v23 =	vmin.f32 v23, $1.023000000e+03;
	v22 =	vsub.f32 v36, v22  }
0xaf: {  	v17 =	vadd.s32 v1, v17;
	v61 =	vcvt.s32.f32 v19;
	v23 =	vtrunc.f32 v23  }
0xb0: {  	v27 =	vadd.s32 v1, v27;
	v29 =	vsub.f32 v33, v29;
	v22 =	vand.u32 $0x7FFFFFFF, v22  }
0xb1: {  	v23 =	vcvt.f32.s32 v23;
	v62 =	vsub.f32 v34, v37;
	v22 =	vmul.f32 $1.024000000e+03, v22  }
0xb2: {  	v21 =	vsub.f32 v21, v38;
	v28 =	vand.u32 $0x7FFFFFFF, v29;
	v29 =	vsub.f32 v61, v35  }
0xb3: {  	v23 =	vadd.s32 v1, v23;
	v28 =	vmul.f32 $1.024000000e+03, v28;
	v22 =	vmin.f32 v22, $1.023000000e+03  }
0xb4: {  	[tilespmem:v25+s18+$0x0] =	vst.idx.add.s32.msk $0xffff, v20;
	v20 =	vand.u32 $0x7FFFFFFF, v62;
	v29 =	vand.u32 $0x7FFFFFFF, v29;
	v22 =	vtrunc.f32 v22  }
0xb5: {  	[tilespmem:v32+s18+$0x0] =	vst.idx.add.s32.msk $0xffff, v12;
	v12 =	vmul.f32 $1.024000000e+03, v20;
	v20 =	vand.u32 $0x7FFFFFFF, v21;
	v21 =	vand.u32 $0x7FFFFFFF, v24  }
0xb6: {  	[tilespmem:v14+s18+$0x0] =	vst.idx.add.s32.msk $0xffff, v6;
	v28 =	vmin.f32 v28, $1.023000000e+03;
	v29 =	vmul.f32 $1.024000000e+03, v29;
	v21 =	vmul.f32 $1.024000000e+03, v21  }
0xb7: {  	[tilespmem:v30+s18+$0x0] =	vst.idx.add.s32.msk $0xffff, v4;
	v25 =	vtrunc.f32 v28;
	v4 =	vmin.f32 v12, $1.023000000e+03;
	v12 =	vmul.f32 $1.024000000e+03, v20  }
0xb8: {  	[tilespmem:v17+s18+$0x0] =	vst.idx.add.s32.msk $0xffff, v3;
	v20 =	vcvt.f32.s32 v22;
	v6 =	vcvt.f32.s32 v25;
	v14 =	vmin.f32 v29, $1.023000000e+03  }
0xb9: {  	[tilespmem:v27+s18+$0x0] =	vst.idx.add.s32.msk $0xffff, v15;
	v3 =	vtrunc.f32 v4;
	v15 =	vmin.f32 v21, $1.023000000e+03;
	v14 =	vtrunc.f32 v14  }
0xba: {  	v12 =	vmin.f32 v12, $1.023000000e+03;
	v4 =	vcvt.f32.s32 v14;
	v14 =	vadd.s32 v1, v20  }
0xbb: {  	[tilespmem:v31+s18+$0x0] =	vst.idx.add.s32.msk $0xffff, v18;
	v3 =	vcvt.f32.s32 v3;
	v6 =	vadd.s32 v1, v6;
	v12 =	vtrunc.f32 v12  }
0xbc: {  	[tilespmem:v11+s18+$0x0] =	vst.idx.add.s32.msk $0xffff, v26;
	v11 =	vcvt.f32.s32 v12;
	v12 =	vtrunc.f32 v15;
	v4 =	vadd.s32 v1, v4  }
0xbd: {  	v9 =	vshll.u32 v9, $0x10;
	[tilespmem:v23+s18+$0x0] =	vst.idx.add.s32.msk $0xffff, v10;
	v3 =	vadd.s32 v1, v3;
	v10 =	vcvt.f32.s32 v12  }
0xbe: {  	v9 =	vor.u32 $0x1, v9;
	[tilespmem:v13+s18+$0x0] =	vst.idx.add.s32.msk $0xffff, v2;
	v12 =	vshll.u32 v16, $0x10;
	v2 =	vadd.s32 v1, v11  }
0xbf: {  	v11 =	vshll.u32 v19, $0x10;
	v12 =	vor.u32 $0x1, v12;
	v10 =	vadd.s32 v1, v10;
	[tilespmem:v14+s18+$0x0] =	vst.idx.add.s32.msk $0xffff, v9  }
0xc0: {  	v7 =	vshll.u32 v7, $0x10;
	v9 =	vor.u32 $0x1, v11;
	[tilespmem:v6+s18+$0x0] =	vst.idx.add.s32.msk $0xffff, v12  }
0xc1: {  	v6 =	vor.u32 $0x1, v7;
	[tilespmem:v4+s18+$0x0] =	vst.idx.add.s32.msk $0xffff, v9  }
0xc2: {  	v4 =	vshll.u32 v5, $0x10;
	v5 =	vor.u32 $0x1, v8;
	[tilespmem:v3+s18+$0x0] =	vst.idx.add.s32.msk $0xffff, v6  }
0xc3: {  	v3 =	vor.u32 $0x1, v4;
	[tilespmem:v2+s18+$0x0] =	vst.idx.add.s32.msk $0xffff, v5  }
0xc4: {  	s23 =	simm.s32 $0x0;
	[tilespmem:v10+s18+$0x0] =	vst.idx.add.s32.msk $0xffff, v3  }
0xc5: {  	[tilespmem:s23], [sflag:$0x1] =	stream.linear.gather [hbm4b:s7+s23], $0x4000, $0x38;
	[tilespmem:$0x14000] =	vst v63  }
0xc6: {  	_ = 	snop  }
0xc7: {  	[tilespmem:s13], [sflag:$0x2] =	stream.linear.gather [hbm4b:s8+s23], $0x4000, $0x38;
	[tilespmem:$0x14000] =	vst v63  }
0xc8: {  	_ =	swait.ge [sflag:s19], $0x4000  }
0xc9: {  	[sflag:s19] =	ssyncset.done $0x0  }
0xca: {  	s31 =	simm.s32 $0x0;
	s26 =	simm.s32 $0x0;
	[sflag:s19] =	ssyncadd.s32 $0xFFFFC000  }
0xcb: {  	s25 =	sand.u32 $0x800, s23;
	s24 =	sand.u32 $0x380, s31;
	_ =	swait.ge [sflag:s20], $0x4000  }
0xcc: {  	s26 =	sand.u32 $0x3000, s26;
	s24 =	sor.u32 s25, s24;
	[sflag:s20] =	ssyncset.done $0x0  }
0xcd: {  	s24 =	sor.u32 s24, s26;
	[sflag:s20] =	ssyncadd.s32 $0xFFFFC000  }
0xce: {  	v2 =	vld [tilespmem:s24+$0x4410]  }
0xcf: {  	v3 =	vld [tilespmem:s24+$0xC410]  }
0xd0: {  	v5 =	vld [tilespmem:s24+$0x4030]  }
0xd1: {  	v6 =	vld [tilespmem:s24+$0x4020]  }
0xd2: {  	v8 =	vld [tilespmem:s24+$0xC030]  }
0xd3: {  	v10 =	vld [tilespmem:s24+$0xC020]  }
0xd4: {  	v11 =	vld [tilespmem:s24+$0xC010]  }
0xd5: {  	v7 =	vld [tilespmem:s24+$0xC040]  }
0xd6: {  	v14 =	vld [tilespmem:s24+$0xC000]  }
0xd7: {  	v12 =	vld [tilespmem:s24+$0x4010];
	v9 =	vcvt.s32.f32 v3;
	v3 =	vshll.u32 v3, $0x10  }
0xd8: {  	v4 =	vld [tilespmem:s24+$0x4040];
	v15 =	vcvt.s32.f32 v8;
	v8 =	vshll.u32 v8, $0x10;
	v16 =	vcvt.s32.f32 v10  }
0xd9: {  	v13 =	vld [tilespmem:s24+$0x4000];
	v18 =	vcvt.s32.f32 v11;
	v10 =	vshll.u32 v10, $0x10;
	v9 =	vsub.f32 v9, v2  }
0xda: {  	v2 =	vor.u32 $0x1, v3;
	v3 =	vcvt.s32.f32 v7;
	v7 =	vshll.u32 v7, $0x10  }
0xdb: {  	v5 =	vsub.f32 v15, v5;
	v15 =	vcvt.s32.f32 v14;
	v16 =	vsub.f32 v16, v6  }
0xdc: {  	v18 =	vsub.f32 v18, v12;
	v6 =	vor.u32 $0x1, v10;
	v12 =	vshll.u32 v11, $0x10  }
0xdd: {  	v9 =	vand.u32 $0x7FFFFFFF, v9;
	v17 =	vsub.f32 v3, v4;
	v3 =	vor.u32 $0x1, v7  }
0xde: {  	v19 =	vld [tilespmem:s24+$0xC060];
	v5 =	vand.u32 $0x7FFFFFFF, v5;
	v10 =	vsub.f32 v15, v13;
	v11 =	vand.u32 $0x7FFFFFFF, v16  }
0xdf: {  	v20 =	vld [tilespmem:s24+$0x4050];
	v13 =	vand.u32 $0x7FFFFFFF, v18;
	v9 =	vmul.f32 $1.024000000e+03, v9;
	v11 =	vmul.f32 $1.024000000e+03, v11  }
0xe0: {  	v4 =	vor.u32 $0x1, v8;
	v8 =	vld [tilespmem:s24+$0xC070];
	v18 =	vmul.f32 $1.024000000e+03, v13;
	v5 =	vmul.f32 $1.024000000e+03, v5  }
0xe1: {  	v7 =	vld [tilespmem:s24+$0xC050];
	v22 =	vand.u32 $0x7FFFFFFF, v10;
	v17 =	vand.u32 $0x7FFFFFFF, v17;
	v9 =	vmin.f32 v9, $1.023000000e+03  }
0xe2: {  	v21 =	vld [tilespmem:s24+$0x4060];
	v11 =	vmin.f32 v11, $1.023000000e+03;
	v17 =	vmul.f32 $1.024000000e+03, v17;
	v5 =	vmin.f32 v5, $1.023000000e+03  }
0xe3: {  	v16 =	vld [tilespmem:s24+$0x4070];
	v13 =	vtrunc.f32 v9;
	v9 =	vmul.f32 $1.024000000e+03, v22;
	v22 =	vmin.f32 v18, $1.023000000e+03  }
0xe4: {  	v10 =	vld [tilespmem:s24+$0xC400];
	v18 =	vshll.u32 v19, $0x10;
	v11 =	vtrunc.f32 v11;
	v19 =	vcvt.s32.f32 v19  }
0xe5: {  	v25 =	vtrunc.f32 v5;
	v23 =	vcvt.s32.f32 v8  }
0xe6: {  	v24 =	vld [tilespmem:s24+$0x4400];
	v15 =	vshll.u32 v7, $0x10;
	v7 =	vcvt.s32.f32 v7;
	v11 =	vcvt.f32.s32 v11  }
0xe7: {  	v29 =	vtrunc.f32 v22;
	v30 =	vcvt.f32.s32 v25;
	v5 =	vsub.f32 v19, v21  }
0xe8: {  	v16 =	vsub.f32 v23, v16;
	v7 =	vsub.f32 v7, v20;
	v20 =	vshll.u32 v14, $0x10  }
0xe9: {  	v19 =	vcvt.s32.f32 v10;
	v14 =	vadd.s32 v1, v11;
	v11 =	vmin.f32 v17, $1.023000000e+03  }
0xea: {  	v28 =	vld [tilespmem:s24+$0xC460];
	v26 =	vshll.u32 v8, $0x10;
	v32 =	vcvt.f32.s32 v29;
	v17 =	vtrunc.f32 v11  }
0xeb: {  	v22 =	vld [tilespmem:s24+$0x4420];
	v7 =	vand.u32 $0x7FFFFFFF, v7;
	v16 =	vand.u32 $0x7FFFFFFF, v16;
	v19 =	vsub.f32 v19, v24  }
0xec: {  	v9 =	vmin.f32 v9, $1.023000000e+03;
	v29 =	vld [tilespmem:s24+$0x4430];
	v11 =	vmul.f32 $1.024000000e+03, v7;
	v16 =	vmul.f32 $1.024000000e+03, v16  }
0xed: {  	v21 =	vtrunc.f32 v9;
	v24 =	vand.u32 $0x7FFFFFFF, v5;
	v5 =	vld [tilespmem:s24+$0xC470];
	v23 =	vand.u32 $0x7FFFFFFF, v19  }
0xee: {  	v9 =	vld [tilespmem:s24+$0xC420];
	v27 =	vmin.f32 v11, $1.023000000e+03;
	v11 =	vmul.f32 $1.024000000e+03, v24;
	v19 =	vmin.f32 v16, $1.023000000e+03  }
0xef: {  	v20 =	vor.u32 $0x1, v20;
	v31 =	vcvt.f32.s32 v21;
	v7 =	vld [tilespmem:s24+$0xC450];
	v8 =	vtrunc.f32 v19  }
0xf0: {  	v21 =	vcvt.s32.f32 v28;
	v16 =	vld [tilespmem:s24+$0xC430];
	v11 =	vmin.f32 v11, $1.023000000e+03;
	v63 =	vcvt.f32.s32 v8  }
0xf1: {  	v25 =	vadd.s32 v1, v31;
	v24 =	vld [tilespmem:s24+$0x4470];
	v8 =	vshll.u32 v28, $0x10;
	v11 =	vtrunc.f32 v11  }
0xf2: {  	s25 =	simm.s32 $0x1;
	v19 =	vld [tilespmem:s24+$0xC440];
	v28 =	vcvt.s32.f32 v5;
	v31 =	vcvt.f32.s32 v11;
	v11 =	vadd.s32 v1, v63  }
.LBB2_6:
0xf3: {  	p0 =	sne.s32 s25, $0x3F  }
0xf4: {  	v33 =	vld [tilespmem:s24+$0x4460];
	v32 =	vadd.s32 v1, v32;
	v12 =	vor.u32 $0x1, v12;
	v30 =	vadd.s32 v1, v30;
	s23 =	sadd.s32 $0x800, s23;
	s26 =	smov.u32 s25;
	s25 =	sadd.s32 $0x1, s25  }
0xf5: {  	v27 =	vtrunc.f32 v27;
	v15 =	vor.u32 $0x1, v15;
	v18 =	vor.u32 $0x1, v18;
	v34 =	vld [tilespmem:s24+$0x4440]  }
0xf6: {  	v37 =	vcvt.s32.f32 v7;
	v31 =	vadd.s32 v1, v31;
	v36 =	vcvt.s32.f32 v16;
	v35 =	vld [tilespmem:s24+$0x4450]  }
0xf7: {  	v26 =	vor.u32 $0x1, v26;
	v13 =	vcvt.f32.s32 v13;
	v38 =	vshll.u32 v19, $0x10;
	[tilespmem:v25+s18+$0x0] =	vst.idx.add.s32.msk $0xffff, v20  }
0xf8: {  	v20 =	vcvt.f32.s32 v27;
	v25 =	vcvt.s32.f32 v9;
	v27 =	vsub.f32 v36, v29  }
0xf9: {  	v23 =	vmul.f32 $1.024000000e+03, v23;
	v10 =	vshll.u32 v10, $0x10;
	v19 =	vcvt.s32.f32 v19;
	[tilespmem:v32+s18+$0x0] =	vst.idx.add.s32.msk $0xffff, v12  }
0xfa: {  	v10 =	vor.u32 $0x1, v10;
	v12 =	vadd.s32 v1, v13;
	v13 =	vsub.f32 v28, v24;
	[tilespmem:v14+s18+$0x0] =	vst.idx.add.s32.msk $0xffff, v6  }
0xfb: {  	v6 =	vmin.f32 v23, $1.023000000e+03;
	v14 =	vsub.f32 v25, v22;
	v22 =	vand.u32 $0x7FFFFFFF, v27;
	[tilespmem:v30+s18+$0x0] =	vst.idx.add.s32.msk $0xffff, v4  }
0xfc: {  	v16 =	vshll.u32 v16, $0x10;
	v4 =	vadd.s32 v1, v20;
	v6 =	vtrunc.f32 v6  }
0xfd: {  	v17 =	vcvt.f32.s32 v17;
	v19 =	vsub.f32 v19, v34;
	v6 =	vcvt.f32.s32 v6  }
0xfe: {  	v20 =	vmul.f32 $1.024000000e+03, v22;
	v22 =	vsub.f32 v37, v35;
	v14 =	vand.u32 $0x7FFFFFFF, v14  }
0xff: {  	v21 =	vsub.f32 v21, v33;
	v19 =	vand.u32 $0x7FFFFFFF, v19;
	v6 =	vadd.s32 v1, v6  }
0x100: {  	v14 =	vmul.f32 $1.024000000e+03, v14;
	v20 =	vmin.f32 v20, $1.023000000e+03;
	v22 =	vand.u32 $0x7FFFFFFF, v22  }
0x101: {  	v17 =	vadd.s32 v1, v17;
	v9 =	vshll.u32 v9, $0x10;
	v19 =	vmul.f32 $1.024000000e+03, v19  }
0x102: {  	v9 =	vor.u32 $0x1, v9;
	v20 =	vtrunc.f32 v20;
	v14 =	vmin.f32 v14, $1.023000000e+03  }
0x103: {  	v21 =	vand.u32 $0x7FFFFFFF, v21;
	v22 =	vmul.f32 $1.024000000e+03, v22;
	v14 =	vtrunc.f32 v14  }
0x104: {  	v13 =	vand.u32 $0x7FFFFFFF, v13;
	v20 =	vcvt.f32.s32 v20;
	v19 =	vmin.f32 v19, $1.023000000e+03  }
0x105: {  	v16 =	vor.u32 $0x1, v16;
	v13 =	vmul.f32 $1.024000000e+03, v13;
	v22 =	vmin.f32 v22, $1.023000000e+03  }
0x106: {  	v21 =	vmul.f32 $1.024000000e+03, v21;
	v19 =	vtrunc.f32 v19;
	v20 =	vadd.s32 v1, v20;
	[tilespmem:v17+s18+$0x0] =	vst.idx.add.s32.msk $0xffff, v3  }
0x107: {  	v13 =	vmin.f32 v13, $1.023000000e+03;
	v3 =	vcvt.f32.s32 v14;
	v14 =	vtrunc.f32 v22;
	[tilespmem:v4+s18+$0x0] =	vst.idx.add.s32.msk $0xffff, v15  }
0x108: {  	v4 =	vcvt.f32.s32 v19;
	v14 =	vcvt.f32.s32 v14;
	v15 =	vmin.f32 v21, $1.023000000e+03;
	[tilespmem:v31+s18+$0x0] =	vst.idx.add.s32.msk $0xffff, v18  }
0x109: {  	v17 =	vor.u32 $0x1, v38;
	v3 =	vadd.s32 v1, v3;
	v15 =	vtrunc.f32 v15;
	[tilespmem:v11+s18+$0x0] =	vst.idx.add.s32.msk $0xffff, v26  }
0x10a: {  	v13 =	vtrunc.f32 v13;
	v11 =	vadd.s32 v1, v14;
	v14 =	vcvt.f32.s32 v15;
	[tilespmem:v6+s18+$0x0] =	vst.idx.add.s32.msk $0xffff, v10  }
0x10b: {  	v5 =	vshll.u32 v5, $0x10;
	v4 =	vadd.s32 v1, v4;
	v6 =	vcvt.f32.s32 v13;
	[tilespmem:v12+s18+$0x0] =	vst.idx.add.s32.msk $0xffff, v2  }
0x10c: {  	v2 =	vadd.s32 v1, v14  }
0x10d: {  	v7 =	vshll.u32 v7, $0x10;
	v6 =	vadd.s32 v1, v6  }
0x10e: {  	v7 =	vor.u32 $0x1, v7;
	[tilespmem:v3+s18+$0x0] =	vst.idx.add.s32.msk $0xffff, v9  }
0x10f: {  	[tilespmem:v20+s18+$0x0] =	vst.idx.add.s32.msk $0xffff, v16  }
0x110: {  	s24 =	sshll.u32 s26, $0x6;
	v3 =	vor.u32 $0x1, v8;
	[tilespmem:v4+s18+$0x0] =	vst.idx.add.s32.msk $0xffff, v17  }
0x111: {  	s28 =	sand.u32 $0x800, s23;
	s26 =	sshll.u32 s26, $0x8;
	s24 =	sand.u32 $0x380, s24;
	v4 =	vor.u32 $0x1, v5;
	[tilespmem:v11+s18+$0x0] =	vst.idx.add.s32.msk $0xffff, v7  }
0x112: {  	s26 =	sand.u32 $0x3000, s26;
	s24 =	sor.u32 s28, s24;
	[tilespmem:v2+s18+$0x0] =	vst.idx.add.s32.msk $0xffff, v3  }
0x113: {  	s24 =	sor.u32 s24, s26;
	[tilespmem:v6+s18+$0x0] =	vst.idx.add.s32.msk $0xffff, v4  }
0x114: {  	v2 =	vld [tilespmem:s24+$0x4410]  }
0x115: {  	v3 =	vld [tilespmem:s24+$0xC410]  }
0x116: {  	v4 =	vld [tilespmem:s24+$0x4040]  }
0x117: {  	v5 =	vld [tilespmem:s24+$0x4030]  }
0x118: {  	v6 =	vld [tilespmem:s24+$0x4020]  }
0x119: {  	v7 =	vld [tilespmem:s24+$0xC040]  }
0x11a: {  	v8 =	vld [tilespmem:s24+$0xC030];
	v9 =	vcvt.s32.f32 v3;
	v3 =	vshll.u32 v3, $0x10  }
0x11b: {  	v10 =	vld [tilespmem:s24+$0xC020]  }
0x11c: {  	v11 =	vld [tilespmem:s24+$0xC010];
	v9 =	vsub.f32 v9, v2  }
0x11d: {  	v2 =	vor.u32 $0x1, v3;
	v14 =	vld [tilespmem:s24+$0xC000]  }
0x11e: {  	v12 =	vld [tilespmem:s24+$0x4010];
	v3 =	vcvt.s32.f32 v7;
	v7 =	vshll.u32 v7, $0x10;
	v9 =	vand.u32 $0x7FFFFFFF, v9  }
0x11f: {  	v13 =	vld [tilespmem:s24+$0x4000];
	v15 =	vcvt.s32.f32 v8;
	v8 =	vshll.u32 v8, $0x10;
	v9 =	vmul.f32 $1.024000000e+03, v9  }
0x120: {  	v16 =	vcvt.s32.f32 v10;
	v17 =	vsub.f32 v3, v4;
	v3 =	vor.u32 $0x1, v7  }
0x121: {  	v10 =	vshll.u32 v10, $0x10;
	v7 =	vld [tilespmem:s24+$0xC050];
	v18 =	vcvt.s32.f32 v11;
	v5 =	vsub.f32 v15, v5  }
0x122: {  	v4 =	vor.u32 $0x1, v8;
	v19 =	vld [tilespmem:s24+$0x4070];
	v15 =	vcvt.s32.f32 v14;
	v16 =	vsub.f32 v16, v6  }
0x123: {  	v6 =	vor.u32 $0x1, v10;
	v8 =	vld [tilespmem:s24+$0xC070];
	v18 =	vsub.f32 v18, v12;
	v5 =	vand.u32 $0x7FFFFFFF, v5  }
0x124: {  	v12 =	vshll.u32 v11, $0x10;
	v20 =	vld [tilespmem:s24+$0xC060];
	v10 =	vsub.f32 v15, v13;
	v11 =	vand.u32 $0x7FFFFFFF, v16  }
0x125: {  	v9 =	vmin.f32 v9, $1.023000000e+03;
	v16 =	vld [tilespmem:s24+$0x4050];
	v13 =	vand.u32 $0x7FFFFFFF, v18;
	v11 =	vmul.f32 $1.024000000e+03, v11  }
0x126: {  	v5 =	vmul.f32 $1.024000000e+03, v5;
	v21 =	vld [tilespmem:s24+$0x4060];
	v18 =	vmul.f32 $1.024000000e+03, v13;
	v15 =	vshll.u32 v7, $0x10  }
0x127: {  	v22 =	vand.u32 $0x7FFFFFFF, v10;
	v13 =	vtrunc.f32 v9;
	v11 =	vmin.f32 v11, $1.023000000e+03  }
0x128: {  	v9 =	vmul.f32 $1.024000000e+03, v22;
	v10 =	vld [tilespmem:s24+$0xC400];
	v22 =	vmin.f32 v18, $1.023000000e+03;
	v23 =	vcvt.s32.f32 v8  }
0x129: {  	v17 =	vand.u32 $0x7FFFFFFF, v17;
	v7 =	vcvt.s32.f32 v7;
	v18 =	vshll.u32 v20, $0x10  }
0x12a: {  	v11 =	vtrunc.f32 v11;
	v20 =	vcvt.s32.f32 v20;
	v24 =	vld [tilespmem:s24+$0x4400];
	v19 =	vsub.f32 v23, v19  }
0x12b: {  	v17 =	vmul.f32 $1.024000000e+03, v17;
	v11 =	vcvt.f32.s32 v11;
	v7 =	vsub.f32 v7, v16  }
0x12c: {  	v5 =	vmin.f32 v5, $1.023000000e+03;
	v9 =	vmin.f32 v9, $1.023000000e+03;
	v16 =	vshll.u32 v14, $0x10  }
0x12d: {  	v25 =	vtrunc.f32 v5;
	v5 =	vsub.f32 v20, v21;
	v20 =	vcvt.s32.f32 v10  }
0x12e: {  	v21 =	vtrunc.f32 v9;
	v7 =	vand.u32 $0x7FFFFFFF, v7;
	v19 =	vand.u32 $0x7FFFFFFF, v19  }
0x12f: {  	v14 =	vadd.s32 v1, v11;
	v11 =	vmin.f32 v17, $1.023000000e+03;
	v9 =	vld [tilespmem:s24+$0xC420];
	v23 =	vsub.f32 v20, v24  }
0x130: {  	v17 =	vtrunc.f32 v11;
	v11 =	vmul.f32 $1.024000000e+03, v7;
	v24 =	vand.u32 $0x7FFFFFFF, v5;
	v28 =	vld [tilespmem:s24+$0xC460]  }
0x131: {  	v20 =	vor.u32 $0x1, v16;
	v16 =	vmul.f32 $1.024000000e+03, v19;
	v5 =	vld [tilespmem:s24+$0xC470];
	v23 =	vand.u32 $0x7FFFFFFF, v23  }
0x132: {  	v29 =	vtrunc.f32 v22;
	v27 =	vmin.f32 v11, $1.023000000e+03;
	v11 =	vmul.f32 $1.024000000e+03, v24;
	v7 =	vld [tilespmem:s24+$0xC450]  }
.Ltmp2:
0x133: {  	v26 =	vshll.u32 v8, $0x10;
	v31 =	vcvt.f32.s32 v21;
	v19 =	vmin.f32 v16, $1.023000000e+03;
	v22 =	vld [tilespmem:s24+$0x4420];
	(pc) =	sbr.rel @p0 .LBB2_6-.Ltmp2, $4  }
0x134: {  	v30 =	vcvt.f32.s32 v25;
	v11 =	vmin.f32 v11, $1.023000000e+03;
	v8 =	vtrunc.f32 v19;
	v16 =	vld [tilespmem:s24+$0xC430]  }
0x135: {  	v33 =	vcvt.f32.s32 v8;
	v24 =	vld [tilespmem:s24+$0x4470];
	v21 =	vcvt.s32.f32 v28;
	v8 =	vshll.u32 v28, $0x10  }
0x136: {  	v32 =	vcvt.f32.s32 v29;
	v25 =	vadd.s32 v1, v31;
	v11 =	vtrunc.f32 v11;
	v19 =	vld [tilespmem:s24+$0xC440]  }
0x137: {  	v31 =	vcvt.f32.s32 v11;
	v11 =	vadd.s32 v1, v33;
	v28 =	vcvt.s32.f32 v5;
	v29 =	vld [tilespmem:s24+$0x4430]  }
0x138: {  	v32 =	vadd.s32 v1, v32;
	v12 =	vor.u32 $0x1, v12;
	v30 =	vadd.s32 v1, v30  }
0x139: {  	v27 =	vtrunc.f32 v27;
	v15 =	vor.u32 $0x1, v15;
	v18 =	vor.u32 $0x1, v18  }
0x13a: {  	v34 =	vcvt.s32.f32 v7;
	v26 =	vor.u32 $0x1, v26;
	v13 =	vcvt.f32.s32 v13  }
0x13b: {  	v35 =	vld [tilespmem:s24+$0x4440];
	v36 =	vcvt.s32.f32 v9;
	v23 =	vmul.f32 $1.024000000e+03, v23;
	v10 =	vshll.u32 v10, $0x10  }
0x13c: {  	v37 =	vld [tilespmem:s24+$0x4450];
	v17 =	vcvt.f32.s32 v17;
	v31 =	vadd.s32 v1, v31;
	v33 =	vcvt.s32.f32 v16  }
0x13d: {  	v38 =	vld [tilespmem:s24+$0x4460];
	v27 =	vcvt.f32.s32 v27;
	v10 =	vor.u32 $0x1, v10;
	v13 =	vadd.s32 v1, v13  }
0x13e: {  	v24 =	vsub.f32 v28, v24;
	v23 =	vmin.f32 v23, $1.023000000e+03;
	v22 =	vsub.f32 v36, v22  }
0x13f: {  	v17 =	vadd.s32 v1, v17;
	v61 =	vcvt.s32.f32 v19;
	v23 =	vtrunc.f32 v23  }
0x140: {  	v27 =	vadd.s32 v1, v27;
	v29 =	vsub.f32 v33, v29;
	v22 =	vand.u32 $0x7FFFFFFF, v22  }
0x141: {  	v23 =	vcvt.f32.s32 v23;
	v62 =	vsub.f32 v34, v37;
	v22 =	vmul.f32 $1.024000000e+03, v22  }
0x142: {  	v21 =	vsub.f32 v21, v38;
	v28 =	vand.u32 $0x7FFFFFFF, v29;
	v29 =	vsub.f32 v61, v35  }
0x143: {  	v23 =	vadd.s32 v1, v23;
	v28 =	vmul.f32 $1.024000000e+03, v28;
	v22 =	vmin.f32 v22, $1.023000000e+03  }
0x144: {  	[tilespmem:v25+s18+$0x0] =	vst.idx.add.s32.msk $0xffff, v20;
	v20 =	vand.u32 $0x7FFFFFFF, v62;
	v29 =	vand.u32 $0x7FFFFFFF, v29;
	v22 =	vtrunc.f32 v22  }
0x145: {  	[tilespmem:v32+s18+$0x0] =	vst.idx.add.s32.msk $0xffff, v12;
	v12 =	vmul.f32 $1.024000000e+03, v20;
	v20 =	vand.u32 $0x7FFFFFFF, v21;
	v21 =	vand.u32 $0x7FFFFFFF, v24  }
0x146: {  	[tilespmem:v14+s18+$0x0] =	vst.idx.add.s32.msk $0xffff, v6;
	v28 =	vmin.f32 v28, $1.023000000e+03;
	v29 =	vmul.f32 $1.024000000e+03, v29;
	v21 =	vmul.f32 $1.024000000e+03, v21  }
0x147: {  	[tilespmem:v30+s18+$0x0] =	vst.idx.add.s32.msk $0xffff, v4;
	v25 =	vtrunc.f32 v28;
	v4 =	vmin.f32 v12, $1.023000000e+03;
	v12 =	vmul.f32 $1.024000000e+03, v20  }
0x148: {  	[tilespmem:v17+s18+$0x0] =	vst.idx.add.s32.msk $0xffff, v3;
	v20 =	vcvt.f32.s32 v22;
	v6 =	vcvt.f32.s32 v25;
	v14 =	vmin.f32 v29, $1.023000000e+03  }
0x149: {  	[tilespmem:v27+s18+$0x0] =	vst.idx.add.s32.msk $0xffff, v15;
	v3 =	vtrunc.f32 v4;
	v15 =	vmin.f32 v21, $1.023000000e+03;
	v14 =	vtrunc.f32 v14  }
0x14a: {  	v12 =	vmin.f32 v12, $1.023000000e+03;
	v4 =	vcvt.f32.s32 v14;
	v14 =	vadd.s32 v1, v20  }
0x14b: {  	[tilespmem:v31+s18+$0x0] =	vst.idx.add.s32.msk $0xffff, v18;
	v3 =	vcvt.f32.s32 v3;
	v6 =	vadd.s32 v1, v6;
	v12 =	vtrunc.f32 v12  }
0x14c: {  	[tilespmem:v11+s18+$0x0] =	vst.idx.add.s32.msk $0xffff, v26;
	v11 =	vcvt.f32.s32 v12;
	v12 =	vtrunc.f32 v15;
	v4 =	vadd.s32 v1, v4  }
0x14d: {  	v9 =	vshll.u32 v9, $0x10;
	[tilespmem:v23+s18+$0x0] =	vst.idx.add.s32.msk $0xffff, v10;
	v3 =	vadd.s32 v1, v3;
	v10 =	vcvt.f32.s32 v12  }
0x14e: {  	v9 =	vor.u32 $0x1, v9;
	[tilespmem:v13+s18+$0x0] =	vst.idx.add.s32.msk $0xffff, v2;
	v12 =	vshll.u32 v16, $0x10;
	v2 =	vadd.s32 v1, v11  }
0x14f: {  	v11 =	vshll.u32 v19, $0x10;
	v12 =	vor.u32 $0x1, v12;
	v10 =	vadd.s32 v1, v10;
	[tilespmem:v14+s18+$0x0] =	vst.idx.add.s32.msk $0xffff, v9  }
0x150: {  	v7 =	vshll.u32 v7, $0x10;
	v9 =	vor.u32 $0x1, v11;
	[tilespmem:v6+s18+$0x0] =	vst.idx.add.s32.msk $0xffff, v12  }
0x151: {  	v6 =	vor.u32 $0x1, v7;
	[tilespmem:v4+s18+$0x0] =	vst.idx.add.s32.msk $0xffff, v9  }
0x152: {  	v4 =	vshll.u32 v5, $0x10;
	v5 =	vor.u32 $0x1, v8;
	[tilespmem:v3+s18+$0x0] =	vst.idx.add.s32.msk $0xffff, v6  }
0x153: {  	v3 =	vor.u32 $0x1, v4;
	[tilespmem:v2+s18+$0x0] =	vst.idx.add.s32.msk $0xffff, v5  }
0x154: {  	s23 =	simm.s32 $0x0;
	[tilespmem:v10+s18+$0x0] =	vst.idx.add.s32.msk $0xffff, v3  }
0x155: {  	[tilespmem:s14], [sflag:$0x3] =	stream.linear.gather [hbm4b:s9+s23], $0x4000, $0x38;
	[tilespmem:$0x14000] =	vst v63  }
0x156: {  	_ = 	snop  }
0x157: {  	[tilespmem:s15], [sflag:$0x4] =	stream.linear.gather [hbm4b:s10+s23], $0x4000, $0x38;
	[tilespmem:$0x14000] =	vst v63  }
0x158: {  	_ =	swait.ge [sflag:s16], $0x4000  }
0x159: {  	[sflag:s16] =	ssyncset.done $0x0  }
0x15a: {  	s30 =	simm.s32 $0x0;
	s26 =	simm.s32 $0x0;
	[sflag:s16] =	ssyncadd.s32 $0xFFFFC000  }
0x15b: {  	s25 =	sand.u32 $0x800, s23;
	s24 =	sand.u32 $0x3000, s30;
	_ =	swait.ge [sflag:s17], $0x4000  }
0x15c: {  	s31 =	sand.u32 $0x380, s26;
	s24 =	sor.u32 s25, s24;
	[sflag:s17] =	ssyncset.done $0x0  }
0x15d: {  	s24 =	sor.u32 s31, s24;
	[sflag:s17] =	ssyncadd.s32 $0xFFFFC000  }
0x15e: {  	v2 =	vld [tilespmem:s24+$0x410]  }
0x15f: {  	v3 =	vld [tilespmem:s24+$0x8410]  }
0x160: {  	v5 =	vld [tilespmem:s24+$0x30]  }
0x161: {  	v6 =	vld [tilespmem:s24+$0x20]  }
0x162: {  	v8 =	vld [tilespmem:s24+$0x8030]  }
0x163: {  	v10 =	vld [tilespmem:s24+$0x8020]  }
0x164: {  	v11 =	vld [tilespmem:s24+$0x8010]  }
0x165: {  	v7 =	vld [tilespmem:s24+$0x8040]  }
0x166: {  	v14 =	vld [tilespmem:s24+$0x8000]  }
0x167: {  	v12 =	vld [tilespmem:s24+$0x10];
	v9 =	vcvt.s32.f32 v3;
	v3 =	vshll.u32 v3, $0x10  }
0x168: {  	v4 =	vld [tilespmem:s24+$0x40];
	v15 =	vcvt.s32.f32 v8;
	v8 =	vshll.u32 v8, $0x10;
	v16 =	vcvt.s32.f32 v10  }
0x169: {  	v13 =	vld [tilespmem:s24+$0x0];
	v18 =	vcvt.s32.f32 v11;
	v10 =	vshll.u32 v10, $0x10;
	v9 =	vsub.f32 v9, v2  }
0x16a: {  	v2 =	vor.u32 $0x1, v3;
	v3 =	vcvt.s32.f32 v7;
	v7 =	vshll.u32 v7, $0x10  }
0x16b: {  	v5 =	vsub.f32 v15, v5;
	v15 =	vcvt.s32.f32 v14;
	v16 =	vsub.f32 v16, v6  }
0x16c: {  	v18 =	vsub.f32 v18, v12;
	v6 =	vor.u32 $0x1, v10;
	v12 =	vshll.u32 v11, $0x10  }
0x16d: {  	v9 =	vand.u32 $0x7FFFFFFF, v9;
	v17 =	vsub.f32 v3, v4;
	v3 =	vor.u32 $0x1, v7  }
0x16e: {  	v19 =	vld [tilespmem:s24+$0x8060];
	v5 =	vand.u32 $0x7FFFFFFF, v5;
	v10 =	vsub.f32 v15, v13;
	v11 =	vand.u32 $0x7FFFFFFF, v16  }
0x16f: {  	v20 =	vld [tilespmem:s24+$0x50];
	v13 =	vand.u32 $0x7FFFFFFF, v18;
	v9 =	vmul.f32 $1.024000000e+03, v9;
	v11 =	vmul.f32 $1.024000000e+03, v11  }
0x170: {  	v4 =	vor.u32 $0x1, v8;
	v8 =	vld [tilespmem:s24+$0x8070];
	v18 =	vmul.f32 $1.024000000e+03, v13;
	v5 =	vmul.f32 $1.024000000e+03, v5  }
0x171: {  	v7 =	vld [tilespmem:s24+$0x8050];
	v22 =	vand.u32 $0x7FFFFFFF, v10;
	v17 =	vand.u32 $0x7FFFFFFF, v17;
	v9 =	vmin.f32 v9, $1.023000000e+03  }
0x172: {  	v21 =	vld [tilespmem:s24+$0x60];
	v11 =	vmin.f32 v11, $1.023000000e+03;
	v17 =	vmul.f32 $1.024000000e+03, v17;
	v5 =	vmin.f32 v5, $1.023000000e+03  }
0x173: {  	v16 =	vld [tilespmem:s24+$0x70];
	v13 =	vtrunc.f32 v9;
	v9 =	vmul.f32 $1.024000000e+03, v22;
	v22 =	vmin.f32 v18, $1.023000000e+03  }
0x174: {  	v10 =	vld [tilespmem:s24+$0x8400];
	v18 =	vshll.u32 v19, $0x10;
	v11 =	vtrunc.f32 v11;
	v19 =	vcvt.s32.f32 v19  }
0x175: {  	v25 =	vtrunc.f32 v5;
	v23 =	vcvt.s32.f32 v8  }
0x176: {  	v24 =	vld [tilespmem:s24+$0x400];
	v15 =	vshll.u32 v7, $0x10;
	v7 =	vcvt.s32.f32 v7;
	v11 =	vcvt.f32.s32 v11  }
0x177: {  	v29 =	vtrunc.f32 v22;
	v30 =	vcvt.f32.s32 v25;
	v5 =	vsub.f32 v19, v21  }
0x178: {  	v16 =	vsub.f32 v23, v16;
	v7 =	vsub.f32 v7, v20;
	v20 =	vshll.u32 v14, $0x10  }
0x179: {  	v19 =	vcvt.s32.f32 v10;
	v14 =	vadd.s32 v1, v11;
	v11 =	vmin.f32 v17, $1.023000000e+03  }
0x17a: {  	v28 =	vld [tilespmem:s24+$0x8460];
	v26 =	vshll.u32 v8, $0x10;
	v32 =	vcvt.f32.s32 v29;
	v17 =	vtrunc.f32 v11  }
0x17b: {  	v22 =	vld [tilespmem:s24+$0x420];
	v7 =	vand.u32 $0x7FFFFFFF, v7;
	v16 =	vand.u32 $0x7FFFFFFF, v16;
	v19 =	vsub.f32 v19, v24  }
0x17c: {  	v9 =	vmin.f32 v9, $1.023000000e+03;
	v29 =	vld [tilespmem:s24+$0x430];
	v11 =	vmul.f32 $1.024000000e+03, v7;
	v16 =	vmul.f32 $1.024000000e+03, v16  }
0x17d: {  	v21 =	vtrunc.f32 v9;
	v24 =	vand.u32 $0x7FFFFFFF, v5;
	v5 =	vld [tilespmem:s24+$0x8470];
	v23 =	vand.u32 $0x7FFFFFFF, v19  }
0x17e: {  	v9 =	vld [tilespmem:s24+$0x8420];
	v27 =	vmin.f32 v11, $1.023000000e+03;
	v11 =	vmul.f32 $1.024000000e+03, v24;
	v19 =	vmin.f32 v16, $1.023000000e+03  }
0x17f: {  	v20 =	vor.u32 $0x1, v20;
	v31 =	vcvt.f32.s32 v21;
	v7 =	vld [tilespmem:s24+$0x8450];
	v8 =	vtrunc.f32 v19  }
0x180: {  	v21 =	vcvt.s32.f32 v28;
	v16 =	vld [tilespmem:s24+$0x8430];
	v11 =	vmin.f32 v11, $1.023000000e+03;
	v63 =	vcvt.f32.s32 v8  }
0x181: {  	v25 =	vadd.s32 v1, v31;
	v24 =	vld [tilespmem:s24+$0x470];
	v8 =	vshll.u32 v28, $0x10;
	v11 =	vtrunc.f32 v11  }
0x182: {  	s25 =	simm.s32 $0x1;
	v19 =	vld [tilespmem:s24+$0x8440];
	v28 =	vcvt.s32.f32 v5;
	v31 =	vcvt.f32.s32 v11;
	v11 =	vadd.s32 v1, v63  }
.LBB2_8:
0x183: {  	p0 =	sne.s32 s25, $0x3F  }
0x184: {  	v33 =	vld [tilespmem:s24+$0x460];
	v32 =	vadd.s32 v1, v32;
	v12 =	vor.u32 $0x1, v12;
	v30 =	vadd.s32 v1, v30;
	s23 =	sadd.s32 $0x800, s23;
	s26 =	smov.u32 s25;
	s25 =	sadd.s32 $0x1, s25  }
0x185: {  	v27 =	vtrunc.f32 v27;
	v15 =	vor.u32 $0x1, v15;
	v18 =	vor.u32 $0x1, v18;
	v34 =	vld [tilespmem:s24+$0x440]  }
0x186: {  	v37 =	vcvt.s32.f32 v7;
	v31 =	vadd.s32 v1, v31;
	v36 =	vcvt.s32.f32 v16;
	v35 =	vld [tilespmem:s24+$0x450]  }
0x187: {  	v26 =	vor.u32 $0x1, v26;
	v13 =	vcvt.f32.s32 v13;
	v38 =	vshll.u32 v19, $0x10;
	[tilespmem:v25+s18+$0x0] =	vst.idx.add.s32.msk $0xffff, v20  }
0x188: {  	v20 =	vcvt.f32.s32 v27;
	v25 =	vcvt.s32.f32 v9;
	v27 =	vsub.f32 v36, v29  }
0x189: {  	v23 =	vmul.f32 $1.024000000e+03, v23;
	v10 =	vshll.u32 v10, $0x10;
	v19 =	vcvt.s32.f32 v19;
	[tilespmem:v32+s18+$0x0] =	vst.idx.add.s32.msk $0xffff, v12  }
0x18a: {  	v10 =	vor.u32 $0x1, v10;
	v12 =	vadd.s32 v1, v13;
	v13 =	vsub.f32 v28, v24;
	[tilespmem:v14+s18+$0x0] =	vst.idx.add.s32.msk $0xffff, v6  }
0x18b: {  	v6 =	vmin.f32 v23, $1.023000000e+03;
	v14 =	vsub.f32 v25, v22;
	v22 =	vand.u32 $0x7FFFFFFF, v27;
	[tilespmem:v30+s18+$0x0] =	vst.idx.add.s32.msk $0xffff, v4  }
0x18c: {  	v16 =	vshll.u32 v16, $0x10;
	v4 =	vadd.s32 v1, v20;
	v6 =	vtrunc.f32 v6  }
0x18d: {  	v17 =	vcvt.f32.s32 v17;
	v19 =	vsub.f32 v19, v34;
	v6 =	vcvt.f32.s32 v6  }
0x18e: {  	v20 =	vmul.f32 $1.024000000e+03, v22;
	v22 =	vsub.f32 v37, v35;
	v14 =	vand.u32 $0x7FFFFFFF, v14  }
0x18f: {  	v21 =	vsub.f32 v21, v33;
	v19 =	vand.u32 $0x7FFFFFFF, v19;
	v6 =	vadd.s32 v1, v6  }
0x190: {  	v14 =	vmul.f32 $1.024000000e+03, v14;
	v20 =	vmin.f32 v20, $1.023000000e+03;
	v22 =	vand.u32 $0x7FFFFFFF, v22  }
0x191: {  	v17 =	vadd.s32 v1, v17;
	v9 =	vshll.u32 v9, $0x10;
	v19 =	vmul.f32 $1.024000000e+03, v19  }
0x192: {  	v9 =	vor.u32 $0x1, v9;
	v20 =	vtrunc.f32 v20;
	v14 =	vmin.f32 v14, $1.023000000e+03  }
0x193: {  	v21 =	vand.u32 $0x7FFFFFFF, v21;
	v22 =	vmul.f32 $1.024000000e+03, v22;
	v14 =	vtrunc.f32 v14  }
0x194: {  	v13 =	vand.u32 $0x7FFFFFFF, v13;
	v20 =	vcvt.f32.s32 v20;
	v19 =	vmin.f32 v19, $1.023000000e+03  }
0x195: {  	v16 =	vor.u32 $0x1, v16;
	v13 =	vmul.f32 $1.024000000e+03, v13;
	v22 =	vmin.f32 v22, $1.023000000e+03  }
0x196: {  	v21 =	vmul.f32 $1.024000000e+03, v21;
	v19 =	vtrunc.f32 v19;
	v20 =	vadd.s32 v1, v20;
	[tilespmem:v17+s18+$0x0] =	vst.idx.add.s32.msk $0xffff, v3  }
0x197: {  	v13 =	vmin.f32 v13, $1.023000000e+03;
	v3 =	vcvt.f32.s32 v14;
	v14 =	vtrunc.f32 v22;
	[tilespmem:v4+s18+$0x0] =	vst.idx.add.s32.msk $0xffff, v15  }
0x198: {  	v4 =	vcvt.f32.s32 v19;
	v14 =	vcvt.f32.s32 v14;
	v15 =	vmin.f32 v21, $1.023000000e+03;
	[tilespmem:v31+s18+$0x0] =	vst.idx.add.s32.msk $0xffff, v18  }
0x199: {  	v17 =	vor.u32 $0x1, v38;
	v3 =	vadd.s32 v1, v3;
	v15 =	vtrunc.f32 v15;
	[tilespmem:v11+s18+$0x0] =	vst.idx.add.s32.msk $0xffff, v26  }
0x19a: {  	v13 =	vtrunc.f32 v13;
	v11 =	vadd.s32 v1, v14;
	v14 =	vcvt.f32.s32 v15;
	[tilespmem:v6+s18+$0x0] =	vst.idx.add.s32.msk $0xffff, v10  }
0x19b: {  	v5 =	vshll.u32 v5, $0x10;
	v4 =	vadd.s32 v1, v4;
	v6 =	vcvt.f32.s32 v13;
	[tilespmem:v12+s18+$0x0] =	vst.idx.add.s32.msk $0xffff, v2  }
0x19c: {  	v2 =	vadd.s32 v1, v14  }
0x19d: {  	v7 =	vshll.u32 v7, $0x10;
	v6 =	vadd.s32 v1, v6  }
0x19e: {  	v7 =	vor.u32 $0x1, v7;
	[tilespmem:v3+s18+$0x0] =	vst.idx.add.s32.msk $0xffff, v9  }
0x19f: {  	[tilespmem:v20+s18+$0x0] =	vst.idx.add.s32.msk $0xffff, v16  }
0x1a0: {  	s24 =	sshll.u32 s26, $0x8;
	v3 =	vor.u32 $0x1, v8;
	[tilespmem:v4+s18+$0x0] =	vst.idx.add.s32.msk $0xffff, v17  }
0x1a1: {  	s28 =	sand.u32 $0x800, s23;
	s26 =	sshll.u32 s26, $0x6;
	s24 =	sand.u32 $0x3000, s24;
	v4 =	vor.u32 $0x1, v5;
	[tilespmem:v11+s18+$0x0] =	vst.idx.add.s32.msk $0xffff, v7  }
0x1a2: {  	s26 =	sand.u32 $0x380, s26;
	s24 =	sor.u32 s28, s24;
	[tilespmem:v2+s18+$0x0] =	vst.idx.add.s32.msk $0xffff, v3  }
0x1a3: {  	s24 =	sor.u32 s26, s24;
	[tilespmem:v6+s18+$0x0] =	vst.idx.add.s32.msk $0xffff, v4  }
0x1a4: {  	v2 =	vld [tilespmem:s24+$0x410]  }
0x1a5: {  	v3 =	vld [tilespmem:s24+$0x8410]  }
0x1a6: {  	v4 =	vld [tilespmem:s24+$0x40]  }
0x1a7: {  	v5 =	vld [tilespmem:s24+$0x30]  }
0x1a8: {  	v6 =	vld [tilespmem:s24+$0x20]  }
0x1a9: {  	v7 =	vld [tilespmem:s24+$0x8040]  }
0x1aa: {  	v8 =	vld [tilespmem:s24+$0x8030];
	v9 =	vcvt.s32.f32 v3;
	v3 =	vshll.u32 v3, $0x10  }
0x1ab: {  	v10 =	vld [tilespmem:s24+$0x8020]  }
0x1ac: {  	v11 =	vld [tilespmem:s24+$0x8010];
	v9 =	vsub.f32 v9, v2  }
0x1ad: {  	v2 =	vor.u32 $0x1, v3;
	v14 =	vld [tilespmem:s24+$0x8000]  }
0x1ae: {  	v12 =	vld [tilespmem:s24+$0x10];
	v3 =	vcvt.s32.f32 v7;
	v7 =	vshll.u32 v7, $0x10;
	v9 =	vand.u32 $0x7FFFFFFF, v9  }
0x1af: {  	v13 =	vld [tilespmem:s24+$0x0];
	v15 =	vcvt.s32.f32 v8;
	v8 =	vshll.u32 v8, $0x10;
	v9 =	vmul.f32 $1.024000000e+03, v9  }
0x1b0: {  	v16 =	vcvt.s32.f32 v10;
	v17 =	vsub.f32 v3, v4;
	v3 =	vor.u32 $0x1, v7  }
0x1b1: {  	v10 =	vshll.u32 v10, $0x10;
	v7 =	vld [tilespmem:s24+$0x8050];
	v18 =	vcvt.s32.f32 v11;
	v5 =	vsub.f32 v15, v5  }
0x1b2: {  	v4 =	vor.u32 $0x1, v8;
	v19 =	vld [tilespmem:s24+$0x70];
	v15 =	vcvt.s32.f32 v14;
	v16 =	vsub.f32 v16, v6  }
0x1b3: {  	v6 =	vor.u32 $0x1, v10;
	v8 =	vld [tilespmem:s24+$0x8070];
	v18 =	vsub.f32 v18, v12;
	v5 =	vand.u32 $0x7FFFFFFF, v5  }
0x1b4: {  	v12 =	vshll.u32 v11, $0x10;
	v20 =	vld [tilespmem:s24+$0x8060];
	v10 =	vsub.f32 v15, v13;
	v11 =	vand.u32 $0x7FFFFFFF, v16  }
0x1b5: {  	v9 =	vmin.f32 v9, $1.023000000e+03;
	v16 =	vld [tilespmem:s24+$0x50];
	v13 =	vand.u32 $0x7FFFFFFF, v18;
	v11 =	vmul.f32 $1.024000000e+03, v11  }
0x1b6: {  	v5 =	vmul.f32 $1.024000000e+03, v5;
	v21 =	vld [tilespmem:s24+$0x60];
	v18 =	vmul.f32 $1.024000000e+03, v13;
	v15 =	vshll.u32 v7, $0x10  }
0x1b7: {  	v22 =	vand.u32 $0x7FFFFFFF, v10;
	v13 =	vtrunc.f32 v9;
	v11 =	vmin.f32 v11, $1.023000000e+03  }
0x1b8: {  	v9 =	vmul.f32 $1.024000000e+03, v22;
	v10 =	vld [tilespmem:s24+$0x8400];
	v22 =	vmin.f32 v18, $1.023000000e+03;
	v23 =	vcvt.s32.f32 v8  }
0x1b9: {  	v17 =	vand.u32 $0x7FFFFFFF, v17;
	v7 =	vcvt.s32.f32 v7;
	v18 =	vshll.u32 v20, $0x10  }
0x1ba: {  	v11 =	vtrunc.f32 v11;
	v20 =	vcvt.s32.f32 v20;
	v24 =	vld [tilespmem:s24+$0x400];
	v19 =	vsub.f32 v23, v19  }
0x1bb: {  	v17 =	vmul.f32 $1.024000000e+03, v17;
	v11 =	vcvt.f32.s32 v11;
	v7 =	vsub.f32 v7, v16  }
0x1bc: {  	v5 =	vmin.f32 v5, $1.023000000e+03;
	v9 =	vmin.f32 v9, $1.023000000e+03;
	v16 =	vshll.u32 v14, $0x10  }
0x1bd: {  	v25 =	vtrunc.f32 v5;
	v5 =	vsub.f32 v20, v21;
	v20 =	vcvt.s32.f32 v10  }
0x1be: {  	v21 =	vtrunc.f32 v9;
	v7 =	vand.u32 $0x7FFFFFFF, v7;
	v19 =	vand.u32 $0x7FFFFFFF, v19  }
0x1bf: {  	v14 =	vadd.s32 v1, v11;
	v11 =	vmin.f32 v17, $1.023000000e+03;
	v9 =	vld [tilespmem:s24+$0x8420];
	v23 =	vsub.f32 v20, v24  }
0x1c0: {  	v17 =	vtrunc.f32 v11;
	v11 =	vmul.f32 $1.024000000e+03, v7;
	v24 =	vand.u32 $0x7FFFFFFF, v5;
	v28 =	vld [tilespmem:s24+$0x8460]  }
0x1c1: {  	v20 =	vor.u32 $0x1, v16;
	v16 =	vmul.f32 $1.024000000e+03, v19;
	v5 =	vld [tilespmem:s24+$0x8470];
	v23 =	vand.u32 $0x7FFFFFFF, v23  }
0x1c2: {  	v29 =	vtrunc.f32 v22;
	v27 =	vmin.f32 v11, $1.023000000e+03;
	v11 =	vmul.f32 $1.024000000e+03, v24;
	v7 =	vld [tilespmem:s24+$0x8450]  }
.Ltmp3:
0x1c3: {  	v26 =	vshll.u32 v8, $0x10;
	v31 =	vcvt.f32.s32 v21;
	v19 =	vmin.f32 v16, $1.023000000e+03;
	v22 =	vld [tilespmem:s24+$0x420];
	(pc) =	sbr.rel @p0 .LBB2_8-.Ltmp3, $4  }
0x1c4: {  	v30 =	vcvt.f32.s32 v25;
	v11 =	vmin.f32 v11, $1.023000000e+03;
	v8 =	vtrunc.f32 v19;
	v16 =	vld [tilespmem:s24+$0x8430]  }
0x1c5: {  	v33 =	vcvt.f32.s32 v8;
	v24 =	vld [tilespmem:s24+$0x470];
	v21 =	vcvt.s32.f32 v28;
	v8 =	vshll.u32 v28, $0x10  }
0x1c6: {  	v32 =	vcvt.f32.s32 v29;
	v25 =	vadd.s32 v1, v31;
	v11 =	vtrunc.f32 v11;
	v19 =	vld [tilespmem:s24+$0x8440]  }
0x1c7: {  	v31 =	vcvt.f32.s32 v11;
	v11 =	vadd.s32 v1, v33;
	v28 =	vcvt.s32.f32 v5;
	v29 =	vld [tilespmem:s24+$0x430]  }
0x1c8: {  	v32 =	vadd.s32 v1, v32;
	v12 =	vor.u32 $0x1, v12;
	v30 =	vadd.s32 v1, v30  }
0x1c9: {  	v27 =	vtrunc.f32 v27;
	v15 =	vor.u32 $0x1, v15;
	v18 =	vor.u32 $0x1, v18  }
0x1ca: {  	v34 =	vcvt.s32.f32 v7;
	v26 =	vor.u32 $0x1, v26;
	v13 =	vcvt.f32.s32 v13  }
0x1cb: {  	v35 =	vld [tilespmem:s24+$0x440];
	v36 =	vcvt.s32.f32 v9;
	v23 =	vmul.f32 $1.024000000e+03, v23;
	v10 =	vshll.u32 v10, $0x10  }
0x1cc: {  	v37 =	vld [tilespmem:s24+$0x450];
	v17 =	vcvt.f32.s32 v17;
	v31 =	vadd.s32 v1, v31;
	v33 =	vcvt.s32.f32 v16  }
0x1cd: {  	v38 =	vld [tilespmem:s24+$0x460];
	v27 =	vcvt.f32.s32 v27;
	v10 =	vor.u32 $0x1, v10;
	v13 =	vadd.s32 v1, v13  }
0x1ce: {  	v24 =	vsub.f32 v28, v24;
	v23 =	vmin.f32 v23, $1.023000000e+03;
	v22 =	vsub.f32 v36, v22  }
0x1cf: {  	v17 =	vadd.s32 v1, v17;
	v61 =	vcvt.s32.f32 v19;
	v23 =	vtrunc.f32 v23  }
0x1d0: {  	v27 =	vadd.s32 v1, v27;
	v29 =	vsub.f32 v33, v29;
	v22 =	vand.u32 $0x7FFFFFFF, v22  }
0x1d1: {  	v23 =	vcvt.f32.s32 v23;
	v62 =	vsub.f32 v34, v37;
	v22 =	vmul.f32 $1.024000000e+03, v22  }
0x1d2: {  	v21 =	vsub.f32 v21, v38;
	v28 =	vand.u32 $0x7FFFFFFF, v29;
	v29 =	vsub.f32 v61, v35  }
0x1d3: {  	v23 =	vadd.s32 v1, v23;
	v28 =	vmul.f32 $1.024000000e+03, v28;
	v22 =	vmin.f32 v22, $1.023000000e+03  }
0x1d4: {  	[tilespmem:v25+s18+$0x0] =	vst.idx.add.s32.msk $0xffff, v20;
	v20 =	vand.u32 $0x7FFFFFFF, v62;
	v29 =	vand.u32 $0x7FFFFFFF, v29;
	v22 =	vtrunc.f32 v22  }
0x1d5: {  	[tilespmem:v32+s18+$0x0] =	vst.idx.add.s32.msk $0xffff, v12;
	v12 =	vmul.f32 $1.024000000e+03, v20;
	v20 =	vand.u32 $0x7FFFFFFF, v21;
	v21 =	vand.u32 $0x7FFFFFFF, v24  }
0x1d6: {  	[tilespmem:v14+s18+$0x0] =	vst.idx.add.s32.msk $0xffff, v6;
	v28 =	vmin.f32 v28, $1.023000000e+03;
	v29 =	vmul.f32 $1.024000000e+03, v29;
	v21 =	vmul.f32 $1.024000000e+03, v21  }
0x1d7: {  	[tilespmem:v30+s18+$0x0] =	vst.idx.add.s32.msk $0xffff, v4;
	v25 =	vtrunc.f32 v28;
	v4 =	vmin.f32 v12, $1.023000000e+03;
	v12 =	vmul.f32 $1.024000000e+03, v20  }
0x1d8: {  	[tilespmem:v17+s18+$0x0] =	vst.idx.add.s32.msk $0xffff, v3;
	v20 =	vcvt.f32.s32 v22;
	v6 =	vcvt.f32.s32 v25;
	v14 =	vmin.f32 v29, $1.023000000e+03  }
0x1d9: {  	[tilespmem:v27+s18+$0x0] =	vst.idx.add.s32.msk $0xffff, v15;
	v3 =	vtrunc.f32 v4;
	v15 =	vmin.f32 v21, $1.023000000e+03;
	v14 =	vtrunc.f32 v14  }
0x1da: {  	v12 =	vmin.f32 v12, $1.023000000e+03;
	v4 =	vcvt.f32.s32 v14;
	v14 =	vadd.s32 v1, v20  }
0x1db: {  	[tilespmem:v31+s18+$0x0] =	vst.idx.add.s32.msk $0xffff, v18;
	v3 =	vcvt.f32.s32 v3;
	v6 =	vadd.s32 v1, v6;
	v12 =	vtrunc.f32 v12  }
0x1dc: {  	[tilespmem:v11+s18+$0x0] =	vst.idx.add.s32.msk $0xffff, v26;
	v11 =	vcvt.f32.s32 v12;
	v12 =	vtrunc.f32 v15;
	v4 =	vadd.s32 v1, v4  }
0x1dd: {  	v9 =	vshll.u32 v9, $0x10;
	[tilespmem:v23+s18+$0x0] =	vst.idx.add.s32.msk $0xffff, v10;
	v3 =	vadd.s32 v1, v3;
	v10 =	vcvt.f32.s32 v12  }
0x1de: {  	v9 =	vor.u32 $0x1, v9;
	[tilespmem:v13+s18+$0x0] =	vst.idx.add.s32.msk $0xffff, v2;
	v12 =	vshll.u32 v16, $0x10;
	v2 =	vadd.s32 v1, v11  }
0x1df: {  	v11 =	vshll.u32 v19, $0x10;
	v12 =	vor.u32 $0x1, v12;
	v10 =	vadd.s32 v1, v10;
	[tilespmem:v14+s18+$0x0] =	vst.idx.add.s32.msk $0xffff, v9  }
0x1e0: {  	v7 =	vshll.u32 v7, $0x10;
	v9 =	vor.u32 $0x1, v11;
	[tilespmem:v6+s18+$0x0] =	vst.idx.add.s32.msk $0xffff, v12  }
0x1e1: {  	v6 =	vor.u32 $0x1, v7;
	[tilespmem:v4+s18+$0x0] =	vst.idx.add.s32.msk $0xffff, v9  }
0x1e2: {  	v4 =	vshll.u32 v5, $0x10;
	v5 =	vor.u32 $0x1, v8;
	[tilespmem:v3+s18+$0x0] =	vst.idx.add.s32.msk $0xffff, v6  }
0x1e3: {  	v3 =	vor.u32 $0x1, v4;
	[tilespmem:v2+s18+$0x0] =	vst.idx.add.s32.msk $0xffff, v5  }
0x1e4: {  	[tilespmem:v10+s18+$0x0] =	vst.idx.add.s32.msk $0xffff, v3  }
0x1e5: {  	_ =	swait.ge [sflag:s19], $0x4000  }
0x1e6: {  	s23 =	simm.s32 $0x0;
	[sflag:s19] =	ssyncset.done $0x0  }
0x1e7: {  	s31 =	simm.s32 $0x0;
	s26 =	simm.s32 $0x0;
	[sflag:s19] =	ssyncadd.s32 $0xFFFFC000  }
0x1e8: {  	s25 =	sand.u32 $0x800, s23;
	s24 =	sand.u32 $0x380, s31;
	_ =	swait.ge [sflag:s20], $0x4000  }
0x1e9: {  	s26 =	sand.u32 $0x3000, s26;
	s24 =	sor.u32 s25, s24;
	[sflag:s20] =	ssyncset.done $0x0  }
0x1ea: {  	s24 =	sor.u32 s24, s26;
	[sflag:s20] =	ssyncadd.s32 $0xFFFFC000  }
0x1eb: {  	v2 =	vld [tilespmem:s24+$0x4410]  }
0x1ec: {  	v3 =	vld [tilespmem:s24+$0xC410]  }
0x1ed: {  	v5 =	vld [tilespmem:s24+$0x4030]  }
0x1ee: {  	v6 =	vld [tilespmem:s24+$0x4020]  }
0x1ef: {  	v8 =	vld [tilespmem:s24+$0xC030]  }
0x1f0: {  	v10 =	vld [tilespmem:s24+$0xC020]  }
0x1f1: {  	v11 =	vld [tilespmem:s24+$0xC010]  }
0x1f2: {  	v7 =	vld [tilespmem:s24+$0xC040]  }
0x1f3: {  	v14 =	vld [tilespmem:s24+$0xC000]  }
0x1f4: {  	v12 =	vld [tilespmem:s24+$0x4010];
	v9 =	vcvt.s32.f32 v3;
	v3 =	vshll.u32 v3, $0x10  }
0x1f5: {  	v4 =	vld [tilespmem:s24+$0x4040];
	v15 =	vcvt.s32.f32 v8;
	v8 =	vshll.u32 v8, $0x10;
	v16 =	vcvt.s32.f32 v10  }
0x1f6: {  	v13 =	vld [tilespmem:s24+$0x4000];
	v18 =	vcvt.s32.f32 v11;
	v10 =	vshll.u32 v10, $0x10;
	v9 =	vsub.f32 v9, v2  }
0x1f7: {  	v2 =	vor.u32 $0x1, v3;
	v3 =	vcvt.s32.f32 v7;
	v7 =	vshll.u32 v7, $0x10  }
0x1f8: {  	v5 =	vsub.f32 v15, v5;
	v15 =	vcvt.s32.f32 v14;
	v16 =	vsub.f32 v16, v6  }
0x1f9: {  	v18 =	vsub.f32 v18, v12;
	v6 =	vor.u32 $0x1, v10;
	v12 =	vshll.u32 v11, $0x10  }
0x1fa: {  	v9 =	vand.u32 $0x7FFFFFFF, v9;
	v17 =	vsub.f32 v3, v4;
	v3 =	vor.u32 $0x1, v7  }
0x1fb: {  	v19 =	vld [tilespmem:s24+$0xC060];
	v5 =	vand.u32 $0x7FFFFFFF, v5;
	v10 =	vsub.f32 v15, v13;
	v11 =	vand.u32 $0x7FFFFFFF, v16  }
0x1fc: {  	v20 =	vld [tilespmem:s24+$0x4050];
	v13 =	vand.u32 $0x7FFFFFFF, v18;
	v9 =	vmul.f32 $1.024000000e+03, v9;
	v11 =	vmul.f32 $1.024000000e+03, v11  }
0x1fd: {  	v4 =	vor.u32 $0x1, v8;
	v8 =	vld [tilespmem:s24+$0xC070];
	v18 =	vmul.f32 $1.024000000e+03, v13;
	v5 =	vmul.f32 $1.024000000e+03, v5  }
0x1fe: {  	v7 =	vld [tilespmem:s24+$0xC050];
	v22 =	vand.u32 $0x7FFFFFFF, v10;
	v17 =	vand.u32 $0x7FFFFFFF, v17;
	v9 =	vmin.f32 v9, $1.023000000e+03  }
0x1ff: {  	v21 =	vld [tilespmem:s24+$0x4060];
	v11 =	vmin.f32 v11, $1.023000000e+03;
	v17 =	vmul.f32 $1.024000000e+03, v17;
	v5 =	vmin.f32 v5, $1.023000000e+03  }
0x200: {  	v16 =	vld [tilespmem:s24+$0x4070];
	v13 =	vtrunc.f32 v9;
	v9 =	vmul.f32 $1.024000000e+03, v22;
	v22 =	vmin.f32 v18, $1.023000000e+03  }
0x201: {  	v10 =	vld [tilespmem:s24+$0xC400];
	v18 =	vshll.u32 v19, $0x10;
	v11 =	vtrunc.f32 v11;
	v19 =	vcvt.s32.f32 v19  }
0x202: {  	v25 =	vtrunc.f32 v5;
	v23 =	vcvt.s32.f32 v8  }
0x203: {  	v24 =	vld [tilespmem:s24+$0x4400];
	v15 =	vshll.u32 v7, $0x10;
	v7 =	vcvt.s32.f32 v7;
	v11 =	vcvt.f32.s32 v11  }
0x204: {  	v29 =	vtrunc.f32 v22;
	v30 =	vcvt.f32.s32 v25;
	v5 =	vsub.f32 v19, v21  }
0x205: {  	v16 =	vsub.f32 v23, v16;
	v7 =	vsub.f32 v7, v20;
	v20 =	vshll.u32 v14, $0x10  }
0x206: {  	v19 =	vcvt.s32.f32 v10;
	v14 =	vadd.s32 v1, v11;
	v11 =	vmin.f32 v17, $1.023000000e+03  }
0x207: {  	v28 =	vld [tilespmem:s24+$0xC460];
	v26 =	vshll.u32 v8, $0x10;
	v32 =	vcvt.f32.s32 v29;
	v17 =	vtrunc.f32 v11  }
0x208: {  	v22 =	vld [tilespmem:s24+$0x4420];
	v7 =	vand.u32 $0x7FFFFFFF, v7;
	v16 =	vand.u32 $0x7FFFFFFF, v16;
	v19 =	vsub.f32 v19, v24  }
0x209: {  	v9 =	vmin.f32 v9, $1.023000000e+03;
	v29 =	vld [tilespmem:s24+$0x4430];
	v11 =	vmul.f32 $1.024000000e+03, v7;
	v16 =	vmul.f32 $1.024000000e+03, v16  }
0x20a: {  	v21 =	vtrunc.f32 v9;
	v24 =	vand.u32 $0x7FFFFFFF, v5;
	v5 =	vld [tilespmem:s24+$0xC470];
	v23 =	vand.u32 $0x7FFFFFFF, v19  }
0x20b: {  	v9 =	vld [tilespmem:s24+$0xC420];
	v27 =	vmin.f32 v11, $1.023000000e+03;
	v11 =	vmul.f32 $1.024000000e+03, v24;
	v19 =	vmin.f32 v16, $1.023000000e+03  }
0x20c: {  	v20 =	vor.u32 $0x1, v20;
	v31 =	vcvt.f32.s32 v21;
	v7 =	vld [tilespmem:s24+$0xC450];
	v8 =	vtrunc.f32 v19  }
0x20d: {  	v21 =	vcvt.s32.f32 v28;
	v16 =	vld [tilespmem:s24+$0xC430];
	v11 =	vmin.f32 v11, $1.023000000e+03;
	v63 =	vcvt.f32.s32 v8  }
0x20e: {  	v25 =	vadd.s32 v1, v31;
	v24 =	vld [tilespmem:s24+$0x4470];
	v8 =	vshll.u32 v28, $0x10;
	v11 =	vtrunc.f32 v11  }
0x20f: {  	s25 =	simm.s32 $0x1;
	v19 =	vld [tilespmem:s24+$0xC440];
	v28 =	vcvt.s32.f32 v5;
	v31 =	vcvt.f32.s32 v11;
	v11 =	vadd.s32 v1, v63  }
.LBB2_10:
0x210: {  	p0 =	sne.s32 s25, $0x3F  }
0x211: {  	v33 =	vld [tilespmem:s24+$0x4460];
	v32 =	vadd.s32 v1, v32;
	v12 =	vor.u32 $0x1, v12;
	v30 =	vadd.s32 v1, v30;
	s23 =	sadd.s32 $0x800, s23;
	s26 =	smov.u32 s25;
	s25 =	sadd.s32 $0x1, s25  }
0x212: {  	v27 =	vtrunc.f32 v27;
	v15 =	vor.u32 $0x1, v15;
	v18 =	vor.u32 $0x1, v18;
	v34 =	vld [tilespmem:s24+$0x4440]  }
0x213: {  	v37 =	vcvt.s32.f32 v7;
	v31 =	vadd.s32 v1, v31;
	v36 =	vcvt.s32.f32 v16;
	v35 =	vld [tilespmem:s24+$0x4450]  }
0x214: {  	v26 =	vor.u32 $0x1, v26;
	v13 =	vcvt.f32.s32 v13;
	v38 =	vshll.u32 v19, $0x10;
	[tilespmem:v25+s18+$0x0] =	vst.idx.add.s32.msk $0xffff, v20  }
0x215: {  	v20 =	vcvt.f32.s32 v27;
	v25 =	vcvt.s32.f32 v9;
	v27 =	vsub.f32 v36, v29  }
0x216: {  	v23 =	vmul.f32 $1.024000000e+03, v23;
	v10 =	vshll.u32 v10, $0x10;
	v19 =	vcvt.s32.f32 v19;
	[tilespmem:v32+s18+$0x0] =	vst.idx.add.s32.msk $0xffff, v12  }
0x217: {  	v10 =	vor.u32 $0x1, v10;
	v12 =	vadd.s32 v1, v13;
	v13 =	vsub.f32 v28, v24;
	[tilespmem:v14+s18+$0x0] =	vst.idx.add.s32.msk $0xffff, v6  }
0x218: {  	v6 =	vmin.f32 v23, $1.023000000e+03;
	v14 =	vsub.f32 v25, v22;
	v22 =	vand.u32 $0x7FFFFFFF, v27;
	[tilespmem:v30+s18+$0x0] =	vst.idx.add.s32.msk $0xffff, v4  }
0x219: {  	v16 =	vshll.u32 v16, $0x10;
	v4 =	vadd.s32 v1, v20;
	v6 =	vtrunc.f32 v6  }
0x21a: {  	v17 =	vcvt.f32.s32 v17;
	v19 =	vsub.f32 v19, v34;
	v6 =	vcvt.f32.s32 v6  }
0x21b: {  	v20 =	vmul.f32 $1.024000000e+03, v22;
	v22 =	vsub.f32 v37, v35;
	v14 =	vand.u32 $0x7FFFFFFF, v14  }
0x21c: {  	v21 =	vsub.f32 v21, v33;
	v19 =	vand.u32 $0x7FFFFFFF, v19;
	v6 =	vadd.s32 v1, v6  }
0x21d: {  	v14 =	vmul.f32 $1.024000000e+03, v14;
	v20 =	vmin.f32 v20, $1.023000000e+03;
	v22 =	vand.u32 $0x7FFFFFFF, v22  }
0x21e: {  	v17 =	vadd.s32 v1, v17;
	v9 =	vshll.u32 v9, $0x10;
	v19 =	vmul.f32 $1.024000000e+03, v19  }
0x21f: {  	v9 =	vor.u32 $0x1, v9;
	v20 =	vtrunc.f32 v20;
	v14 =	vmin.f32 v14, $1.023000000e+03  }
0x220: {  	v21 =	vand.u32 $0x7FFFFFFF, v21;
	v22 =	vmul.f32 $1.024000000e+03, v22;
	v14 =	vtrunc.f32 v14  }
0x221: {  	v13 =	vand.u32 $0x7FFFFFFF, v13;
	v20 =	vcvt.f32.s32 v20;
	v19 =	vmin.f32 v19, $1.023000000e+03  }
0x222: {  	v16 =	vor.u32 $0x1, v16;
	v13 =	vmul.f32 $1.024000000e+03, v13;
	v22 =	vmin.f32 v22, $1.023000000e+03  }
0x223: {  	v21 =	vmul.f32 $1.024000000e+03, v21;
	v19 =	vtrunc.f32 v19;
	v20 =	vadd.s32 v1, v20;
	[tilespmem:v17+s18+$0x0] =	vst.idx.add.s32.msk $0xffff, v3  }
0x224: {  	v13 =	vmin.f32 v13, $1.023000000e+03;
	v3 =	vcvt.f32.s32 v14;
	v14 =	vtrunc.f32 v22;
	[tilespmem:v4+s18+$0x0] =	vst.idx.add.s32.msk $0xffff, v15  }
0x225: {  	v4 =	vcvt.f32.s32 v19;
	v14 =	vcvt.f32.s32 v14;
	v15 =	vmin.f32 v21, $1.023000000e+03;
	[tilespmem:v31+s18+$0x0] =	vst.idx.add.s32.msk $0xffff, v18  }
0x226: {  	v17 =	vor.u32 $0x1, v38;
	v3 =	vadd.s32 v1, v3;
	v15 =	vtrunc.f32 v15;
	[tilespmem:v11+s18+$0x0] =	vst.idx.add.s32.msk $0xffff, v26  }
0x227: {  	v13 =	vtrunc.f32 v13;
	v11 =	vadd.s32 v1, v14;
	v14 =	vcvt.f32.s32 v15;
	[tilespmem:v6+s18+$0x0] =	vst.idx.add.s32.msk $0xffff, v10  }
0x228: {  	v5 =	vshll.u32 v5, $0x10;
	v4 =	vadd.s32 v1, v4;
	v6 =	vcvt.f32.s32 v13;
	[tilespmem:v12+s18+$0x0] =	vst.idx.add.s32.msk $0xffff, v2  }
0x229: {  	v2 =	vadd.s32 v1, v14  }
0x22a: {  	v7 =	vshll.u32 v7, $0x10;
	v6 =	vadd.s32 v1, v6  }
0x22b: {  	v7 =	vor.u32 $0x1, v7;
	[tilespmem:v3+s18+$0x0] =	vst.idx.add.s32.msk $0xffff, v9  }
0x22c: {  	[tilespmem:v20+s18+$0x0] =	vst.idx.add.s32.msk $0xffff, v16  }
0x22d: {  	s24 =	sshll.u32 s26, $0x6;
	v3 =	vor.u32 $0x1, v8;
	[tilespmem:v4+s18+$0x0] =	vst.idx.add.s32.msk $0xffff, v17  }
0x22e: {  	s28 =	sand.u32 $0x800, s23;
	s26 =	sshll.u32 s26, $0x8;
	s24 =	sand.u32 $0x380, s24;
	v4 =	vor.u32 $0x1, v5;
	[tilespmem:v11+s18+$0x0] =	vst.idx.add.s32.msk $0xffff, v7  }
0x22f: {  	s26 =	sand.u32 $0x3000, s26;
	s24 =	sor.u32 s28, s24;
	[tilespmem:v2+s18+$0x0] =	vst.idx.add.s32.msk $0xffff, v3  }
0x230: {  	s24 =	sor.u32 s24, s26;
	[tilespmem:v6+s18+$0x0] =	vst.idx.add.s32.msk $0xffff, v4  }
0x231: {  	v2 =	vld [tilespmem:s24+$0x4410]  }
0x232: {  	v3 =	vld [tilespmem:s24+$0xC410]  }
0x233: {  	v4 =	vld [tilespmem:s24+$0x4040]  }
0x234: {  	v5 =	vld [tilespmem:s24+$0x4030]  }
0x235: {  	v6 =	vld [tilespmem:s24+$0x4020]  }
0x236: {  	v7 =	vld [tilespmem:s24+$0xC040]  }
0x237: {  	v8 =	vld [tilespmem:s24+$0xC030];
	v9 =	vcvt.s32.f32 v3;
	v3 =	vshll.u32 v3, $0x10  }
0x238: {  	v10 =	vld [tilespmem:s24+$0xC020]  }
0x239: {  	v11 =	vld [tilespmem:s24+$0xC010];
	v9 =	vsub.f32 v9, v2  }
0x23a: {  	v2 =	vor.u32 $0x1, v3;
	v14 =	vld [tilespmem:s24+$0xC000]  }
0x23b: {  	v12 =	vld [tilespmem:s24+$0x4010];
	v3 =	vcvt.s32.f32 v7;
	v7 =	vshll.u32 v7, $0x10;
	v9 =	vand.u32 $0x7FFFFFFF, v9  }
0x23c: {  	v13 =	vld [tilespmem:s24+$0x4000];
	v15 =	vcvt.s32.f32 v8;
	v8 =	vshll.u32 v8, $0x10;
	v9 =	vmul.f32 $1.024000000e+03, v9  }
0x23d: {  	v16 =	vcvt.s32.f32 v10;
	v17 =	vsub.f32 v3, v4;
	v3 =	vor.u32 $0x1, v7  }
0x23e: {  	v10 =	vshll.u32 v10, $0x10;
	v7 =	vld [tilespmem:s24+$0xC050];
	v18 =	vcvt.s32.f32 v11;
	v5 =	vsub.f32 v15, v5  }
0x23f: {  	v4 =	vor.u32 $0x1, v8;
	v19 =	vld [tilespmem:s24+$0x4070];
	v15 =	vcvt.s32.f32 v14;
	v16 =	vsub.f32 v16, v6  }
0x240: {  	v6 =	vor.u32 $0x1, v10;
	v8 =	vld [tilespmem:s24+$0xC070];
	v18 =	vsub.f32 v18, v12;
	v5 =	vand.u32 $0x7FFFFFFF, v5  }
0x241: {  	v12 =	vshll.u32 v11, $0x10;
	v20 =	vld [tilespmem:s24+$0xC060];
	v10 =	vsub.f32 v15, v13;
	v11 =	vand.u32 $0x7FFFFFFF, v16  }
0x242: {  	v9 =	vmin.f32 v9, $1.023000000e+03;
	v16 =	vld [tilespmem:s24+$0x4050];
	v13 =	vand.u32 $0x7FFFFFFF, v18;
	v11 =	vmul.f32 $1.024000000e+03, v11  }
0x243: {  	v5 =	vmul.f32 $1.024000000e+03, v5;
	v21 =	vld [tilespmem:s24+$0x4060];
	v18 =	vmul.f32 $1.024000000e+03, v13;
	v15 =	vshll.u32 v7, $0x10  }
0x244: {  	v22 =	vand.u32 $0x7FFFFFFF, v10;
	v13 =	vtrunc.f32 v9;
	v11 =	vmin.f32 v11, $1.023000000e+03  }
0x245: {  	v9 =	vmul.f32 $1.024000000e+03, v22;
	v10 =	vld [tilespmem:s24+$0xC400];
	v22 =	vmin.f32 v18, $1.023000000e+03;
	v23 =	vcvt.s32.f32 v8  }
0x246: {  	v17 =	vand.u32 $0x7FFFFFFF, v17;
	v7 =	vcvt.s32.f32 v7;
	v18 =	vshll.u32 v20, $0x10  }
0x247: {  	v11 =	vtrunc.f32 v11;
	v20 =	vcvt.s32.f32 v20;
	v24 =	vld [tilespmem:s24+$0x4400];
	v19 =	vsub.f32 v23, v19  }
0x248: {  	v17 =	vmul.f32 $1.024000000e+03, v17;
	v11 =	vcvt.f32.s32 v11;
	v7 =	vsub.f32 v7, v16  }
0x249: {  	v5 =	vmin.f32 v5, $1.023000000e+03;
	v9 =	vmin.f32 v9, $1.023000000e+03;
	v16 =	vshll.u32 v14, $0x10  }
0x24a: {  	v25 =	vtrunc.f32 v5;
	v5 =	vsub.f32 v20, v21;
	v20 =	vcvt.s32.f32 v10  }
0x24b: {  	v21 =	vtrunc.f32 v9;
	v7 =	vand.u32 $0x7FFFFFFF, v7;
	v19 =	vand.u32 $0x7FFFFFFF, v19  }
0x24c: {  	v14 =	vadd.s32 v1, v11;
	v11 =	vmin.f32 v17, $1.023000000e+03;
	v9 =	vld [tilespmem:s24+$0xC420];
	v23 =	vsub.f32 v20, v24  }
0x24d: {  	v17 =	vtrunc.f32 v11;
	v11 =	vmul.f32 $1.024000000e+03, v7;
	v24 =	vand.u32 $0x7FFFFFFF, v5;
	v28 =	vld [tilespmem:s24+$0xC460]  }
0x24e: {  	v20 =	vor.u32 $0x1, v16;
	v16 =	vmul.f32 $1.024000000e+03, v19;
	v5 =	vld [tilespmem:s24+$0xC470];
	v23 =	vand.u32 $0x7FFFFFFF, v23  }
0x24f: {  	v29 =	vtrunc.f32 v22;
	v27 =	vmin.f32 v11, $1.023000000e+03;
	v11 =	vmul.f32 $1.024000000e+03, v24;
	v7 =	vld [tilespmem:s24+$0xC450]  }
.Ltmp4:
0x250: {  	v26 =	vshll.u32 v8, $0x10;
	v31 =	vcvt.f32.s32 v21;
	v19 =	vmin.f32 v16, $1.023000000e+03;
	v22 =	vld [tilespmem:s24+$0x4420];
	(pc) =	sbr.rel @p0 .LBB2_10-.Ltmp4, $4  }
0x251: {  	v30 =	vcvt.f32.s32 v25;
	v11 =	vmin.f32 v11, $1.023000000e+03;
	v8 =	vtrunc.f32 v19;
	v16 =	vld [tilespmem:s24+$0xC430]  }
0x252: {  	v33 =	vcvt.f32.s32 v8;
	v24 =	vld [tilespmem:s24+$0x4470];
	v21 =	vcvt.s32.f32 v28;
	v8 =	vshll.u32 v28, $0x10  }
0x253: {  	v32 =	vcvt.f32.s32 v29;
	v25 =	vadd.s32 v1, v31;
	v11 =	vtrunc.f32 v11;
	v19 =	vld [tilespmem:s24+$0xC440]  }
0x254: {  	v31 =	vcvt.f32.s32 v11;
	v11 =	vadd.s32 v1, v33;
	v28 =	vcvt.s32.f32 v5;
	v29 =	vld [tilespmem:s24+$0x4430]  }
0x255: {  	v32 =	vadd.s32 v1, v32;
	v12 =	vor.u32 $0x1, v12;
	v30 =	vadd.s32 v1, v30  }
0x256: {  	v27 =	vtrunc.f32 v27;
	v15 =	vor.u32 $0x1, v15;
	v18 =	vor.u32 $0x1, v18  }
0x257: {  	v34 =	vcvt.s32.f32 v7;
	v26 =	vor.u32 $0x1, v26;
	v13 =	vcvt.f32.s32 v13  }
0x258: {  	v36 =	vcvt.s32.f32 v9;
	v23 =	vmul.f32 $1.024000000e+03, v23;
	v10 =	vshll.u32 v10, $0x10  }
0x259: {  	v35 =	vld [tilespmem:s24+$0x4440];
	v17 =	vcvt.f32.s32 v17;
	v31 =	vadd.s32 v1, v31;
	v33 =	vcvt.s32.f32 v16  }
0x25a: {  	v38 =	vld [tilespmem:s24+$0x4460];
	v27 =	vcvt.f32.s32 v27;
	v10 =	vor.u32 $0x1, v10;
	v13 =	vadd.s32 v1, v13  }
0x25b: {  	v37 =	vld [tilespmem:s24+$0x4450];
	v24 =	vsub.f32 v28, v24;
	v23 =	vmin.f32 v23, $1.023000000e+03;
	v22 =	vsub.f32 v36, v22  }
0x25c: {  	v17 =	vadd.s32 v1, v17;
	v62 =	vcvt.s32.f32 v19;
	v23 =	vtrunc.f32 v23  }
0x25d: {  	v27 =	vadd.s32 v1, v27;
	v29 =	vsub.f32 v33, v29;
	v23 =	vcvt.f32.s32 v23  }
0x25e: {  	v22 =	vand.u32 $0x7FFFFFFF, v22;
	v44 =	vand.u32 $0x7FFFFFFF, v24;
	v36 =	vsub.f32 v62, v35  }
0x25f: {  	v22 =	vmul.f32 $1.024000000e+03, v22;
	v21 =	vsub.f32 v21, v38;
	v63 =	vand.u32 $0x7FFFFFFF, v29  }
0x260: {  	v39 =	vsub.f32 v34, v37;
	v28 =	vmul.f32 $1.024000000e+03, v63;
	v29 =	vand.u32 $0x7FFFFFFF, v36  }
0x261: {  	v22 =	vmin.f32 v22, $1.023000000e+03;
	v43 =	vand.u32 $0x7FFFFFFF, v21;
	v21 =	vmul.f32 $1.024000000e+03, v44  }
0x262: {  	[tilespmem:v25+s18+$0x0] =	vst.idx.add.s32.msk $0xffff, v20;
	v40 =	vand.u32 $0x7FFFFFFF, v39;
	v29 =	vmul.f32 $1.024000000e+03, v29;
	v22 =	vtrunc.f32 v22  }
0x263: {  	[tilespmem:v32+s18+$0x0] =	vst.idx.add.s32.msk $0xffff, v12;
	v23 =	vadd.s32 v1, v23;
	v42 =	vmul.f32 $1.024000000e+03, v40;
	v48 =	vmul.f32 $1.024000000e+03, v43  }
0x264: {  	[tilespmem:v14+s18+$0x0] =	vst.idx.add.s32.msk $0xffff, v6;
	v28 =	vmin.f32 v28, $1.023000000e+03;
	v49 =	vcvt.f32.s32 v22;
	v52 =	vmin.f32 v21, $1.023000000e+03  }
0x265: {  	[tilespmem:v30+s18+$0x0] =	vst.idx.add.s32.msk $0xffff, v4;
	v41 =	vtrunc.f32 v28;
	v46 =	vmin.f32 v29, $1.023000000e+03;
	v47 =	vmin.f32 v42, $1.023000000e+03  }
0x266: {  	[tilespmem:v17+s18+$0x0] =	vst.idx.add.s32.msk $0xffff, v3;
	v12 =	vmin.f32 v48, $1.023000000e+03;
	v45 =	vcvt.f32.s32 v41;
	v14 =	vtrunc.f32 v46  }
0x267: {  	[tilespmem:v27+s18+$0x0] =	vst.idx.add.s32.msk $0xffff, v15;
	v3 =	vtrunc.f32 v47;
	v51 =	vadd.s32 v1, v49;
	v50 =	vcvt.f32.s32 v14  }
0x268: {  	[tilespmem:v31+s18+$0x0] =	vst.idx.add.s32.msk $0xffff, v18;
	v12 =	vtrunc.f32 v12;
	v3 =	vcvt.f32.s32 v3;
	v6 =	vadd.s32 v1, v45  }
0x269: {  	v54 =	vtrunc.f32 v52;
	[tilespmem:v11+s18+$0x0] =	vst.idx.add.s32.msk $0xffff, v26;
	v53 =	vcvt.f32.s32 v12;
	v4 =	vadd.s32 v1, v50  }
0x26a: {  	v55 =	vshll.u32 v9, $0x10;
	v56 =	vcvt.f32.s32 v54;
	[tilespmem:v23+s18+$0x0] =	vst.idx.add.s32.msk $0xffff, v10;
	v3 =	vadd.s32 v1, v3  }
0x26b: {  	v57 =	vshll.u32 v16, $0x10;
	v9 =	vor.u32 $0x1, v55;
	[tilespmem:v13+s18+$0x0] =	vst.idx.add.s32.msk $0xffff, v2;
	v2 =	vadd.s32 v1, v53  }
0x26c: {  	v58 =	vshll.u32 v19, $0x10;
	v12 =	vor.u32 $0x1, v57;
	v10 =	vadd.s32 v1, v56;
	[tilespmem:v51+s18+$0x0] =	vst.idx.add.s32.msk $0xffff, v9  }
0x26d: {  	v60 =	vshll.u32 v7, $0x10;
	v59 =	vor.u32 $0x1, v58;
	[tilespmem:v6+s18+$0x0] =	vst.idx.add.s32.msk $0xffff, v12  }
0x26e: {  	v61 =	vor.u32 $0x1, v60;
	[tilespmem:v4+s18+$0x0] =	vst.idx.add.s32.msk $0xffff, v59  }
0x26f: {  	s22 =	sadd.s32 $0x1, s22;
	v62 =	vshll.u32 v5, $0x10;
	v63 =	vor.u32 $0x1, v8;
	[tilespmem:v3+s18+$0x0] =	vst.idx.add.s32.msk $0xffff, v61  }
0x270: {  	p0 =	sne.s32 s22, s12;
	v3 =	vor.u32 $0x1, v62;
	[tilespmem:v2+s18+$0x0] =	vst.idx.add.s32.msk $0xffff, v63  }
.Ltmp5:
0x271: {  	[tilespmem:v10+s18+$0x0] =	vst.idx.add.s32.msk $0xffff, v3;
	(pc) =	sbr.rel @p0 .LBB2_1-.Ltmp5, $4  }
0x272: {  	[hbm4b:s11+s2] =	stream.linear.scatter [tilespmem:s18], [sflag:$0x5], $0x4000, $0x38;
	[tilespmem:$0x14000] =	vst v63  }
0x273: {  	_ =	swait.ge [sflag:s21], $0x4000  }
0x274: {  	[sflag:s21] =	ssyncset.done $0x0  }
0x275: {  	[sflag:s21] =	ssyncadd.s32 $0xFFFFC000  }
0x276: {  	_ =	sfence.sel $0x180000  }
0x277: {  	[bflag:$0x0] =	sbarrier.arrive $0xFFFF  }
0x278: {  	p0 =	sne.s32 s1, $0x0;
	_ =	strace $0x90000047  }
0x279: {  	s0 =	sadd.s32 @!p0 $0x100000, s0;
	[bflag:$0x2] =	sbarrier.arrive $0xFFFF  }
0x27a: {  	[sflag:s0] =	ssyncadd.tile.s32 @!p0 $0x1;
	_ =	shalt  }
.Lfunc_end2:
_tile_overlayer_lowered:
.L_overlay_start_2:
0x27b: {  	(tag) =	ssettag $0x2  }
0x27c: {  	s0 =	rddreg [dreg:$0x0];
	s2 =	stileid.u32  }
0x27d: {  	s1 =	rddreg [dreg:$0x1];
	p0 =	sne.s32 s2, $0x0  }
0x27e: {  	s3 =	rddreg [dreg:$0x2];
	[bflag:$0x3] =	sbarrier.arrive $0xFFFF;
	s2 =	simm.s32 @!p0 $0x1C05  }
0x27f: {  	[timem:s3], [sflag:s2] =	dma.local @!p0 [hbm:s0], s1  }
0x280: {  	s0 =	simm.s32 @!p0 $0x5  }
0x281: {  	_ =	swait.ge @!p0 [sflag:s0], s1  }
0x282: {  	s1 =	ssub.s32 @!p0 $0x0, s1;
	[sflag:s0] =	ssyncset.done @!p0 $0x0  }
0x283: {  	[sflag:s0] =	ssyncadd.s32 @!p0 s1  }
0x284: {  	[bflag:$0x3] =	sbarrier.arrive $0xFFFF  }
0x285: {  	_ =	shalt  }

</sc_bundles>
